<compile_context>
chip_gen: v7x
topology: tpu7x:2x2x1
jax: 0.10.2.dev20260603
libtpu: 0.0.44.dev20260713+nightly
codegen_flags: <defaults>
</compile_context>

<pallas_src>
import jax
import jax.numpy as jnp
from jax import lax
from jax.experimental import pallas as pl
from jax.experimental.pallas import tpu as pltpu
from jax.experimental.pallas import tpu_sc as plsc

NUM_QUERY = 4096
NUM_NEG = 128
D = 64
L = 16
GAMMA = 12.0
NW = 32
QPW = NUM_QUERY // NW
PAIR = 2 * D
PITCH = L + 1

E_ROWS = 1000000
WIN = 256
NWIN = E_ROWS // WIN
TAIL = E_ROWS - NWIN * WIN
TAIL_WORKER = NWIN % NW
TP = WIN + 1


def _tr_body(et_hbm, out_hbm, tbuf0, tbuf1, obuf0, obuf1, ttail, obufp,
             semi0, semi1, semo0, semo1):
    cid = lax.axis_index("c")
    sid = lax.axis_index("s")
    wid = sid * 2 + cid
    nk = (NWIN - wid + NW - 1) // NW

    rowsP_k = [(lax.iota(jnp.int32, L) + k * L) * TP for k in range(D // L)]

    def transpose_block(src, obuf, nent):
        @plsc.parallel_loop(0, D, step=1, unroll=4)
        def _d(d):
            for g in range(nent // L):
                obufp[pl.ds(d * TP + g * L, L)] = src[d, pl.ds(g * L, L)]

        @plsc.parallel_loop(0, nent, step=1, unroll=4)
        def _i(i):
            for k in range(D // L):
                obuf[pl.ds(i * D + k * L, L)] = plsc.load_gather(
                    obufp, [rowsP_k[k] + i])

    def ebase(k):
        c = wid + k * NW
        return pl.multiple_of(c * WIN, WIN)

    def issue_in(k, tbuf, sem):
        pltpu.async_copy(et_hbm.at[:, pl.ds(ebase(k), WIN)], tbuf, sem)

    @pl.when(nk > 0)
    def _():
        issue_in(0, tbuf0, semi0)

    @pl.when(nk > 1)
    def _():
        issue_in(1, tbuf1, semi1)

    def wait_in(tbuf, sem):
        pltpu.make_async_copy(et_hbm.at[:, pl.ds(0, WIN)], tbuf, sem).wait()

    def wait_out(obuf, sem):
        pltpu.make_async_copy(obuf, out_hbm.at[pl.ds(0, WIN * D)], sem).wait()

    def half(kk, tbuf, obuf, semi, semo):
        @pl.when(kk < nk)
        def _():
            wait_in(tbuf, semi)

            @pl.when(kk >= 2)
            def _():
                wait_out(obuf, semo)

            transpose_block(tbuf, obuf, WIN)
            pltpu.async_copy(obuf, out_hbm.at[pl.ds(ebase(kk) * D, WIN * D)],
                             semo)

            @pl.when(kk + 2 < nk)
            def _():
                issue_in(kk + 2, tbuf, semi)

    @pl.loop(0, NWIN // NW + 2, step=2)
    def _k(k):
        half(k, tbuf0, obuf0, semi0, semo0)
        half(k + 1, tbuf1, obuf1, semi1, semo1)

    @pl.when(nk > 0)
    def _():
        wait_out(obuf0, semo0)

    @pl.when(nk > 1)
    def _():
        wait_out(obuf1, semo1)

    @pl.when(wid == TAIL_WORKER)
    def _():
        pltpu.sync_copy(et_hbm.at[:, pl.ds(NWIN * WIN, TAIL)], ttail)
        transpose_block(ttail, obuf0, TAIL)
        pltpu.async_copy(obuf0.at[pl.ds(0, TAIL * D)],
                         out_hbm.at[pl.ds(NWIN * WIN * D, TAIL * D)], semo0)
        pltpu.make_async_copy(
            obuf0.at[pl.ds(0, TAIL * D)],
            out_hbm.at[pl.ds(0, TAIL * D)], semo0).wait()


@jax.jit
def _run_tr(et):
    mesh = plsc.VectorSubcoreMesh(core_axis_name="c", subcore_axis_name="s")
    f = pl.kernel(
        _tr_body,
        out_type=jax.ShapeDtypeStruct((E_ROWS * D,), jnp.float32),
        mesh=mesh,
        compiler_params=pltpu.CompilerParams(
            needs_layout_passes=False, use_tc_tiling_on_sc=True),
        scratch_types=[
            pltpu.VMEM((D, WIN), jnp.float32),
            pltpu.VMEM((D, WIN), jnp.float32),
            pltpu.VMEM((WIN * D,), jnp.float32),
            pltpu.VMEM((WIN * D,), jnp.float32),
            pltpu.VMEM((D, TAIL), jnp.float32),
            pltpu.VMEM((D * TP,), jnp.float32),
            pltpu.SemaphoreType.DMA,
            pltpu.SemaphoreType.DMA,
            pltpu.SemaphoreType.DMA,
            pltpu.SemaphoreType.DMA,
        ],
    )
    return f(et)


def _sc_body(x_hbm, emb_hbm, tgtrow_hbm, tgtoff_hbm, posrow_hbm, posoff_hbm,
             negrow_hbm, negoff_hbm,
             pos_out_hbm, neg_out_hbm,
             tgtrow_v, tgtoff_v, posrow_v, posoff_v, negrow_v, negoff_v,
             pred1, pos1, nbuf0, nbuf1, t1, tpos1, pos_out_v, neg_out_v,
             sem_a, sem_n0, sem_n1):
    cid = lax.axis_index("c")
    sid = lax.axis_index("s")
    wid = sid * 2 + cid
    base = wid * QPW

    pltpu.sync_copy(tgtrow_hbm.at[pl.ds(base, QPW)], tgtrow_v)
    pltpu.sync_copy(tgtoff_hbm.at[pl.ds(base, QPW)], tgtoff_v)
    pltpu.sync_copy(posrow_hbm.at[pl.ds(base, QPW)], posrow_v)
    pltpu.sync_copy(posoff_hbm.at[pl.ds(base, QPW)], posoff_v)
    pltpu.sync_copy(negrow_hbm.at[pl.ds(base, QPW)], negrow_v)
    pltpu.sync_copy(negoff_hbm.at[pl.ds(base, QPW)], negoff_v)

    def compact(offs_v, dst1):
        @plsc.parallel_loop(0, QPW // L, step=1)
        def _cp(g):
            offv = offs_v[pl.ds(g * L, L)]
            for i in range(L):
                q = g * L + i
                off = offv[i]
                for k in range(4):
                    dst1[pl.ds(q * D + k * L, L)] = (
                        nbuf0[q, pl.ds(off + k * L, L)])

    pltpu.async_copy(x_hbm.at[tgtrow_v], nbuf0, sem_a).wait()
    compact(tgtoff_v, pred1)
    pltpu.async_copy(emb_hbm.at[posrow_v], nbuf0, sem_a).wait()
    compact(posoff_v, pos1)

    pltpu.async_copy(emb_hbm.at[negrow_v.at[0]], nbuf0, sem_n0)
    pltpu.async_copy(emb_hbm.at[negrow_v.at[1]], nbuf1, sem_n1)

    def wait_nbuf(nbuf, sem):
        pltpu.make_async_copy(emb_hbm.at[pl.ds(0, NUM_NEG)], nbuf, sem).wait()

    iota = lax.iota(jnp.int32, L)
    ip = iota * PITCH

    def lane_reduce(tref, rows):
        vs = [plsc.load_gather(tref, [rows + c]) for c in range(L)]
        while len(vs) > 1:
            vs = [a + b for a, b in zip(vs[::2], vs[1::2])]
        return vs[0]

    def compute(q, nbuf):
        qd = q * D
        p0 = pred1[pl.ds(qd, L)]
        p1 = pred1[pl.ds(qd + L, L)]
        p2 = pred1[pl.ds(qd + 2 * L, L)]
        p3 = pred1[pl.ds(qd + 3 * L, L)]

        a = jnp.abs(pos1[pl.ds(qd, L)] - p0)
        a = a + jnp.abs(pos1[pl.ds(qd + L, L)] - p1)
        a = a + jnp.abs(pos1[pl.ds(qd + 2 * L, L)] - p2)
        a = a + jnp.abs(pos1[pl.ds(qd + 3 * L, L)] - p3)
        tpos1[pl.ds(q * PITCH, L)] = a

        @plsc.parallel_loop(0, NUM_NEG // L, step=1, unroll=2)
        def _grp(g):
            offv = negoff_v[q, pl.ds(g * L, L)]
            jg = g * L
            for i in range(L):
                on = offv[i]
                b = jnp.abs(nbuf[jg + i, pl.ds(on, L)] - p0)
                b = b + jnp.abs(nbuf[jg + i, pl.ds(on + L, L)] - p1)
                b = b + jnp.abs(nbuf[jg + i, pl.ds(on + 2 * L, L)] - p2)
                b = b + jnp.abs(nbuf[jg + i, pl.ds(on + 3 * L, L)] - p3)
                t1[pl.ds((jg + i) * PITCH, L)] = b
            neg_out_v[q, pl.ds(g * L, L)] = (
                GAMMA - lane_reduce(t1, g * L * PITCH + ip))

    @pl.loop(0, QPW, step=2)
    def _q(q):
        wait_nbuf(nbuf0, sem_n0)
        compute(q, nbuf0)

        @pl.when(q + 2 < QPW)
        def _():
            pltpu.async_copy(emb_hbm.at[negrow_v.at[q + 2]], nbuf0, sem_n0)

        wait_nbuf(nbuf1, sem_n1)
        compute(q + 1, nbuf1)

        @pl.when(q + 3 < QPW)
        def _():
            pltpu.async_copy(emb_hbm.at[negrow_v.at[q + 3]], nbuf1, sem_n1)

    for g in range(QPW // L):
        pos_out_v[pl.ds(g * L, L)] = (
            GAMMA - lane_reduce(tpos1, g * L * PITCH + ip))

    pltpu.sync_copy(pos_out_v, pos_out_hbm.at[pl.ds(base, QPW)])
    pltpu.sync_copy(neg_out_v, neg_out_hbm.at[pl.ds(base, QPW)])


@jax.jit
def _run(x2, e2, tgtrow, tgtoff, posrow, posoff, negrow, negoff):
    mesh = plsc.VectorSubcoreMesh(core_axis_name="c", subcore_axis_name="s")
    f = pl.kernel(
        _sc_body,
        out_type=(
            jax.ShapeDtypeStruct((NUM_QUERY,), jnp.float32),
            jax.ShapeDtypeStruct((NUM_QUERY, NUM_NEG), jnp.float32),
        ),
        mesh=mesh,
        compiler_params=pltpu.CompilerParams(
            needs_layout_passes=False, use_tc_tiling_on_sc=True),
        scratch_types=[
            pltpu.VMEM((QPW,), jnp.int32),
            pltpu.VMEM((QPW,), jnp.int32),
            pltpu.VMEM((QPW,), jnp.int32),
            pltpu.VMEM((QPW,), jnp.int32),
            pltpu.VMEM((QPW, NUM_NEG), jnp.int32),
            pltpu.VMEM((QPW, NUM_NEG), jnp.int32),
            pltpu.VMEM((QPW * D,), jnp.float32),
            pltpu.VMEM((QPW * D,), jnp.float32),
            pltpu.VMEM((NUM_NEG, PAIR), jnp.float32),
            pltpu.VMEM((NUM_NEG, PAIR), jnp.float32),
            pltpu.VMEM((NUM_NEG * PITCH + L,), jnp.float32),
            pltpu.VMEM((QPW * PITCH + L,), jnp.float32),
            pltpu.VMEM((QPW,), jnp.float32),
            pltpu.VMEM((QPW, NUM_NEG), jnp.float32),
            pltpu.SemaphoreType.DMA,
            pltpu.SemaphoreType.DMA,
            pltpu.SemaphoreType.DMA,
        ],
    )
    return f(x2, e2, tgtrow, tgtoff, posrow, posoff, negrow, negoff)


def kernel(x, entity_embedding, target_node_idxes, positive_samples,
           negative_samples):
    tgt = target_node_idxes.astype(jnp.int32)
    pos = positive_samples.astype(jnp.int32)
    neg = negative_samples.astype(jnp.int32)
    x2 = x.reshape(x.shape[0] // 2, PAIR)
    t1d = _run_tr(entity_embedding.T)
    e2 = t1d.reshape(E_ROWS // 2, PAIR)
    pos_logit, neg_logit = _run(
        x2, e2,
        tgt >> 1, (tgt & 1) * D,
        pos >> 1, (pos & 1) * D,
        neg >> 1, (neg & 1) * D,
    )
    return (pos_logit[:, None], neg_logit)

# --- scband reference (transcript-rebuilt; emitter-appended) ---
"""Pipeline reference for scband-vec-gnn-53558242181425 (READ-ONLY COPY).

The authoritative reference and input builder live on the scoring server;
editing this copy changes nothing except your own understanding.
"""

import jax, jax.numpy as jnp
import numpy as np

NUM_ENTITIES = 1000000
HIDDEN_DIM = 64
NUM_NODES = 16384
NUM_QUERY = 4096
NUM_NEG = 128
GAMMA = 12.0
EPSILON = 2.0
EMB_RANGE = (GAMMA + EPSILON) / HIDDEN_DIM


def setup_inputs(seed: int = 0) -> dict:
    key = jax.random.key(seed)
    k1, k2, k3, k4, k5 = jax.random.split(key, 5)
    x = jax.random.normal(k1, (NUM_NODES, HIDDEN_DIM), dtype=jnp.float32)
    target_node_idxes = jax.random.randint(k2, (NUM_QUERY,), 0, NUM_NODES, dtype=jnp.int64) if jax.config.jax_enable_x64 else jax.random.randint(k2, (NUM_QUERY,), 0, NUM_NODES, dtype=jnp.int32)
    positive_samples = jax.random.randint(k3, (NUM_QUERY,), 0, NUM_ENTITIES, dtype=jnp.int32)
    negative_samples = jax.random.randint(k4, (NUM_QUERY, NUM_NEG), 0, NUM_ENTITIES, dtype=jnp.int32)
    # learned parameter: entity embedding table, init uniform(-r, r) as in the module
    entity_embedding = jax.random.uniform(k5, (NUM_ENTITIES, HIDDEN_DIM), dtype=jnp.float32, minval=-EMB_RANGE, maxval=EMB_RANGE)
    return {
        "x": x,
        "entity_embedding": entity_embedding,
        "target_node_idxes": target_node_idxes,
        "positive_samples": positive_samples,
        "negative_samples": negative_samples,
    }


def reference(x, entity_embedding, target_node_idxes, positive_samples, negative_samples):
    # pred_embeddings = x[target_node_idxes].unsqueeze(1)
    pred_embeddings = jnp.take(x, target_node_idxes, axis=0)[:, None, :]
    # positive_embedding = entity_embedding(positive_samples).unsqueeze(1)
    positive_embedding = jnp.take(entity_embedding, positive_samples, axis=0)[:, None, :]
    # positive_logit = gamma - ||pos - pred||_1
    positive_logit = GAMMA - jnp.sum(jnp.abs(positive_embedding - pred_embeddings), axis=-1)
    # negative_embedding = entity_embedding(negative_samples)  [Q, NUM_NEG, D]
    negative_embedding = jnp.take(entity_embedding, negative_samples, axis=0)
    negative_logit = GAMMA - jnp.sum(jnp.abs(negative_embedding - pred_embeddings), axis=-1)
    return (positive_logit, negative_logit)

if __name__ == "__main__":
    import jax
    _d = setup_inputs()
    print(jax.jit(kernel)(*tuple(_d.values())))

</pallas_src>

<mosaic_0001>
#map = affine_map<(d0, d1) -> (0, 0)>
#map1 = affine_map<(d0, d1) -> (0)>
module attributes {stable_mosaic.version = 14 : i64} {
  func.func @_tr_body(%arg0: i32, %arg1: i32, %arg2: memref<64x1000000xf32, #tpu.memory_space<hbm>>, %arg3: memref<64000000xf32, #tpu.memory_space<hbm>>, %arg4: memref<64x256xf32, #tpu.memory_space<vmem>>, %arg5: memref<64x256xf32, #tpu.memory_space<vmem>>, %arg6: memref<16384xf32, #tpu.memory_space<vmem>>, %arg7: memref<16384xf32, #tpu.memory_space<vmem>>, %arg8: memref<64x64xf32, #tpu.memory_space<vmem>>, %arg9: memref<16448xf32, #tpu.memory_space<vmem>>, %arg10: memref<!tpu.dma_semaphore, #tpu.memory_space<semaphore_mem>>, %arg11: memref<!tpu.dma_semaphore, #tpu.memory_space<semaphore_mem>>, %arg12: memref<!tpu.dma_semaphore, #tpu.memory_space<semaphore_mem>>, %arg13: memref<!tpu.dma_semaphore, #tpu.memory_space<semaphore_mem>>) attributes {dimension_semantics = [#tpu.dimension_semantics<core_parallel>, #tpu.dimension_semantics<subcore_parallel>], iteration_bounds = array<i64: 2, 16>, scalar_prefetch = 0 : i64, scratch_operands = 10 : i64, tpu.core_type = #tpu.core_type<sc_vector_subcore>, window_params = [{transform_indices = #map}, {transform_indices = #map1}]} {
    %mul3A = arith.constant 2 : i32
    %mul3A_0 = arith.muli %arg1, %mul3A : i32
    %add3A = arith.addi %mul3A_0, %arg0 : i32
    %sub3A = arith.constant 3906 : i32
    %sub3A_1 = arith.subi %sub3A, %add3A : i32
    %add3A_2 = arith.constant 32 : i32
    %add3A_3 = arith.addi %sub3A_1, %add3A_2 : i32
    %sub3A_4 = arith.constant 1 : i32
    %sub3A_5 = arith.subi %add3A_3, %sub3A_4 : i32
    %jit3A = arith.constant 32 : i32
    %div3A = arith.divsi %sub3A_5, %jit3A : i32
    %sign3A = arith.constant 0 : i32
    %sign3A_6 = arith.cmpi sgt, %sub3A_5, %sign3A : i32
    %sign3A_7 = arith.extui %sign3A_6 : i1 to i32
    %sign3A_8 = arith.constant 0 : i32
    %sign3A_9 = arith.cmpi slt, %sub3A_5, %sign3A_8 : i32
    %sign3A_10 = arith.extui %sign3A_9 : i1 to i32
    %sign3A_11 = arith.subi %sign3A_7, %sign3A_10 : i32
    %sign3A_12 = arith.constant 0 : i32
    %sign3A_13 = arith.cmpi sgt, %jit3A, %sign3A_12 : i32
    %sign3A_14 = arith.extui %sign3A_13 : i1 to i32
    %sign3A_15 = arith.constant 0 : i32
    %sign3A_16 = arith.cmpi slt, %jit3A, %sign3A_15 : i32
    %sign3A_17 = arith.extui %sign3A_16 : i1 to i32
    %sign3A_18 = arith.subi %sign3A_14, %sign3A_17 : i32
    %ne3A = arith.cmpi ne, %sign3A_11, %sign3A_18 : i32
    %rem3A = arith.remsi %sub3A_5, %jit3A : i32
    %ne3A_19 = arith.constant 0 : i32
    %ne3A_20 = arith.cmpi ne, %rem3A, %ne3A_19 : i32
    %and3A = arith.andi %ne3A, %ne3A_20 : i1
    %sub3A_21 = arith.constant 1 : i32
    %sub3A_22 = arith.subi %div3A, %sub3A_21 : i32
    %select_n3A = arith.select %and3A, %sub3A_22, %div3A : i32
    %iota3A = tpu.iota {dimensions = array<i32: 0>} : vector<16xi32>
    %add3A_23 = arith.constant 0 : i32
    %add3A_24 = vector.broadcast %add3A_23 : i32 to vector<16xi32>
    %add3A_25 = arith.addi %iota3A, %add3A_24 : vector<16xi32>
    %mul3A_26 = arith.constant 257 : i32
    %mul3A_27 = vector.broadcast %mul3A_26 : i32 to vector<16xi32>
    %mul3A_28 = arith.muli %add3A_25, %mul3A_27 : vector<16xi32>
    %iota3A_29 = tpu.iota {dimensions = array<i32: 0>} : vector<16xi32>
    %add3A_30 = arith.constant 16 : i32
    %add3A_31 = vector.broadcast %add3A_30 : i32 to vector<16xi32>
    %add3A_32 = arith.addi %iota3A_29, %add3A_31 : vector<16xi32>
    %mul3A_33 = arith.constant 257 : i32
    %mul3A_34 = vector.broadcast %mul3A_33 : i32 to vector<16xi32>
    %mul3A_35 = arith.muli %add3A_32, %mul3A_34 : vector<16xi32>
    %iota3A_36 = tpu.iota {dimensions = array<i32: 0>} : vector<16xi32>
    %add3A_37 = arith.constant 32 : i32
    %add3A_38 = vector.broadcast %add3A_37 : i32 to vector<16xi32>
    %add3A_39 = arith.addi %iota3A_36, %add3A_38 : vector<16xi32>
    %mul3A_40 = arith.constant 257 : i32
    %mul3A_41 = vector.broadcast %mul3A_40 : i32 to vector<16xi32>
    %mul3A_42 = arith.muli %add3A_39, %mul3A_41 : vector<16xi32>
    %iota3A_43 = tpu.iota {dimensions = array<i32: 0>} : vector<16xi32>
    %add3A_44 = arith.constant 48 : i32
    %add3A_45 = vector.broadcast %add3A_44 : i32 to vector<16xi32>
    %add3A_46 = arith.addi %iota3A_43, %add3A_45 : vector<16xi32>
    %mul3A_47 = arith.constant 257 : i32
    %mul3A_48 = vector.broadcast %mul3A_47 : i32 to vector<16xi32>
    %mul3A_49 = arith.muli %add3A_46, %mul3A_48 : vector<16xi32>
    %gt3A = arith.constant 0 : i32
    %gt3A_50 = arith.cmpi sgt, %select_n3A, %gt3A : i32
    %convert_element_type3A = arith.extui %gt3A_50 : i1 to i32
    %cond3A = arith.constant 0 : i32
    %cond3A_51 = arith.cmpi ne, %convert_element_type3A, %cond3A : i32
    scf.if %cond3A_51 {
      %add3A_75 = arith.constant 0 : i32
      %add3A_76 = arith.addi %add3A, %add3A_75 : i32
      %mul3A_77 = arith.constant 256 : i32
      %mul3A_78 = arith.muli %add3A_76, %mul3A_77 : i32
      %multiple_of3A = tpu.assume_multiple %mul3A_78, 256 : i32
      %dma_start3A = arith.constant 0 : i32
      %dma_start3A_79 = tpu.memref_slice %arg2[%dma_start3A, %multiple_of3A] : memref<64x1000000xf32, #tpu.memory_space<hbm>> -> memref<64x256xf32, #tpu.memory_space<hbm>>
      %dma_start3A_80 = arith.constant 0 : i32
      %dma_start3A_81 = tpu.memref_slice %arg2[%dma_start3A_80, %multiple_of3A] : memref<64x1000000xf32, #tpu.memory_space<hbm>> -> memref<64x256xf32, #tpu.memory_space<hbm>>
      tpu.enqueue_dma source(%dma_start3A_81 : memref<64x256xf32, #tpu.memory_space<hbm>>) target(%arg4 : memref<64x256xf32, #tpu.memory_space<vmem>>) target_semaphore(%arg10 : memref<!tpu.dma_semaphore, #tpu.memory_space<semaphore_mem>>)
    } else {
    }
    %gt3A_52 = arith.constant 1 : i32
    %gt3A_53 = arith.cmpi sgt, %select_n3A, %gt3A_52 : i32
    %convert_element_type3A_54 = arith.extui %gt3A_53 : i1 to i32
    %cond3A_55 = arith.constant 0 : i32
    %cond3A_56 = arith.cmpi ne, %convert_element_type3A_54, %cond3A_55 : i32
    scf.if %cond3A_56 {
      %add3A_75 = arith.constant 32 : i32
      %add3A_76 = arith.addi %add3A, %add3A_75 : i32
      %mul3A_77 = arith.constant 256 : i32
      %mul3A_78 = arith.muli %add3A_76, %mul3A_77 : i32
      %multiple_of3A = tpu.assume_multiple %mul3A_78, 256 : i32
      %dma_start3A = arith.constant 0 : i32
      %dma_start3A_79 = tpu.memref_slice %arg2[%dma_start3A, %multiple_of3A] : memref<64x1000000xf32, #tpu.memory_space<hbm>> -> memref<64x256xf32, #tpu.memory_space<hbm>>
      %dma_start3A_80 = arith.constant 0 : i32
      %dma_start3A_81 = tpu.memref_slice %arg2[%dma_start3A_80, %multiple_of3A] : memref<64x1000000xf32, #tpu.memory_space<hbm>> -> memref<64x256xf32, #tpu.memory_space<hbm>>
      tpu.enqueue_dma source(%dma_start3A_81 : memref<64x256xf32, #tpu.memory_space<hbm>>) target(%arg5 : memref<64x256xf32, #tpu.memory_space<vmem>>) target_semaphore(%arg11 : memref<!tpu.dma_semaphore, #tpu.memory_space<semaphore_mem>>)
    } else {
    }
    %scan3A = arith.constant 0 : i32
    %scan3A_57 = arith.constant 62 : i32
    %scan3A_58 = arith.addi %scan3A, %scan3A_57 : i32
    %scan3A_59 = arith.constant 1 : i32
    scf.for %scan3A_75 = %scan3A to %scan3A_58 step %scan3A_59  : i32 {
      %mul3A_76 = arith.constant 2 : i32
      %mul3A_77 = arith.muli %scan3A_75, %mul3A_76 : i32
      %add3A_78 = arith.constant 0 : i32
      %add3A_79 = arith.addi %add3A_78, %mul3A_77 : i32
      %lt3A = arith.cmpi slt, %add3A_79, %select_n3A : i32
      %convert_element_type3A_80 = arith.extui %lt3A : i1 to i32
      %cond3A_81 = arith.constant 0 : i32
      %cond3A_82 = arith.cmpi ne, %convert_element_type3A_80, %cond3A_81 : i32
      scf.if %cond3A_82 {
        %dma_wait3A = arith.constant 0 : i32
        %dma_wait3A_89 = arith.constant 0 : i32
        %dma_wait3A_90 = tpu.memref_slice %arg2[%dma_wait3A, %dma_wait3A_89] : memref<64x1000000xf32, #tpu.memory_space<hbm>> -> memref<64x256xf32, #tpu.memory_space<hbm>>
        %dma_wait3A_91 = arith.constant 0 : i32
        %dma_wait3A_92 = arith.constant 0 : i32
        %dma_wait3A_93 = tpu.memref_slice %arg2[%dma_wait3A_91, %dma_wait3A_92] : memref<64x1000000xf32, #tpu.memory_space<hbm>> -> memref<64x256xf32, #tpu.memory_space<hbm>>
        tpu.wait_dma2 semaphore(%arg10 : memref<!tpu.dma_semaphore, #tpu.memory_space<semaphore_mem>>) src(%dma_wait3A_93 : memref<64x256xf32, #tpu.memory_space<hbm>>) dst(%arg4 : memref<64x256xf32, #tpu.memory_space<vmem>>)
        %ge3A = arith.constant 2 : i32
        %ge3A_94 = arith.cmpi sge, %add3A_79, %ge3A : i32
        %convert_element_type3A_95 = arith.extui %ge3A_94 : i1 to i32
        %cond3A_96 = arith.constant 0 : i32
        %cond3A_97 = arith.cmpi ne, %convert_element_type3A_95, %cond3A_96 : i32
        scf.if %cond3A_97 {
          %dma_wait3A_117 = arith.constant 0 : i32
          %dma_wait3A_118 = tpu.memref_slice %arg3[%dma_wait3A_117] : memref<64000000xf32, #tpu.memory_space<hbm>> -> memref<16384xf32, #tpu.memory_space<hbm>>
          %dma_wait3A_119 = arith.constant 0 : i32
          %dma_wait3A_120 = tpu.memref_slice %arg3[%dma_wait3A_119] : memref<64000000xf32, #tpu.memory_space<hbm>> -> memref<16384xf32, #tpu.memory_space<hbm>>
          tpu.wait_dma2 semaphore(%arg12 : memref<!tpu.dma_semaphore, #tpu.memory_space<semaphore_mem>>) src(%arg6 : memref<16384xf32, #tpu.memory_space<vmem>>) dst(%dma_wait3A_120 : memref<16384xf32, #tpu.memory_space<hbm>>)
        } else {
        }
        %parallel_loop3A = arith.constant 0 : i32
        %parallel_loop3A_98 = arith.constant 64 : i32
        %parallel_loop3A_99 = arith.constant 1 : i32
        scf.for %parallel_loop3A_117 = %parallel_loop3A to %parallel_loop3A_98 step %parallel_loop3A_99  : i32 {
          %parallel_loop3A_118 = arith.index_cast %parallel_loop3A_117 : i32 to index
          %parallel_loop3A_119 = arith.constant 0 : index
          %parallel_loop3A_120 = tpu.vector_load %arg4[%parallel_loop3A_118, %parallel_loop3A_119] {strides = array<i32>} : memref<64x256xf32, #tpu.memory_space<vmem>>, vector<16xf32>,
          %parallel_loop3A_121 = arith.constant 257 : i32
          %parallel_loop3A_122 = arith.muli %parallel_loop3A_117, %parallel_loop3A_121 : i32
          %parallel_loop3A_123 = arith.constant 0 : i32
          %parallel_loop3A_124 = arith.addi %parallel_loop3A_122, %parallel_loop3A_123 : i32
          %parallel_loop3A_125 = arith.index_cast %parallel_loop3A_124 : i32 to index
          %parallel_loop3A_126 = tpu.vector_load %arg9[%parallel_loop3A_125] {strides = array<i32>} : memref<16448xf32, #tpu.memory_space<vmem>>, vector<16xf32>,
          tpu.vector_store %arg9[%parallel_loop3A_125], %parallel_loop3A_120 {strides = array<i32>} : memref<16448xf32, #tpu.memory_space<vmem>>, vector<16xf32>,
          %parallel_loop3A_127 = arith.index_cast %parallel_loop3A_117 : i32 to index
          %parallel_loop3A_128 = arith.constant 16 : index
          %parallel_loop3A_129 = tpu.vector_load %arg4[%parallel_loop3A_127, %parallel_loop3A_128] {strides = array<i32>} : memref<64x256xf32, #tpu.memory_space<vmem>>, vector<16xf32>,
          %parallel_loop3A_130 = arith.constant 257 : i32
          %parallel_loop3A_131 = arith.muli %parallel_loop3A_117, %parallel_loop3A_130 : i32
          %parallel_loop3A_132 = arith.constant 16 : i32
          %parallel_loop3A_133 = arith.addi %parallel_loop3A_131, %parallel_loop3A_132 : i32
          %parallel_loop3A_134 = arith.index_cast %parallel_loop3A_133 : i32 to index
          %parallel_loop3A_135 = tpu.vector_load %arg9[%parallel_loop3A_134] {strides = array<i32>} : memref<16448xf32, #tpu.memory_space<vmem>>, vector<16xf32>,
          tpu.vector_store %arg9[%parallel_loop3A_134], %parallel_loop3A_129 {strides = array<i32>} : memref<16448xf32, #tpu.memory_space<vmem>>, vector<16xf32>,
          %parallel_loop3A_136 = arith.index_cast %parallel_loop3A_117 : i32 to index
          %parallel_loop3A_137 = arith.constant 32 : index
          %parallel_loop3A_138 = tpu.vector_load %arg4[%parallel_loop3A_136, %parallel_loop3A_137] {strides = array<i32>} : memref<64x256xf32, #tpu.memory_space<vmem>>, vector<16xf32>,
          %parallel_loop3A_139 = arith.constant 257 : i32
          %parallel_loop3A_140 = arith.muli %parallel_loop3A_117, %parallel_loop3A_139 : i32
          %parallel_loop3A_141 = arith.constant 32 : i32
          %parallel_loop3A_142 = arith.addi %parallel_loop3A_140, %parallel_loop3A_141 : i32
          %parallel_loop3A_143 = arith.index_cast %parallel_loop3A_142 : i32 to index
          %parallel_loop3A_144 = tpu.vector_load %arg9[%parallel_loop3A_143] {strides = array<i32>} : memref<16448xf32, #tpu.memory_space<vmem>>, vector<16xf32>,
          tpu.vector_store %arg9[%parallel_loop3A_143], %parallel_loop3A_138 {strides = array<i32>} : memref<16448xf32, #tpu.memory_space<vmem>>, vector<16xf32>,
          %parallel_loop3A_145 = arith.index_cast %parallel_loop3A_117 : i32 to index
          %parallel_loop3A_146 = arith.constant 48 : index
          %parallel_loop3A_147 = tpu.vector_load %arg4[%parallel_loop3A_145, %parallel_loop3A_146] {strides = array<i32>} : memref<64x256xf32, #tpu.memory_space<vmem>>, vector<16xf32>,
          %parallel_loop3A_148 = arith.constant 257 : i32
          %parallel_loop3A_149 = arith.muli %parallel_loop3A_117, %parallel_loop3A_148 : i32
          %parallel_loop3A_150 = arith.constant 48 : i32
          %parallel_loop3A_151 = arith.addi %parallel_loop3A_149, %parallel_loop3A_150 : i32
          %parallel_loop3A_152 = arith.index_cast %parallel_loop3A_151 : i32 to index
          %parallel_loop3A_153 = tpu.vector_load %arg9[%parallel_loop3A_152] {strides = array<i32>} : memref<16448xf32, #tpu.memory_space<vmem>>, vector<16xf32>,
          tpu.vector_store %arg9[%parallel_loop3A_152], %parallel_loop3A_147 {strides = array<i32>} : memref<16448xf32, #tpu.memory_space<vmem>>, vector<16xf32>,
          %parallel_loop3A_154 = arith.index_cast %parallel_loop3A_117 : i32 to index
          %parallel_loop3A_155 = arith.constant 64 : index
          %parallel_loop3A_156 = tpu.vector_load %arg4[%parallel_loop3A_154, %parallel_loop3A_155] {strides = array<i32>} : memref<64x256xf32, #tpu.memory_space<vmem>>, vector<16xf32>,
          %parallel_loop3A_157 = arith.constant 257 : i32
          %parallel_loop3A_158 = arith.muli %parallel_loop3A_117, %parallel_loop3A_157 : i32
          %parallel_loop3A_159 = arith.constant 64 : i32
          %parallel_loop3A_160 = arith.addi %parallel_loop3A_158, %parallel_loop3A_159 : i32
          %parallel_loop3A_161 = arith.index_cast %parallel_loop3A_160 : i32 to index
          %parallel_loop3A_162 = tpu.vector_load %arg9[%parallel_loop3A_161] {strides = array<i32>} : memref<16448xf32, #tpu.memory_space<vmem>>, vector<16xf32>,
          tpu.vector_store %arg9[%parallel_loop3A_161], %parallel_loop3A_156 {strides = array<i32>} : memref<16448xf32, #tpu.memory_space<vmem>>, vector<16xf32>,
          %parallel_loop3A_163 = arith.index_cast %parallel_loop3A_117 : i32 to index
          %parallel_loop3A_164 = arith.constant 80 : index
          %parallel_loop3A_165 = tpu.vector_load %arg4[%parallel_loop3A_163, %parallel_loop3A_164] {strides = array<i32>} : memref<64x256xf32, #tpu.memory_space<vmem>>, vector<16xf32>,
          %parallel_loop3A_166 = arith.constant 257 : i32
          %parallel_loop3A_167 = arith.muli %parallel_loop3A_117, %parallel_loop3A_166 : i32
          %parallel_loop3A_168 = arith.constant 80 : i32
          %parallel_loop3A_169 = arith.addi %parallel_loop3A_167, %parallel_loop3A_168 : i32
          %parallel_loop3A_170 = arith.index_cast %parallel_loop3A_169 : i32 to index
          %parallel_loop3A_171 = tpu.vector_load %arg9[%parallel_loop3A_170] {strides = array<i32>} : memref<16448xf32, #tpu.memory_space<vmem>>, vector<16xf32>,
          tpu.vector_store %arg9[%parallel_loop3A_170], %parallel_loop3A_165 {strides = array<i32>} : memref<16448xf32, #tpu.memory_space<vmem>>, vector<16xf32>,
          %parallel_loop3A_172 = arith.index_cast %parallel_loop3A_117 : i32 to index
          %parallel_loop3A_173 = arith.constant 96 : index
          %parallel_loop3A_174 = tpu.vector_load %arg4[%parallel_loop3A_172, %parallel_loop3A_173] {strides = array<i32>} : memref<64x256xf32, #tpu.memory_space<vmem>>, vector<16xf32>,
          %parallel_loop3A_175 = arith.constant 257 : i32
          %parallel_loop3A_176 = arith.muli %parallel_loop3A_117, %parallel_loop3A_175 : i32
          %parallel_loop3A_177 = arith.constant 96 : i32
          %parallel_loop3A_178 = arith.addi %parallel_loop3A_176, %parallel_loop3A_177 : i32
          %parallel_loop3A_179 = arith.index_cast %parallel_loop3A_178 : i32 to index
          %parallel_loop3A_180 = tpu.vector_load %arg9[%parallel_loop3A_179] {strides = array<i32>} : memref<16448xf32, #tpu.memory_space<vmem>>, vector<16xf32>,
          tpu.vector_store %arg9[%parallel_loop3A_179], %parallel_loop3A_174 {strides = array<i32>} : memref<16448xf32, #tpu.memory_space<vmem>>, vector<16xf32>,
          %parallel_loop3A_181 = arith.index_cast %parallel_loop3A_117 : i32 to index
          %parallel_loop3A_182 = arith.constant 112 : index
          %parallel_loop3A_183 = tpu.vector_load %arg4[%parallel_loop3A_181, %parallel_loop3A_182] {strides = array<i32>} : memref<64x256xf32, #tpu.memory_space<vmem>>, vector<16xf32>,
          %parallel_loop3A_184 = arith.constant 257 : i32
          %parallel_loop3A_185 = arith.muli %parallel_loop3A_117, %parallel_loop3A_184 : i32
          %parallel_loop3A_186 = arith.constant 112 : i32
          %parallel_loop3A_187 = arith.addi %parallel_loop3A_185, %parallel_loop3A_186 : i32
          %parallel_loop3A_188 = arith.index_cast %parallel_loop3A_187 : i32 to index
          %parallel_loop3A_189 = tpu.vector_load %arg9[%parallel_loop3A_188] {strides = array<i32>} : memref<16448xf32, #tpu.memory_space<vmem>>, vector<16xf32>,
          tpu.vector_store %arg9[%parallel_loop3A_188], %parallel_loop3A_183 {strides = array<i32>} : memref<16448xf32, #tpu.memory_space<vmem>>, vector<16xf32>,
          %parallel_loop3A_190 = arith.index_cast %parallel_loop3A_117 : i32 to index
          %parallel_loop3A_191 = arith.constant 128 : index
          %parallel_loop3A_192 = tpu.vector_load %arg4[%parallel_loop3A_190, %parallel_loop3A_191] {strides = array<i32>} : memref<64x256xf32, #tpu.memory_space<vmem>>, vector<16xf32>,
          %parallel_loop3A_193 = arith.constant 257 : i32
          %parallel_loop3A_194 = arith.muli %parallel_loop3A_117, %parallel_loop3A_193 : i32
          %parallel_loop3A_195 = arith.constant 128 : i32
          %parallel_loop3A_196 = arith.addi %parallel_loop3A_194, %parallel_loop3A_195 : i32
          %parallel_loop3A_197 = arith.index_cast %parallel_loop3A_196 : i32 to index
          %parallel_loop3A_198 = tpu.vector_load %arg9[%parallel_loop3A_197] {strides = array<i32>} : memref<16448xf32, #tpu.memory_space<vmem>>, vector<16xf32>,
          tpu.vector_store %arg9[%parallel_loop3A_197], %parallel_loop3A_192 {strides = array<i32>} : memref<16448xf32, #tpu.memory_space<vmem>>, vector<16xf32>,
          %parallel_loop3A_199 = arith.index_cast %parallel_loop3A_117 : i32 to index
          %parallel_loop3A_200 = arith.constant 144 : index
          %parallel_loop3A_201 = tpu.vector_load %arg4[%parallel_loop3A_199, %parallel_loop3A_200] {strides = array<i32>} : memref<64x256xf32, #tpu.memory_space<vmem>>, vector<16xf32>,
          %parallel_loop3A_202 = arith.constant 257 : i32
          %parallel_loop3A_203 = arith.muli %parallel_loop3A_117, %parallel_loop3A_202 : i32
          %parallel_loop3A_204 = arith.constant 144 : i32
          %parallel_loop3A_205 = arith.addi %parallel_loop3A_203, %parallel_loop3A_204 : i32
          %parallel_loop3A_206 = arith.index_cast %parallel_loop3A_205 : i32 to index
          %parallel_loop3A_207 = tpu.vector_load %arg9[%parallel_loop3A_206] {strides = array<i32>} : memref<16448xf32, #tpu.memory_space<vmem>>, vector<16xf32>,
          tpu.vector_store %arg9[%parallel_loop3A_206], %parallel_loop3A_201 {strides = array<i32>} : memref<16448xf32, #tpu.memory_space<vmem>>, vector<16xf32>,
          %parallel_loop3A_208 = arith.index_cast %parallel_loop3A_117 : i32 to index
          %parallel_loop3A_209 = arith.constant 160 : index
          %parallel_loop3A_210 = tpu.vector_load %arg4[%parallel_loop3A_208, %parallel_loop3A_209] {strides = array<i32>} : memref<64x256xf32, #tpu.memory_space<vmem>>, vector<16xf32>,
          %parallel_loop3A_211 = arith.constant 257 : i32
          %parallel_loop3A_212 = arith.muli %parallel_loop3A_117, %parallel_loop3A_211 : i32
          %parallel_loop3A_213 = arith.constant 160 : i32
          %parallel_loop3A_214 = arith.addi %parallel_loop3A_212, %parallel_loop3A_213 : i32
          %parallel_loop3A_215 = arith.index_cast %parallel_loop3A_214 : i32 to index
          %parallel_loop3A_216 = tpu.vector_load %arg9[%parallel_loop3A_215] {strides = array<i32>} : memref<16448xf32, #tpu.memory_space<vmem>>, vector<16xf32>,
          tpu.vector_store %arg9[%parallel_loop3A_215], %parallel_loop3A_210 {strides = array<i32>} : memref<16448xf32, #tpu.memory_space<vmem>>, vector<16xf32>,
          %parallel_loop3A_217 = arith.index_cast %parallel_loop3A_117 : i32 to index
          %parallel_loop3A_218 = arith.constant 176 : index
          %parallel_loop3A_219 = tpu.vector_load %arg4[%parallel_loop3A_217, %parallel_loop3A_218] {strides = array<i32>} : memref<64x256xf32, #tpu.memory_space<vmem>>, vector<16xf32>,
          %parallel_loop3A_220 = arith.constant 257 : i32
          %parallel_loop3A_221 = arith.muli %parallel_loop3A_117, %parallel_loop3A_220 : i32
          %parallel_loop3A_222 = arith.constant 176 : i32
          %parallel_loop3A_223 = arith.addi %parallel_loop3A_221, %parallel_loop3A_222 : i32
          %parallel_loop3A_224 = arith.index_cast %parallel_loop3A_223 : i32 to index
          %parallel_loop3A_225 = tpu.vector_load %arg9[%parallel_loop3A_224] {strides = array<i32>} : memref<16448xf32, #tpu.memory_space<vmem>>, vector<16xf32>,
          tpu.vector_store %arg9[%parallel_loop3A_224], %parallel_loop3A_219 {strides = array<i32>} : memref<16448xf32, #tpu.memory_space<vmem>>, vector<16xf32>,
          %parallel_loop3A_226 = arith.index_cast %parallel_loop3A_117 : i32 to index
          %parallel_loop3A_227 = arith.constant 192 : index
          %parallel_loop3A_228 = tpu.vector_load %arg4[%parallel_loop3A_226, %parallel_loop3A_227] {strides = array<i32>} : memref<64x256xf32, #tpu.memory_space<vmem>>, vector<16xf32>,
          %parallel_loop3A_229 = arith.constant 257 : i32
          %parallel_loop3A_230 = arith.muli %parallel_loop3A_117, %parallel_loop3A_229 : i32
          %parallel_loop3A_231 = arith.constant 192 : i32
          %parallel_loop3A_232 = arith.addi %parallel_loop3A_230, %parallel_loop3A_231 : i32
          %parallel_loop3A_233 = arith.index_cast %parallel_loop3A_232 : i32 to index
          %parallel_loop3A_234 = tpu.vector_load %arg9[%parallel_loop3A_233] {strides = array<i32>} : memref<16448xf32, #tpu.memory_space<vmem>>, vector<16xf32>,
          tpu.vector_store %arg9[%parallel_loop3A_233], %parallel_loop3A_228 {strides = array<i32>} : memref<16448xf32, #tpu.memory_space<vmem>>, vector<16xf32>,
          %parallel_loop3A_235 = arith.index_cast %parallel_loop3A_117 : i32 to index
          %parallel_loop3A_236 = arith.constant 208 : index
          %parallel_loop3A_237 = tpu.vector_load %arg4[%parallel_loop3A_235, %parallel_loop3A_236] {strides = array<i32>} : memref<64x256xf32, #tpu.memory_space<vmem>>, vector<16xf32>,
          %parallel_loop3A_238 = arith.constant 257 : i32
          %parallel_loop3A_239 = arith.muli %parallel_loop3A_117, %parallel_loop3A_238 : i32
          %parallel_loop3A_240 = arith.constant 208 : i32
          %parallel_loop3A_241 = arith.addi %parallel_loop3A_239, %parallel_loop3A_240 : i32
          %parallel_loop3A_242 = arith.index_cast %parallel_loop3A_241 : i32 to index
          %parallel_loop3A_243 = tpu.vector_load %arg9[%parallel_loop3A_242] {strides = array<i32>} : memref<16448xf32, #tpu.memory_space<vmem>>, vector<16xf32>,
          tpu.vector_store %arg9[%parallel_loop3A_242], %parallel_loop3A_237 {strides = array<i32>} : memref<16448xf32, #tpu.memory_space<vmem>>, vector<16xf32>,
          %parallel_loop3A_244 = arith.index_cast %parallel_loop3A_117 : i32 to index
          %parallel_loop3A_245 = arith.constant 224 : index
          %parallel_loop3A_246 = tpu.vector_load %arg4[%parallel_loop3A_244, %parallel_loop3A_245] {strides = array<i32>} : memref<64x256xf32, #tpu.memory_space<vmem>>, vector<16xf32>,
          %parallel_loop3A_247 = arith.constant 257 : i32
          %parallel_loop3A_248 = arith.muli %parallel_loop3A_117, %parallel_loop3A_247 : i32
          %parallel_loop3A_249 = arith.constant 224 : i32
          %parallel_loop3A_250 = arith.addi %parallel_loop3A_248, %parallel_loop3A_249 : i32
          %parallel_loop3A_251 = arith.index_cast %parallel_loop3A_250 : i32 to index
          %parallel_loop3A_252 = tpu.vector_load %arg9[%parallel_loop3A_251] {strides = array<i32>} : memref<16448xf32, #tpu.memory_space<vmem>>, vector<16xf32>,
          tpu.vector_store %arg9[%parallel_loop3A_251], %parallel_loop3A_246 {strides = array<i32>} : memref<16448xf32, #tpu.memory_space<vmem>>, vector<16xf32>,
          %parallel_loop3A_253 = arith.index_cast %parallel_loop3A_117 : i32 to index
          %parallel_loop3A_254 = arith.constant 240 : index
          %parallel_loop3A_255 = tpu.vector_load %arg4[%parallel_loop3A_253, %parallel_loop3A_254] {strides = array<i32>} : memref<64x256xf32, #tpu.memory_space<vmem>>, vector<16xf32>,
          %parallel_loop3A_256 = arith.constant 257 : i32
          %parallel_loop3A_257 = arith.muli %parallel_loop3A_117, %parallel_loop3A_256 : i32
          %parallel_loop3A_258 = arith.constant 240 : i32
          %parallel_loop3A_259 = arith.addi %parallel_loop3A_257, %parallel_loop3A_258 : i32
          %parallel_loop3A_260 = arith.index_cast %parallel_loop3A_259 : i32 to index
          %parallel_loop3A_261 = tpu.vector_load %arg9[%parallel_loop3A_260] {strides = array<i32>} : memref<16448xf32, #tpu.memory_space<vmem>>, vector<16xf32>,
          tpu.vector_store %arg9[%parallel_loop3A_260], %parallel_loop3A_255 {strides = array<i32>} : memref<16448xf32, #tpu.memory_space<vmem>>, vector<16xf32>,
        } {sc.loop_unroll_factor = 4 : i64, sc.parallel_access}
        %parallel_loop3A_100 = arith.constant 0 : i32
        %parallel_loop3A_101 = arith.constant 256 : i32
        %parallel_loop3A_102 = arith.constant 1 : i32
        scf.for %parallel_loop3A_117 = %parallel_loop3A_100 to %parallel_loop3A_101 step %parallel_loop3A_102  : i32 {
          %parallel_loop3A_118 = vector.broadcast %parallel_loop3A_117 : i32 to vector<16xi32>
          %parallel_loop3A_119 = arith.addi %mul3A_28, %parallel_loop3A_118 : vector<16xi32>
          %parallel_loop3A_120 = tpu.vector_load_idx %arg9[%parallel_loop3A_119] : memref<16448xf32, #tpu.memory_space<vmem>>[vector<16xi32>], vector<16xf32>,
          %parallel_loop3A_121 = arith.constant 64 : i32
          %parallel_loop3A_122 = arith.muli %parallel_loop3A_117, %parallel_loop3A_121 : i32
          %parallel_loop3A_123 = arith.constant 0 : i32
          %parallel_loop3A_124 = arith.addi %parallel_loop3A_122, %parallel_loop3A_123 : i32
          %parallel_loop3A_125 = arith.index_cast %parallel_loop3A_124 : i32 to index
          %parallel_loop3A_126 = tpu.vector_load %arg6[%parallel_loop3A_125] {strides = array<i32>} : memref<16384xf32, #tpu.memory_space<vmem>>, vector<16xf32>,
          tpu.vector_store %arg6[%parallel_loop3A_125], %parallel_loop3A_120 {strides = array<i32>} : memref<16384xf32, #tpu.memory_space<vmem>>, vector<16xf32>,
          %parallel_loop3A_127 = vector.broadcast %parallel_loop3A_117 : i32 to vector<16xi32>
          %parallel_loop3A_128 = arith.addi %mul3A_35, %parallel_loop3A_127 : vector<16xi32>
          %parallel_loop3A_129 = tpu.vector_load_idx %arg9[%parallel_loop3A_128] : memref<16448xf32, #tpu.memory_space<vmem>>[vector<16xi32>], vector<16xf32>,
          %parallel_loop3A_130 = arith.constant 64 : i32
          %parallel_loop3A_131 = arith.muli %parallel_loop3A_117, %parallel_loop3A_130 : i32
          %parallel_loop3A_132 = arith.constant 16 : i32
          %parallel_loop3A_133 = arith.addi %parallel_loop3A_131, %parallel_loop3A_132 : i32
          %parallel_loop3A_134 = arith.index_cast %parallel_loop3A_133 : i32 to index
          %parallel_loop3A_135 = tpu.vector_load %arg6[%parallel_loop3A_134] {strides = array<i32>} : memref<16384xf32, #tpu.memory_space<vmem>>, vector<16xf32>,
          tpu.vector_store %arg6[%parallel_loop3A_134], %parallel_loop3A_129 {strides = array<i32>} : memref<16384xf32, #tpu.memory_space<vmem>>, vector<16xf32>,
          %parallel_loop3A_136 = vector.broadcast %parallel_loop3A_117 : i32 to vector<16xi32>
          %parallel_loop3A_137 = arith.addi %mul3A_42, %parallel_loop3A_136 : vector<16xi32>
          %parallel_loop3A_138 = tpu.vector_load_idx %arg9[%parallel_loop3A_137] : memref<16448xf32, #tpu.memory_space<vmem>>[vector<16xi32>], vector<16xf32>,
          %parallel_loop3A_139 = arith.constant 64 : i32
          %parallel_loop3A_140 = arith.muli %parallel_loop3A_117, %parallel_loop3A_139 : i32
          %parallel_loop3A_141 = arith.constant 32 : i32
          %parallel_loop3A_142 = arith.addi %parallel_loop3A_140, %parallel_loop3A_141 : i32
          %parallel_loop3A_143 = arith.index_cast %parallel_loop3A_142 : i32 to index
          %parallel_loop3A_144 = tpu.vector_load %arg6[%parallel_loop3A_143] {strides = array<i32>} : memref<16384xf32, #tpu.memory_space<vmem>>, vector<16xf32>,
          tpu.vector_store %arg6[%parallel_loop3A_143], %parallel_loop3A_138 {strides = array<i32>} : memref<16384xf32, #tpu.memory_space<vmem>>, vector<16xf32>,
          %parallel_loop3A_145 = vector.broadcast %parallel_loop3A_117 : i32 to vector<16xi32>
          %parallel_loop3A_146 = arith.addi %mul3A_49, %parallel_loop3A_145 : vector<16xi32>
          %parallel_loop3A_147 = tpu.vector_load_idx %arg9[%parallel_loop3A_146] : memref<16448xf32, #tpu.memory_space<vmem>>[vector<16xi32>], vector<16xf32>,
          %parallel_loop3A_148 = arith.constant 64 : i32
          %parallel_loop3A_149 = arith.muli %parallel_loop3A_117, %parallel_loop3A_148 : i32
          %parallel_loop3A_150 = arith.constant 48 : i32
          %parallel_loop3A_151 = arith.addi %parallel_loop3A_149, %parallel_loop3A_150 : i32
          %parallel_loop3A_152 = arith.index_cast %parallel_loop3A_151 : i32 to index
          %parallel_loop3A_153 = tpu.vector_load %arg6[%parallel_loop3A_152] {strides = array<i32>} : memref<16384xf32, #tpu.memory_space<vmem>>, vector<16xf32>,
          tpu.vector_store %arg6[%parallel_loop3A_152], %parallel_loop3A_147 {strides = array<i32>} : memref<16384xf32, #tpu.memory_space<vmem>>, vector<16xf32>,
        } {sc.loop_unroll_factor = 4 : i64, sc.parallel_access}
        %mul3A_103 = arith.constant 32 : i32
        %mul3A_104 = arith.muli %add3A_79, %mul3A_103 : i32
        %add3A_105 = arith.addi %add3A, %mul3A_104 : i32
        %mul3A_106 = arith.constant 256 : i32
        %mul3A_107 = arith.muli %add3A_105, %mul3A_106 : i32
        %multiple_of3A = tpu.assume_multiple %mul3A_107, 256 : i32
        %mul3A_108 = arith.constant 64 : i32
        %mul3A_109 = arith.muli %multiple_of3A, %mul3A_108 : i32
        %dma_start3A = tpu.memref_slice %arg3[%mul3A_109] : memref<64000000xf32, #tpu.memory_space<hbm>> -> memref<16384xf32, #tpu.memory_space<hbm>>
        %dma_start3A_110 = tpu.memref_slice %arg3[%mul3A_109] : memref<64000000xf32, #tpu.memory_space<hbm>> -> memref<16384xf32, #tpu.memory_space<hbm>>
        tpu.enqueue_dma source(%arg6 : memref<16384xf32, #tpu.memory_space<vmem>>) target(%dma_start3A_110 : memref<16384xf32, #tpu.memory_space<hbm>>) target_semaphore(%arg12 : memref<!tpu.dma_semaphore, #tpu.memory_space<semaphore_mem>>)
        %add3A_111 = arith.constant 2 : i32
        %add3A_112 = arith.addi %add3A_79, %add3A_111 : i32
        %lt3A_113 = arith.cmpi slt, %add3A_112, %select_n3A : i32
        %convert_element_type3A_114 = arith.extui %lt3A_113 : i1 to i32
        %cond3A_115 = arith.constant 0 : i32
        %cond3A_116 = arith.cmpi ne, %convert_element_type3A_114, %cond3A_115 : i32
        scf.if %cond3A_116 {
          %add3A_117 = arith.constant 2 : i32
          %add3A_118 = arith.addi %add3A_79, %add3A_117 : i32
          %mul3A_119 = arith.constant 32 : i32
          %mul3A_120 = arith.muli %add3A_118, %mul3A_119 : i32
          %add3A_121 = arith.addi %add3A, %mul3A_120 : i32
          %mul3A_122 = arith.constant 256 : i32
          %mul3A_123 = arith.muli %add3A_121, %mul3A_122 : i32
          %multiple_of3A_124 = tpu.assume_multiple %mul3A_123, 256 : i32
          %dma_start3A_125 = arith.constant 0 : i32
          %dma_start3A_126 = tpu.memref_slice %arg2[%dma_start3A_125, %multiple_of3A_124] : memref<64x1000000xf32, #tpu.memory_space<hbm>> -> memref<64x256xf32, #tpu.memory_space<hbm>>
          %dma_start3A_127 = arith.constant 0 : i32
          %dma_start3A_128 = tpu.memref_slice %arg2[%dma_start3A_127, %multiple_of3A_124] : memref<64x1000000xf32, #tpu.memory_space<hbm>> -> memref<64x256xf32, #tpu.memory_space<hbm>>
          tpu.enqueue_dma source(%dma_start3A_128 : memref<64x256xf32, #tpu.memory_space<hbm>>) target(%arg4 : memref<64x256xf32, #tpu.memory_space<vmem>>) target_semaphore(%arg10 : memref<!tpu.dma_semaphore, #tpu.memory_space<semaphore_mem>>)
        } else {
        }
      } else {
      }
      %add3A_83 = arith.constant 1 : i32
      %add3A_84 = arith.addi %add3A_79, %add3A_83 : i32
      %lt3A_85 = arith.cmpi slt, %add3A_84, %select_n3A : i32
      %convert_element_type3A_86 = arith.extui %lt3A_85 : i1 to i32
      %cond3A_87 = arith.constant 0 : i32
      %cond3A_88 = arith.cmpi ne, %convert_element_type3A_86, %cond3A_87 : i32
      scf.if %cond3A_88 {
        %dma_wait3A = arith.constant 0 : i32
        %dma_wait3A_89 = arith.constant 0 : i32
        %dma_wait3A_90 = tpu.memref_slice %arg2[%dma_wait3A, %dma_wait3A_89] : memref<64x1000000xf32, #tpu.memory_space<hbm>> -> memref<64x256xf32, #tpu.memory_space<hbm>>
        %dma_wait3A_91 = arith.constant 0 : i32
        %dma_wait3A_92 = arith.constant 0 : i32
        %dma_wait3A_93 = tpu.memref_slice %arg2[%dma_wait3A_91, %dma_wait3A_92] : memref<64x1000000xf32, #tpu.memory_space<hbm>> -> memref<64x256xf32, #tpu.memory_space<hbm>>
        tpu.wait_dma2 semaphore(%arg11 : memref<!tpu.dma_semaphore, #tpu.memory_space<semaphore_mem>>) src(%dma_wait3A_93 : memref<64x256xf32, #tpu.memory_space<hbm>>) dst(%arg5 : memref<64x256xf32, #tpu.memory_space<vmem>>)
        %ge3A = arith.constant 2 : i32
        %ge3A_94 = arith.cmpi sge, %add3A_84, %ge3A : i32
        %convert_element_type3A_95 = arith.extui %ge3A_94 : i1 to i32
        %cond3A_96 = arith.constant 0 : i32
        %cond3A_97 = arith.cmpi ne, %convert_element_type3A_95, %cond3A_96 : i32
        scf.if %cond3A_97 {
          %dma_wait3A_117 = arith.constant 0 : i32
          %dma_wait3A_118 = tpu.memref_slice %arg3[%dma_wait3A_117] : memref<64000000xf32, #tpu.memory_space<hbm>> -> memref<16384xf32, #tpu.memory_space<hbm>>
          %dma_wait3A_119 = arith.constant 0 : i32
          %dma_wait3A_120 = tpu.memref_slice %arg3[%dma_wait3A_119] : memref<64000000xf32, #tpu.memory_space<hbm>> -> memref<16384xf32, #tpu.memory_space<hbm>>
          tpu.wait_dma2 semaphore(%arg13 : memref<!tpu.dma_semaphore, #tpu.memory_space<semaphore_mem>>) src(%arg7 : memref<16384xf32, #tpu.memory_space<vmem>>) dst(%dma_wait3A_120 : memref<16384xf32, #tpu.memory_space<hbm>>)
        } else {
        }
        %parallel_loop3A = arith.constant 0 : i32
        %parallel_loop3A_98 = arith.constant 64 : i32
        %parallel_loop3A_99 = arith.constant 1 : i32
        scf.for %parallel_loop3A_117 = %parallel_loop3A to %parallel_loop3A_98 step %parallel_loop3A_99  : i32 {
          %parallel_loop3A_118 = arith.index_cast %parallel_loop3A_117 : i32 to index
          %parallel_loop3A_119 = arith.constant 0 : index
          %parallel_loop3A_120 = tpu.vector_load %arg5[%parallel_loop3A_118, %parallel_loop3A_119] {strides = array<i32>} : memref<64x256xf32, #tpu.memory_space<vmem>>, vector<16xf32>,
          %parallel_loop3A_121 = arith.constant 257 : i32
          %parallel_loop3A_122 = arith.muli %parallel_loop3A_117, %parallel_loop3A_121 : i32
          %parallel_loop3A_123 = arith.constant 0 : i32
          %parallel_loop3A_124 = arith.addi %parallel_loop3A_122, %parallel_loop3A_123 : i32
          %parallel_loop3A_125 = arith.index_cast %parallel_loop3A_124 : i32 to index
          %parallel_loop3A_126 = tpu.vector_load %arg9[%parallel_loop3A_125] {strides = array<i32>} : memref<16448xf32, #tpu.memory_space<vmem>>, vector<16xf32>,
          tpu.vector_store %arg9[%parallel_loop3A_125], %parallel_loop3A_120 {strides = array<i32>} : memref<16448xf32, #tpu.memory_space<vmem>>, vector<16xf32>,
          %parallel_loop3A_127 = arith.index_cast %parallel_loop3A_117 : i32 to index
          %parallel_loop3A_128 = arith.constant 16 : index
          %parallel_loop3A_129 = tpu.vector_load %arg5[%parallel_loop3A_127, %parallel_loop3A_128] {strides = array<i32>} : memref<64x256xf32, #tpu.memory_space<vmem>>, vector<16xf32>,
          %parallel_loop3A_130 = arith.constant 257 : i32
          %parallel_loop3A_131 = arith.muli %parallel_loop3A_117, %parallel_loop3A_130 : i32
          %parallel_loop3A_132 = arith.constant 16 : i32
          %parallel_loop3A_133 = arith.addi %parallel_loop3A_131, %parallel_loop3A_132 : i32
          %parallel_loop3A_134 = arith.index_cast %parallel_loop3A_133 : i32 to index
          %parallel_loop3A_135 = tpu.vector_load %arg9[%parallel_loop3A_134] {strides = array<i32>} : memref<16448xf32, #tpu.memory_space<vmem>>, vector<16xf32>,
          tpu.vector_store %arg9[%parallel_loop3A_134], %parallel_loop3A_129 {strides = array<i32>} : memref<16448xf32, #tpu.memory_space<vmem>>, vector<16xf32>,
          %parallel_loop3A_136 = arith.index_cast %parallel_loop3A_117 : i32 to index
          %parallel_loop3A_137 = arith.constant 32 : index
          %parallel_loop3A_138 = tpu.vector_load %arg5[%parallel_loop3A_136, %parallel_loop3A_137] {strides = array<i32>} : memref<64x256xf32, #tpu.memory_space<vmem>>, vector<16xf32>,
          %parallel_loop3A_139 = arith.constant 257 : i32
          %parallel_loop3A_140 = arith.muli %parallel_loop3A_117, %parallel_loop3A_139 : i32
          %parallel_loop3A_141 = arith.constant 32 : i32
          %parallel_loop3A_142 = arith.addi %parallel_loop3A_140, %parallel_loop3A_141 : i32
          %parallel_loop3A_143 = arith.index_cast %parallel_loop3A_142 : i32 to index
          %parallel_loop3A_144 = tpu.vector_load %arg9[%parallel_loop3A_143] {strides = array<i32>} : memref<16448xf32, #tpu.memory_space<vmem>>, vector<16xf32>,
          tpu.vector_store %arg9[%parallel_loop3A_143], %parallel_loop3A_138 {strides = array<i32>} : memref<16448xf32, #tpu.memory_space<vmem>>, vector<16xf32>,
          %parallel_loop3A_145 = arith.index_cast %parallel_loop3A_117 : i32 to index
          %parallel_loop3A_146 = arith.constant 48 : index
          %parallel_loop3A_147 = tpu.vector_load %arg5[%parallel_loop3A_145, %parallel_loop3A_146] {strides = array<i32>} : memref<64x256xf32, #tpu.memory_space<vmem>>, vector<16xf32>,
          %parallel_loop3A_148 = arith.constant 257 : i32
          %parallel_loop3A_149 = arith.muli %parallel_loop3A_117, %parallel_loop3A_148 : i32
          %parallel_loop3A_150 = arith.constant 48 : i32
          %parallel_loop3A_151 = arith.addi %parallel_loop3A_149, %parallel_loop3A_150 : i32
          %parallel_loop3A_152 = arith.index_cast %parallel_loop3A_151 : i32 to index
          %parallel_loop3A_153 = tpu.vector_load %arg9[%parallel_loop3A_152] {strides = array<i32>} : memref<16448xf32, #tpu.memory_space<vmem>>, vector<16xf32>,
          tpu.vector_store %arg9[%parallel_loop3A_152], %parallel_loop3A_147 {strides = array<i32>} : memref<16448xf32, #tpu.memory_space<vmem>>, vector<16xf32>,
          %parallel_loop3A_154 = arith.index_cast %parallel_loop3A_117 : i32 to index
          %parallel_loop3A_155 = arith.constant 64 : index
          %parallel_loop3A_156 = tpu.vector_load %arg5[%parallel_loop3A_154, %parallel_loop3A_155] {strides = array<i32>} : memref<64x256xf32, #tpu.memory_space<vmem>>, vector<16xf32>,
          %parallel_loop3A_157 = arith.constant 257 : i32
          %parallel_loop3A_158 = arith.muli %parallel_loop3A_117, %parallel_loop3A_157 : i32
          %parallel_loop3A_159 = arith.constant 64 : i32
          %parallel_loop3A_160 = arith.addi %parallel_loop3A_158, %parallel_loop3A_159 : i32
          %parallel_loop3A_161 = arith.index_cast %parallel_loop3A_160 : i32 to index
          %parallel_loop3A_162 = tpu.vector_load %arg9[%parallel_loop3A_161] {strides = array<i32>} : memref<16448xf32, #tpu.memory_space<vmem>>, vector<16xf32>,
          tpu.vector_store %arg9[%parallel_loop3A_161], %parallel_loop3A_156 {strides = array<i32>} : memref<16448xf32, #tpu.memory_space<vmem>>, vector<16xf32>,
          %parallel_loop3A_163 = arith.index_cast %parallel_loop3A_117 : i32 to index
          %parallel_loop3A_164 = arith.constant 80 : index
          %parallel_loop3A_165 = tpu.vector_load %arg5[%parallel_loop3A_163, %parallel_loop3A_164] {strides = array<i32>} : memref<64x256xf32, #tpu.memory_space<vmem>>, vector<16xf32>,
          %parallel_loop3A_166 = arith.constant 257 : i32
          %parallel_loop3A_167 = arith.muli %parallel_loop3A_117, %parallel_loop3A_166 : i32
          %parallel_loop3A_168 = arith.constant 80 : i32
          %parallel_loop3A_169 = arith.addi %parallel_loop3A_167, %parallel_loop3A_168 : i32
          %parallel_loop3A_170 = arith.index_cast %parallel_loop3A_169 : i32 to index
          %parallel_loop3A_171 = tpu.vector_load %arg9[%parallel_loop3A_170] {strides = array<i32>} : memref<16448xf32, #tpu.memory_space<vmem>>, vector<16xf32>,
          tpu.vector_store %arg9[%parallel_loop3A_170], %parallel_loop3A_165 {strides = array<i32>} : memref<16448xf32, #tpu.memory_space<vmem>>, vector<16xf32>,
          %parallel_loop3A_172 = arith.index_cast %parallel_loop3A_117 : i32 to index
          %parallel_loop3A_173 = arith.constant 96 : index
          %parallel_loop3A_174 = tpu.vector_load %arg5[%parallel_loop3A_172, %parallel_loop3A_173] {strides = array<i32>} : memref<64x256xf32, #tpu.memory_space<vmem>>, vector<16xf32>,
          %parallel_loop3A_175 = arith.constant 257 : i32
          %parallel_loop3A_176 = arith.muli %parallel_loop3A_117, %parallel_loop3A_175 : i32
          %parallel_loop3A_177 = arith.constant 96 : i32
          %parallel_loop3A_178 = arith.addi %parallel_loop3A_176, %parallel_loop3A_177 : i32
          %parallel_loop3A_179 = arith.index_cast %parallel_loop3A_178 : i32 to index
          %parallel_loop3A_180 = tpu.vector_load %arg9[%parallel_loop3A_179] {strides = array<i32>} : memref<16448xf32, #tpu.memory_space<vmem>>, vector<16xf32>,
          tpu.vector_store %arg9[%parallel_loop3A_179], %parallel_loop3A_174 {strides = array<i32>} : memref<16448xf32, #tpu.memory_space<vmem>>, vector<16xf32>,
          %parallel_loop3A_181 = arith.index_cast %parallel_loop3A_117 : i32 to index
          %parallel_loop3A_182 = arith.constant 112 : index
          %parallel_loop3A_183 = tpu.vector_load %arg5[%parallel_loop3A_181, %parallel_loop3A_182] {strides = array<i32>} : memref<64x256xf32, #tpu.memory_space<vmem>>, vector<16xf32>,
          %parallel_loop3A_184 = arith.constant 257 : i32
          %parallel_loop3A_185 = arith.muli %parallel_loop3A_117, %parallel_loop3A_184 : i32
          %parallel_loop3A_186 = arith.constant 112 : i32
          %parallel_loop3A_187 = arith.addi %parallel_loop3A_185, %parallel_loop3A_186 : i32
          %parallel_loop3A_188 = arith.index_cast %parallel_loop3A_187 : i32 to index
          %parallel_loop3A_189 = tpu.vector_load %arg9[%parallel_loop3A_188] {strides = array<i32>} : memref<16448xf32, #tpu.memory_space<vmem>>, vector<16xf32>,
          tpu.vector_store %arg9[%parallel_loop3A_188], %parallel_loop3A_183 {strides = array<i32>} : memref<16448xf32, #tpu.memory_space<vmem>>, vector<16xf32>,
          %parallel_loop3A_190 = arith.index_cast %parallel_loop3A_117 : i32 to index
          %parallel_loop3A_191 = arith.constant 128 : index
          %parallel_loop3A_192 = tpu.vector_load %arg5[%parallel_loop3A_190, %parallel_loop3A_191] {strides = array<i32>} : memref<64x256xf32, #tpu.memory_space<vmem>>, vector<16xf32>,
          %parallel_loop3A_193 = arith.constant 257 : i32
          %parallel_loop3A_194 = arith.muli %parallel_loop3A_117, %parallel_loop3A_193 : i32
          %parallel_loop3A_195 = arith.constant 128 : i32
          %parallel_loop3A_196 = arith.addi %parallel_loop3A_194, %parallel_loop3A_195 : i32
          %parallel_loop3A_197 = arith.index_cast %parallel_loop3A_196 : i32 to index
          %parallel_loop3A_198 = tpu.vector_load %arg9[%parallel_loop3A_197] {strides = array<i32>} : memref<16448xf32, #tpu.memory_space<vmem>>, vector<16xf32>,
          tpu.vector_store %arg9[%parallel_loop3A_197], %parallel_loop3A_192 {strides = array<i32>} : memref<16448xf32, #tpu.memory_space<vmem>>, vector<16xf32>,
          %parallel_loop3A_199 = arith.index_cast %parallel_loop3A_117 : i32 to index
          %parallel_loop3A_200 = arith.constant 144 : index
          %parallel_loop3A_201 = tpu.vector_load %arg5[%parallel_loop3A_199, %parallel_loop3A_200] {strides = array<i32>} : memref<64x256xf32, #tpu.memory_space<vmem>>, vector<16xf32>,
          %parallel_loop3A_202 = arith.constant 257 : i32
          %parallel_loop3A_203 = arith.muli %parallel_loop3A_117, %parallel_loop3A_202 : i32
          %parallel_loop3A_204 = arith.constant 144 : i32
          %parallel_loop3A_205 = arith.addi %parallel_loop3A_203, %parallel_loop3A_204 : i32
          %parallel_loop3A_206 = arith.index_cast %parallel_loop3A_205 : i32 to index
          %parallel_loop3A_207 = tpu.vector_load %arg9[%parallel_loop3A_206] {strides = array<i32>} : memref<16448xf32, #tpu.memory_space<vmem>>, vector<16xf32>,
          tpu.vector_store %arg9[%parallel_loop3A_206], %parallel_loop3A_201 {strides = array<i32>} : memref<16448xf32, #tpu.memory_space<vmem>>, vector<16xf32>,
          %parallel_loop3A_208 = arith.index_cast %parallel_loop3A_117 : i32 to index
          %parallel_loop3A_209 = arith.constant 160 : index
          %parallel_loop3A_210 = tpu.vector_load %arg5[%parallel_loop3A_208, %parallel_loop3A_209] {strides = array<i32>} : memref<64x256xf32, #tpu.memory_space<vmem>>, vector<16xf32>,
          %parallel_loop3A_211 = arith.constant 257 : i32
          %parallel_loop3A_212 = arith.muli %parallel_loop3A_117, %parallel_loop3A_211 : i32
          %parallel_loop3A_213 = arith.constant 160 : i32
          %parallel_loop3A_214 = arith.addi %parallel_loop3A_212, %parallel_loop3A_213 : i32
          %parallel_loop3A_215 = arith.index_cast %parallel_loop3A_214 : i32 to index
          %parallel_loop3A_216 = tpu.vector_load %arg9[%parallel_loop3A_215] {strides = array<i32>} : memref<16448xf32, #tpu.memory_space<vmem>>, vector<16xf32>,
          tpu.vector_store %arg9[%parallel_loop3A_215], %parallel_loop3A_210 {strides = array<i32>} : memref<16448xf32, #tpu.memory_space<vmem>>, vector<16xf32>,
          %parallel_loop3A_217 = arith.index_cast %parallel_loop3A_117 : i32 to index
          %parallel_loop3A_218 = arith.constant 176 : index
          %parallel_loop3A_219 = tpu.vector_load %arg5[%parallel_loop3A_217, %parallel_loop3A_218] {strides = array<i32>} : memref<64x256xf32, #tpu.memory_space<vmem>>, vector<16xf32>,
          %parallel_loop3A_220 = arith.constant 257 : i32
          %parallel_loop3A_221 = arith.muli %parallel_loop3A_117, %parallel_loop3A_220 : i32
          %parallel_loop3A_222 = arith.constant 176 : i32
          %parallel_loop3A_223 = arith.addi %parallel_loop3A_221, %parallel_loop3A_222 : i32
          %parallel_loop3A_224 = arith.index_cast %parallel_loop3A_223 : i32 to index
          %parallel_loop3A_225 = tpu.vector_load %arg9[%parallel_loop3A_224] {strides = array<i32>} : memref<16448xf32, #tpu.memory_space<vmem>>, vector<16xf32>,
          tpu.vector_store %arg9[%parallel_loop3A_224], %parallel_loop3A_219 {strides = array<i32>} : memref<16448xf32, #tpu.memory_space<vmem>>, vector<16xf32>,
          %parallel_loop3A_226 = arith.index_cast %parallel_loop3A_117 : i32 to index
          %parallel_loop3A_227 = arith.constant 192 : index
          %parallel_loop3A_228 = tpu.vector_load %arg5[%parallel_loop3A_226, %parallel_loop3A_227] {strides = array<i32>} : memref<64x256xf32, #tpu.memory_space<vmem>>, vector<16xf32>,
          %parallel_loop3A_229 = arith.constant 257 : i32
          %parallel_loop3A_230 = arith.muli %parallel_loop3A_117, %parallel_loop3A_229 : i32
          %parallel_loop3A_231 = arith.constant 192 : i32
          %parallel_loop3A_232 = arith.addi %parallel_loop3A_230, %parallel_loop3A_231 : i32
          %parallel_loop3A_233 = arith.index_cast %parallel_loop3A_232 : i32 to index
          %parallel_loop3A_234 = tpu.vector_load %arg9[%parallel_loop3A_233] {strides = array<i32>} : memref<16448xf32, #tpu.memory_space<vmem>>, vector<16xf32>,
          tpu.vector_store %arg9[%parallel_loop3A_233], %parallel_loop3A_228 {strides = array<i32>} : memref<16448xf32, #tpu.memory_space<vmem>>, vector<16xf32>,
          %parallel_loop3A_235 = arith.index_cast %parallel_loop3A_117 : i32 to index
          %parallel_loop3A_236 = arith.constant 208 : index
          %parallel_loop3A_237 = tpu.vector_load %arg5[%parallel_loop3A_235, %parallel_loop3A_236] {strides = array<i32>} : memref<64x256xf32, #tpu.memory_space<vmem>>, vector<16xf32>,
          %parallel_loop3A_238 = arith.constant 257 : i32
          %parallel_loop3A_239 = arith.muli %parallel_loop3A_117, %parallel_loop3A_238 : i32
          %parallel_loop3A_240 = arith.constant 208 : i32
          %parallel_loop3A_241 = arith.addi %parallel_loop3A_239, %parallel_loop3A_240 : i32
          %parallel_loop3A_242 = arith.index_cast %parallel_loop3A_241 : i32 to index
          %parallel_loop3A_243 = tpu.vector_load %arg9[%parallel_loop3A_242] {strides = array<i32>} : memref<16448xf32, #tpu.memory_space<vmem>>, vector<16xf32>,
          tpu.vector_store %arg9[%parallel_loop3A_242], %parallel_loop3A_237 {strides = array<i32>} : memref<16448xf32, #tpu.memory_space<vmem>>, vector<16xf32>,
          %parallel_loop3A_244 = arith.index_cast %parallel_loop3A_117 : i32 to index
          %parallel_loop3A_245 = arith.constant 224 : index
          %parallel_loop3A_246 = tpu.vector_load %arg5[%parallel_loop3A_244, %parallel_loop3A_245] {strides = array<i32>} : memref<64x256xf32, #tpu.memory_space<vmem>>, vector<16xf32>,
          %parallel_loop3A_247 = arith.constant 257 : i32
          %parallel_loop3A_248 = arith.muli %parallel_loop3A_117, %parallel_loop3A_247 : i32
          %parallel_loop3A_249 = arith.constant 224 : i32
          %parallel_loop3A_250 = arith.addi %parallel_loop3A_248, %parallel_loop3A_249 : i32
          %parallel_loop3A_251 = arith.index_cast %parallel_loop3A_250 : i32 to index
          %parallel_loop3A_252 = tpu.vector_load %arg9[%parallel_loop3A_251] {strides = array<i32>} : memref<16448xf32, #tpu.memory_space<vmem>>, vector<16xf32>,
          tpu.vector_store %arg9[%parallel_loop3A_251], %parallel_loop3A_246 {strides = array<i32>} : memref<16448xf32, #tpu.memory_space<vmem>>, vector<16xf32>,
          %parallel_loop3A_253 = arith.index_cast %parallel_loop3A_117 : i32 to index
          %parallel_loop3A_254 = arith.constant 240 : index
          %parallel_loop3A_255 = tpu.vector_load %arg5[%parallel_loop3A_253, %parallel_loop3A_254] {strides = array<i32>} : memref<64x256xf32, #tpu.memory_space<vmem>>, vector<16xf32>,
          %parallel_loop3A_256 = arith.constant 257 : i32
          %parallel_loop3A_257 = arith.muli %parallel_loop3A_117, %parallel_loop3A_256 : i32
          %parallel_loop3A_258 = arith.constant 240 : i32
          %parallel_loop3A_259 = arith.addi %parallel_loop3A_257, %parallel_loop3A_258 : i32
          %parallel_loop3A_260 = arith.index_cast %parallel_loop3A_259 : i32 to index
          %parallel_loop3A_261 = tpu.vector_load %arg9[%parallel_loop3A_260] {strides = array<i32>} : memref<16448xf32, #tpu.memory_space<vmem>>, vector<16xf32>,
          tpu.vector_store %arg9[%parallel_loop3A_260], %parallel_loop3A_255 {strides = array<i32>} : memref<16448xf32, #tpu.memory_space<vmem>>, vector<16xf32>,
        } {sc.loop_unroll_factor = 4 : i64, sc.parallel_access}
        %parallel_loop3A_100 = arith.constant 0 : i32
        %parallel_loop3A_101 = arith.constant 256 : i32
        %parallel_loop3A_102 = arith.constant 1 : i32
        scf.for %parallel_loop3A_117 = %parallel_loop3A_100 to %parallel_loop3A_101 step %parallel_loop3A_102  : i32 {
          %parallel_loop3A_118 = vector.broadcast %parallel_loop3A_117 : i32 to vector<16xi32>
          %parallel_loop3A_119 = arith.addi %mul3A_28, %parallel_loop3A_118 : vector<16xi32>
          %parallel_loop3A_120 = tpu.vector_load_idx %arg9[%parallel_loop3A_119] : memref<16448xf32, #tpu.memory_space<vmem>>[vector<16xi32>], vector<16xf32>,
          %parallel_loop3A_121 = arith.constant 64 : i32
          %parallel_loop3A_122 = arith.muli %parallel_loop3A_117, %parallel_loop3A_121 : i32
          %parallel_loop3A_123 = arith.constant 0 : i32
          %parallel_loop3A_124 = arith.addi %parallel_loop3A_122, %parallel_loop3A_123 : i32
          %parallel_loop3A_125 = arith.index_cast %parallel_loop3A_124 : i32 to index
          %parallel_loop3A_126 = tpu.vector_load %arg7[%parallel_loop3A_125] {strides = array<i32>} : memref<16384xf32, #tpu.memory_space<vmem>>, vector<16xf32>,
          tpu.vector_store %arg7[%parallel_loop3A_125], %parallel_loop3A_120 {strides = array<i32>} : memref<16384xf32, #tpu.memory_space<vmem>>, vector<16xf32>,
          %parallel_loop3A_127 = vector.broadcast %parallel_loop3A_117 : i32 to vector<16xi32>
          %parallel_loop3A_128 = arith.addi %mul3A_35, %parallel_loop3A_127 : vector<16xi32>
          %parallel_loop3A_129 = tpu.vector_load_idx %arg9[%parallel_loop3A_128] : memref<16448xf32, #tpu.memory_space<vmem>>[vector<16xi32>], vector<16xf32>,
          %parallel_loop3A_130 = arith.constant 64 : i32
          %parallel_loop3A_131 = arith.muli %parallel_loop3A_117, %parallel_loop3A_130 : i32
          %parallel_loop3A_132 = arith.constant 16 : i32
          %parallel_loop3A_133 = arith.addi %parallel_loop3A_131, %parallel_loop3A_132 : i32
          %parallel_loop3A_134 = arith.index_cast %parallel_loop3A_133 : i32 to index
          %parallel_loop3A_135 = tpu.vector_load %arg7[%parallel_loop3A_134] {strides = array<i32>} : memref<16384xf32, #tpu.memory_space<vmem>>, vector<16xf32>,
          tpu.vector_store %arg7[%parallel_loop3A_134], %parallel_loop3A_129 {strides = array<i32>} : memref<16384xf32, #tpu.memory_space<vmem>>, vector<16xf32>,
          %parallel_loop3A_136 = vector.broadcast %parallel_loop3A_117 : i32 to vector<16xi32>
          %parallel_loop3A_137 = arith.addi %mul3A_42, %parallel_loop3A_136 : vector<16xi32>
          %parallel_loop3A_138 = tpu.vector_load_idx %arg9[%parallel_loop3A_137] : memref<16448xf32, #tpu.memory_space<vmem>>[vector<16xi32>], vector<16xf32>,
          %parallel_loop3A_139 = arith.constant 64 : i32
          %parallel_loop3A_140 = arith.muli %parallel_loop3A_117, %parallel_loop3A_139 : i32
          %parallel_loop3A_141 = arith.constant 32 : i32
          %parallel_loop3A_142 = arith.addi %parallel_loop3A_140, %parallel_loop3A_141 : i32
          %parallel_loop3A_143 = arith.index_cast %parallel_loop3A_142 : i32 to index
          %parallel_loop3A_144 = tpu.vector_load %arg7[%parallel_loop3A_143] {strides = array<i32>} : memref<16384xf32, #tpu.memory_space<vmem>>, vector<16xf32>,
          tpu.vector_store %arg7[%parallel_loop3A_143], %parallel_loop3A_138 {strides = array<i32>} : memref<16384xf32, #tpu.memory_space<vmem>>, vector<16xf32>,
          %parallel_loop3A_145 = vector.broadcast %parallel_loop3A_117 : i32 to vector<16xi32>
          %parallel_loop3A_146 = arith.addi %mul3A_49, %parallel_loop3A_145 : vector<16xi32>
          %parallel_loop3A_147 = tpu.vector_load_idx %arg9[%parallel_loop3A_146] : memref<16448xf32, #tpu.memory_space<vmem>>[vector<16xi32>], vector<16xf32>,
          %parallel_loop3A_148 = arith.constant 64 : i32
          %parallel_loop3A_149 = arith.muli %parallel_loop3A_117, %parallel_loop3A_148 : i32
          %parallel_loop3A_150 = arith.constant 48 : i32
          %parallel_loop3A_151 = arith.addi %parallel_loop3A_149, %parallel_loop3A_150 : i32
          %parallel_loop3A_152 = arith.index_cast %parallel_loop3A_151 : i32 to index
          %parallel_loop3A_153 = tpu.vector_load %arg7[%parallel_loop3A_152] {strides = array<i32>} : memref<16384xf32, #tpu.memory_space<vmem>>, vector<16xf32>,
          tpu.vector_store %arg7[%parallel_loop3A_152], %parallel_loop3A_147 {strides = array<i32>} : memref<16384xf32, #tpu.memory_space<vmem>>, vector<16xf32>,
        } {sc.loop_unroll_factor = 4 : i64, sc.parallel_access}
        %mul3A_103 = arith.constant 32 : i32
        %mul3A_104 = arith.muli %add3A_84, %mul3A_103 : i32
        %add3A_105 = arith.addi %add3A, %mul3A_104 : i32
        %mul3A_106 = arith.constant 256 : i32
        %mul3A_107 = arith.muli %add3A_105, %mul3A_106 : i32
        %multiple_of3A = tpu.assume_multiple %mul3A_107, 256 : i32
        %mul3A_108 = arith.constant 64 : i32
        %mul3A_109 = arith.muli %multiple_of3A, %mul3A_108 : i32
        %dma_start3A = tpu.memref_slice %arg3[%mul3A_109] : memref<64000000xf32, #tpu.memory_space<hbm>> -> memref<16384xf32, #tpu.memory_space<hbm>>
        %dma_start3A_110 = tpu.memref_slice %arg3[%mul3A_109] : memref<64000000xf32, #tpu.memory_space<hbm>> -> memref<16384xf32, #tpu.memory_space<hbm>>
        tpu.enqueue_dma source(%arg7 : memref<16384xf32, #tpu.memory_space<vmem>>) target(%dma_start3A_110 : memref<16384xf32, #tpu.memory_space<hbm>>) target_semaphore(%arg13 : memref<!tpu.dma_semaphore, #tpu.memory_space<semaphore_mem>>)
        %add3A_111 = arith.constant 2 : i32
        %add3A_112 = arith.addi %add3A_84, %add3A_111 : i32
        %lt3A_113 = arith.cmpi slt, %add3A_112, %select_n3A : i32
        %convert_element_type3A_114 = arith.extui %lt3A_113 : i1 to i32
        %cond3A_115 = arith.constant 0 : i32
        %cond3A_116 = arith.cmpi ne, %convert_element_type3A_114, %cond3A_115 : i32
        scf.if %cond3A_116 {
          %add3A_117 = arith.constant 2 : i32
          %add3A_118 = arith.addi %add3A_84, %add3A_117 : i32
          %mul3A_119 = arith.constant 32 : i32
          %mul3A_120 = arith.muli %add3A_118, %mul3A_119 : i32
          %add3A_121 = arith.addi %add3A, %mul3A_120 : i32
          %mul3A_122 = arith.constant 256 : i32
          %mul3A_123 = arith.muli %add3A_121, %mul3A_122 : i32
          %multiple_of3A_124 = tpu.assume_multiple %mul3A_123, 256 : i32
          %dma_start3A_125 = arith.constant 0 : i32
          %dma_start3A_126 = tpu.memref_slice %arg2[%dma_start3A_125, %multiple_of3A_124] : memref<64x1000000xf32, #tpu.memory_space<hbm>> -> memref<64x256xf32, #tpu.memory_space<hbm>>
          %dma_start3A_127 = arith.constant 0 : i32
          %dma_start3A_128 = tpu.memref_slice %arg2[%dma_start3A_127, %multiple_of3A_124] : memref<64x1000000xf32, #tpu.memory_space<hbm>> -> memref<64x256xf32, #tpu.memory_space<hbm>>
          tpu.enqueue_dma source(%dma_start3A_128 : memref<64x256xf32, #tpu.memory_space<hbm>>) target(%arg5 : memref<64x256xf32, #tpu.memory_space<vmem>>) target_semaphore(%arg11 : memref<!tpu.dma_semaphore, #tpu.memory_space<semaphore_mem>>)
        } else {
        }
      } else {
      }
    }
    %scan3A_60 = arith.constant 62 : i32
    %gt3A_61 = arith.constant 0 : i32
    %gt3A_62 = arith.cmpi sgt, %select_n3A, %gt3A_61 : i32
    %convert_element_type3A_63 = arith.extui %gt3A_62 : i1 to i32
    %cond3A_64 = arith.constant 0 : i32
    %cond3A_65 = arith.cmpi ne, %convert_element_type3A_63, %cond3A_64 : i32
    scf.if %cond3A_65 {
      %dma_wait3A = arith.constant 0 : i32
      %dma_wait3A_75 = tpu.memref_slice %arg3[%dma_wait3A] : memref<64000000xf32, #tpu.memory_space<hbm>> -> memref<16384xf32, #tpu.memory_space<hbm>>
      %dma_wait3A_76 = arith.constant 0 : i32
      %dma_wait3A_77 = tpu.memref_slice %arg3[%dma_wait3A_76] : memref<64000000xf32, #tpu.memory_space<hbm>> -> memref<16384xf32, #tpu.memory_space<hbm>>
      tpu.wait_dma2 semaphore(%arg12 : memref<!tpu.dma_semaphore, #tpu.memory_space<semaphore_mem>>) src(%arg6 : memref<16384xf32, #tpu.memory_space<vmem>>) dst(%dma_wait3A_77 : memref<16384xf32, #tpu.memory_space<hbm>>)
    } else {
    }
    %gt3A_66 = arith.constant 1 : i32
    %gt3A_67 = arith.cmpi sgt, %select_n3A, %gt3A_66 : i32
    %convert_element_type3A_68 = arith.extui %gt3A_67 : i1 to i32
    %cond3A_69 = arith.constant 0 : i32
    %cond3A_70 = arith.cmpi ne, %convert_element_type3A_68, %cond3A_69 : i32
    scf.if %cond3A_70 {
      %dma_wait3A = arith.constant 0 : i32
      %dma_wait3A_75 = tpu.memref_slice %arg3[%dma_wait3A] : memref<64000000xf32, #tpu.memory_space<hbm>> -> memref<16384xf32, #tpu.memory_space<hbm>>
      %dma_wait3A_76 = arith.constant 0 : i32
      %dma_wait3A_77 = tpu.memref_slice %arg3[%dma_wait3A_76] : memref<64000000xf32, #tpu.memory_space<hbm>> -> memref<16384xf32, #tpu.memory_space<hbm>>
      tpu.wait_dma2 semaphore(%arg13 : memref<!tpu.dma_semaphore, #tpu.memory_space<semaphore_mem>>) src(%arg7 : memref<16384xf32, #tpu.memory_space<vmem>>) dst(%dma_wait3A_77 : memref<16384xf32, #tpu.memory_space<hbm>>)
    } else {
    }
    %eq3A = arith.constant 2 : i32
    %eq3A_71 = arith.cmpi eq, %add3A, %eq3A : i32
    %convert_element_type3A_72 = arith.extui %eq3A_71 : i1 to i32
    %cond3A_73 = arith.constant 0 : i32
    %cond3A_74 = arith.cmpi ne, %convert_element_type3A_72, %cond3A_73 : i32
    scf.if %cond3A_74 {
      "tpu.region"() ({
        %run_scoped3A = tpu.sem_alloc : memref<!tpu.dma_semaphore, #tpu.memory_space<semaphore_mem>>
        %dma_start3A_94 = arith.constant 0 : i32
        %dma_start3A_95 = arith.constant 999936 : i32
        %dma_start3A_96 = tpu.memref_slice %arg2[%dma_start3A_94, %dma_start3A_95] : memref<64x1000000xf32, #tpu.memory_space<hbm>> -> memref<64x64xf32, #tpu.memory_space<hbm>>
        %dma_start3A_97 = arith.constant 0 : i32
        %dma_start3A_98 = arith.constant 999936 : i32
        %dma_start3A_99 = tpu.memref_slice %arg2[%dma_start3A_97, %dma_start3A_98] : memref<64x1000000xf32, #tpu.memory_space<hbm>> -> memref<64x64xf32, #tpu.memory_space<hbm>>
        tpu.enqueue_dma source(%dma_start3A_99 : memref<64x64xf32, #tpu.memory_space<hbm>>) target(%arg8 : memref<64x64xf32, #tpu.memory_space<vmem>>) target_semaphore(%run_scoped3A : memref<!tpu.dma_semaphore, #tpu.memory_space<semaphore_mem>>)
        %dma_wait3A_100 = arith.constant 0 : i32
        %dma_wait3A_101 = arith.constant 999936 : i32
        %dma_wait3A_102 = tpu.memref_slice %arg2[%dma_wait3A_100, %dma_wait3A_101] : memref<64x1000000xf32, #tpu.memory_space<hbm>> -> memref<64x64xf32, #tpu.memory_space<hbm>>
        %dma_wait3A_103 = arith.constant 0 : i32
        %dma_wait3A_104 = arith.constant 999936 : i32
        %dma_wait3A_105 = tpu.memref_slice %arg2[%dma_wait3A_103, %dma_wait3A_104] : memref<64x1000000xf32, #tpu.memory_space<hbm>> -> memref<64x64xf32, #tpu.memory_space<hbm>>
        tpu.wait_dma2 semaphore(%run_scoped3A : memref<!tpu.dma_semaphore, #tpu.memory_space<semaphore_mem>>) src(%dma_wait3A_105 : memref<64x64xf32, #tpu.memory_space<hbm>>) dst(%arg8 : memref<64x64xf32, #tpu.memory_space<vmem>>)
        tpu.yield
      }) : () -> ()
      %parallel_loop3A = arith.constant 0 : i32
      %parallel_loop3A_75 = arith.constant 64 : i32
      %parallel_loop3A_76 = arith.constant 1 : i32
      scf.for %parallel_loop3A_94 = %parallel_loop3A to %parallel_loop3A_75 step %parallel_loop3A_76  : i32 {
        %parallel_loop3A_95 = arith.index_cast %parallel_loop3A_94 : i32 to index
        %parallel_loop3A_96 = arith.constant 0 : index
        %parallel_loop3A_97 = tpu.vector_load %arg8[%parallel_loop3A_95, %parallel_loop3A_96] {strides = array<i32>} : memref<64x64xf32, #tpu.memory_space<vmem>>, vector<16xf32>,
        %parallel_loop3A_98 = arith.constant 257 : i32
        %parallel_loop3A_99 = arith.muli %parallel_loop3A_94, %parallel_loop3A_98 : i32
        %parallel_loop3A_100 = arith.constant 0 : i32
        %parallel_loop3A_101 = arith.addi %parallel_loop3A_99, %parallel_loop3A_100 : i32
        %parallel_loop3A_102 = arith.index_cast %parallel_loop3A_101 : i32 to index
        %parallel_loop3A_103 = tpu.vector_load %arg9[%parallel_loop3A_102] {strides = array<i32>} : memref<16448xf32, #tpu.memory_space<vmem>>, vector<16xf32>,
        tpu.vector_store %arg9[%parallel_loop3A_102], %parallel_loop3A_97 {strides = array<i32>} : memref<16448xf32, #tpu.memory_space<vmem>>, vector<16xf32>,
        %parallel_loop3A_104 = arith.index_cast %parallel_loop3A_94 : i32 to index
        %parallel_loop3A_105 = arith.constant 16 : index
        %parallel_loop3A_106 = tpu.vector_load %arg8[%parallel_loop3A_104, %parallel_loop3A_105] {strides = array<i32>} : memref<64x64xf32, #tpu.memory_space<vmem>>, vector<16xf32>,
        %parallel_loop3A_107 = arith.constant 257 : i32
        %parallel_loop3A_108 = arith.muli %parallel_loop3A_94, %parallel_loop3A_107 : i32
        %parallel_loop3A_109 = arith.constant 16 : i32
        %parallel_loop3A_110 = arith.addi %parallel_loop3A_108, %parallel_loop3A_109 : i32
        %parallel_loop3A_111 = arith.index_cast %parallel_loop3A_110 : i32 to index
        %parallel_loop3A_112 = tpu.vector_load %arg9[%parallel_loop3A_111] {strides = array<i32>} : memref<16448xf32, #tpu.memory_space<vmem>>, vector<16xf32>,
        tpu.vector_store %arg9[%parallel_loop3A_111], %parallel_loop3A_106 {strides = array<i32>} : memref<16448xf32, #tpu.memory_space<vmem>>, vector<16xf32>,
        %parallel_loop3A_113 = arith.index_cast %parallel_loop3A_94 : i32 to index
        %parallel_loop3A_114 = arith.constant 32 : index
        %parallel_loop3A_115 = tpu.vector_load %arg8[%parallel_loop3A_113, %parallel_loop3A_114] {strides = array<i32>} : memref<64x64xf32, #tpu.memory_space<vmem>>, vector<16xf32>,
        %parallel_loop3A_116 = arith.constant 257 : i32
        %parallel_loop3A_117 = arith.muli %parallel_loop3A_94, %parallel_loop3A_116 : i32
        %parallel_loop3A_118 = arith.constant 32 : i32
        %parallel_loop3A_119 = arith.addi %parallel_loop3A_117, %parallel_loop3A_118 : i32
        %parallel_loop3A_120 = arith.index_cast %parallel_loop3A_119 : i32 to index
        %parallel_loop3A_121 = tpu.vector_load %arg9[%parallel_loop3A_120] {strides = array<i32>} : memref<16448xf32, #tpu.memory_space<vmem>>, vector<16xf32>,
        tpu.vector_store %arg9[%parallel_loop3A_120], %parallel_loop3A_115 {strides = array<i32>} : memref<16448xf32, #tpu.memory_space<vmem>>, vector<16xf32>,
        %parallel_loop3A_122 = arith.index_cast %parallel_loop3A_94 : i32 to index
        %parallel_loop3A_123 = arith.constant 48 : index
        %parallel_loop3A_124 = tpu.vector_load %arg8[%parallel_loop3A_122, %parallel_loop3A_123] {strides = array<i32>} : memref<64x64xf32, #tpu.memory_space<vmem>>, vector<16xf32>,
        %parallel_loop3A_125 = arith.constant 257 : i32
        %parallel_loop3A_126 = arith.muli %parallel_loop3A_94, %parallel_loop3A_125 : i32
        %parallel_loop3A_127 = arith.constant 48 : i32
        %parallel_loop3A_128 = arith.addi %parallel_loop3A_126, %parallel_loop3A_127 : i32
        %parallel_loop3A_129 = arith.index_cast %parallel_loop3A_128 : i32 to index
        %parallel_loop3A_130 = tpu.vector_load %arg9[%parallel_loop3A_129] {strides = array<i32>} : memref<16448xf32, #tpu.memory_space<vmem>>, vector<16xf32>,
        tpu.vector_store %arg9[%parallel_loop3A_129], %parallel_loop3A_124 {strides = array<i32>} : memref<16448xf32, #tpu.memory_space<vmem>>, vector<16xf32>,
      } {sc.loop_unroll_factor = 4 : i64, sc.parallel_access}
      %parallel_loop3A_77 = arith.constant 0 : i32
      %parallel_loop3A_78 = arith.constant 64 : i32
      %parallel_loop3A_79 = arith.constant 1 : i32
      scf.for %parallel_loop3A_94 = %parallel_loop3A_77 to %parallel_loop3A_78 step %parallel_loop3A_79  : i32 {
        %parallel_loop3A_95 = vector.broadcast %parallel_loop3A_94 : i32 to vector<16xi32>
        %parallel_loop3A_96 = arith.addi %mul3A_28, %parallel_loop3A_95 : vector<16xi32>
        %parallel_loop3A_97 = tpu.vector_load_idx %arg9[%parallel_loop3A_96] : memref<16448xf32, #tpu.memory_space<vmem>>[vector<16xi32>], vector<16xf32>,
        %parallel_loop3A_98 = arith.constant 64 : i32
        %parallel_loop3A_99 = arith.muli %parallel_loop3A_94, %parallel_loop3A_98 : i32
        %parallel_loop3A_100 = arith.constant 0 : i32
        %parallel_loop3A_101 = arith.addi %parallel_loop3A_99, %parallel_loop3A_100 : i32
        %parallel_loop3A_102 = arith.index_cast %parallel_loop3A_101 : i32 to index
        %parallel_loop3A_103 = tpu.vector_load %arg6[%parallel_loop3A_102] {strides = array<i32>} : memref<16384xf32, #tpu.memory_space<vmem>>, vector<16xf32>,
        tpu.vector_store %arg6[%parallel_loop3A_102], %parallel_loop3A_97 {strides = array<i32>} : memref<16384xf32, #tpu.memory_space<vmem>>, vector<16xf32>,
        %parallel_loop3A_104 = vector.broadcast %parallel_loop3A_94 : i32 to vector<16xi32>
        %parallel_loop3A_105 = arith.addi %mul3A_35, %parallel_loop3A_104 : vector<16xi32>
        %parallel_loop3A_106 = tpu.vector_load_idx %arg9[%parallel_loop3A_105] : memref<16448xf32, #tpu.memory_space<vmem>>[vector<16xi32>], vector<16xf32>,
        %parallel_loop3A_107 = arith.constant 64 : i32
        %parallel_loop3A_108 = arith.muli %parallel_loop3A_94, %parallel_loop3A_107 : i32
        %parallel_loop3A_109 = arith.constant 16 : i32
        %parallel_loop3A_110 = arith.addi %parallel_loop3A_108, %parallel_loop3A_109 : i32
        %parallel_loop3A_111 = arith.index_cast %parallel_loop3A_110 : i32 to index
        %parallel_loop3A_112 = tpu.vector_load %arg6[%parallel_loop3A_111] {strides = array<i32>} : memref<16384xf32, #tpu.memory_space<vmem>>, vector<16xf32>,
        tpu.vector_store %arg6[%parallel_loop3A_111], %parallel_loop3A_106 {strides = array<i32>} : memref<16384xf32, #tpu.memory_space<vmem>>, vector<16xf32>,
        %parallel_loop3A_113 = vector.broadcast %parallel_loop3A_94 : i32 to vector<16xi32>
        %parallel_loop3A_114 = arith.addi %mul3A_42, %parallel_loop3A_113 : vector<16xi32>
        %parallel_loop3A_115 = tpu.vector_load_idx %arg9[%parallel_loop3A_114] : memref<16448xf32, #tpu.memory_space<vmem>>[vector<16xi32>], vector<16xf32>,
        %parallel_loop3A_116 = arith.constant 64 : i32
        %parallel_loop3A_117 = arith.muli %parallel_loop3A_94, %parallel_loop3A_116 : i32
        %parallel_loop3A_118 = arith.constant 32 : i32
        %parallel_loop3A_119 = arith.addi %parallel_loop3A_117, %parallel_loop3A_118 : i32
        %parallel_loop3A_120 = arith.index_cast %parallel_loop3A_119 : i32 to index
        %parallel_loop3A_121 = tpu.vector_load %arg6[%parallel_loop3A_120] {strides = array<i32>} : memref<16384xf32, #tpu.memory_space<vmem>>, vector<16xf32>,
        tpu.vector_store %arg6[%parallel_loop3A_120], %parallel_loop3A_115 {strides = array<i32>} : memref<16384xf32, #tpu.memory_space<vmem>>, vector<16xf32>,
        %parallel_loop3A_122 = vector.broadcast %parallel_loop3A_94 : i32 to vector<16xi32>
        %parallel_loop3A_123 = arith.addi %mul3A_49, %parallel_loop3A_122 : vector<16xi32>
        %parallel_loop3A_124 = tpu.vector_load_idx %arg9[%parallel_loop3A_123] : memref<16448xf32, #tpu.memory_space<vmem>>[vector<16xi32>], vector<16xf32>,
        %parallel_loop3A_125 = arith.constant 64 : i32
        %parallel_loop3A_126 = arith.muli %parallel_loop3A_94, %parallel_loop3A_125 : i32
        %parallel_loop3A_127 = arith.constant 48 : i32
        %parallel_loop3A_128 = arith.addi %parallel_loop3A_126, %parallel_loop3A_127 : i32
        %parallel_loop3A_129 = arith.index_cast %parallel_loop3A_128 : i32 to index
        %parallel_loop3A_130 = tpu.vector_load %arg6[%parallel_loop3A_129] {strides = array<i32>} : memref<16384xf32, #tpu.memory_space<vmem>>, vector<16xf32>,
        tpu.vector_store %arg6[%parallel_loop3A_129], %parallel_loop3A_124 {strides = array<i32>} : memref<16384xf32, #tpu.memory_space<vmem>>, vector<16xf32>,
      } {sc.loop_unroll_factor = 4 : i64, sc.parallel_access}
      %dma_start3A = arith.constant 0 : i32
      %dma_start3A_80 = tpu.memref_slice %arg6[%dma_start3A] : memref<16384xf32, #tpu.memory_space<vmem>> -> memref<4096xf32, #tpu.memory_space<vmem>>
      %dma_start3A_81 = arith.constant 63995904 : i32
      %dma_start3A_82 = tpu.memref_slice %arg3[%dma_start3A_81] : memref<64000000xf32, #tpu.memory_space<hbm>> -> memref<4096xf32, #tpu.memory_space<hbm>>
      %dma_start3A_83 = arith.constant 63995904 : i32
      %dma_start3A_84 = tpu.memref_slice %arg3[%dma_start3A_83] : memref<64000000xf32, #tpu.memory_space<hbm>> -> memref<4096xf32, #tpu.memory_space<hbm>>
      %dma_start3A_85 = arith.constant 0 : i32
      %dma_start3A_86 = tpu.memref_slice %arg6[%dma_start3A_85] : memref<16384xf32, #tpu.memory_space<vmem>> -> memref<4096xf32, #tpu.memory_space<vmem>>
      tpu.enqueue_dma source(%dma_start3A_86 : memref<4096xf32, #tpu.memory_space<vmem>>) target(%dma_start3A_84 : memref<4096xf32, #tpu.memory_space<hbm>>) target_semaphore(%arg12 : memref<!tpu.dma_semaphore, #tpu.memory_space<semaphore_mem>>)
      %dma_wait3A = arith.constant 0 : i32
      %dma_wait3A_87 = tpu.memref_slice %arg6[%dma_wait3A] : memref<16384xf32, #tpu.memory_space<vmem>> -> memref<4096xf32, #tpu.memory_space<vmem>>
      %dma_wait3A_88 = arith.constant 0 : i32
      %dma_wait3A_89 = tpu.memref_slice %arg3[%dma_wait3A_88] : memref<64000000xf32, #tpu.memory_space<hbm>> -> memref<4096xf32, #tpu.memory_space<hbm>>
      %dma_wait3A_90 = arith.constant 0 : i32
      %dma_wait3A_91 = tpu.memref_slice %arg3[%dma_wait3A_90] : memref<64000000xf32, #tpu.memory_space<hbm>> -> memref<4096xf32, #tpu.memory_space<hbm>>
      %dma_wait3A_92 = arith.constant 0 : i32
      %dma_wait3A_93 = tpu.memref_slice %arg6[%dma_wait3A_92] : memref<16384xf32, #tpu.memory_space<vmem>> -> memref<4096xf32, #tpu.memory_space<vmem>>
      tpu.wait_dma2 semaphore(%arg12 : memref<!tpu.dma_semaphore, #tpu.memory_space<semaphore_mem>>) src(%dma_wait3A_93 : memref<4096xf32, #tpu.memory_space<vmem>>) dst(%dma_wait3A_91 : memref<4096xf32, #tpu.memory_space<hbm>>)
    } else {
    }
    return
  }
}

</mosaic_0001>

<sc_bundles>
// kernel: _run_tr.3.cloned.1.call-start
scs
__scs_entry_jumppad:
0x0: {  	(pc) =	sbr.rel $0x88, $3  }
0x1: {  	(tag) =	ssettag $0x0;
	lr =	simm.s32 $0x1  }
0x2: {  	[smem:$0x3FA0] =	sst lr;
	_ =	strace $0xD0000000  }
0x3: {  	_ = 	snop  }
0x4: {  	_ = 	snop  }
0x5: {  	_ = 	snop  }
0x6: {  	_ = 	snop  }
0x7: {  	_ = 	snop  }
__scs_overlays_trampoline_lowered:
0x8: {  	[smem:$0x3FAF] =	sst s0  }
0x9: {  	[smem:$0x3FB0] =	sst s1  }
0xa: {  	[smem:$0x3FB1] =	sst s2  }
0xb: {  	[smem:$0x3FB2] =	sst s3  }
0xc: {  	[smem:$0x3FB3] =	sst s4  }
0xd: {  	[smem:$0x3FB4] =	sst s5  }
0xe: {  	[smem:$0x3FB5] =	sst s6  }
0xf: {  	[smem:$0x3FB6] =	sst s7  }
0x10: {  	[smem:$0x3FB7] =	sst s8  }
0x11: {  	[smem:$0x3FB8] =	sst s9;
	s0 =	simm.s32 @!p0 $0x0  }
0x12: {  	s1 =	sld [smem:$0x3F9E];
	s0 =	simm.s32 @p0 $0x1  }
0x13: {  	[smem:$0x3FB9] =	sst s0;
	s0 =	simm.s32 @!p1 $0x0  }
0x14: {  	s2 =	sld [smem:$0x3F9D];
	s0 =	simm.s32 @p1 $0x1  }
0x15: {  	[smem:$0x3FBA] =	sst s0;
	s0 =	simm.s32 @!p2 $0x0  }
0x16: {  	s3 =	sld [smem:$0x3FDB];
	s0 =	simm.s32 @p2 $0x1  }
0x17: {  	s4 =	simm.s32 $0x1BF5;
	[smem:$0x3FBC] =	sst s0  }
0x18: {  	s0 =	sld [smem:$0x3F9F];
	_ =	swait.ge [sflag:s4], $0x0  }
0x19: {  	s7 =	sld [smem:$0x3FA0]  }
0x1a: {  	s8 =	sadd.s32 $0xFFFFE003, lr  }
0x1b: {  	s9 =	sadd.s32 $0xFFFFFEF7, lr;
	s5 =	simm.s32 $0xFFFFFFFF;
	p2 =	slt.u32 s8, $0xFFFFF086  }
0x1c: {  	p1 =	slt.u32 s9, $0xF7A;
	s5 =	simm.s32 @!p2 $0x0  }
0x1d: {  	s5 =	simm.s32 @p1 $0x1;
	p0 =	seq.s32 s7, s2  }
0x1e: {  	s7 =	smul.u32 @!p0 $0xF7A, s2;
	p2 =	seq.s32 @!p0 s5, $0x0  }
0x1f: {  	s9 =	smul.u32 $0xF7A, s1;
	s8 =	simm.s32 @!p0 $0x1BF5;
	p2 =	por !p2, p0  }
0x20: {  	[sflag:s8] =	ssyncset.s32 @!p0 $0xFFFFF086;
	s6 =	sadd.s32 @!p0 s3, s7;
	s7 =	simm.s32 @!p0 $0x108  }
0x21: {  	s3 =	sadd.s32 s3, s9;
	s6 =	sadd.s32 @!p0 $0x88, s6;
	s7 =	simm.s32 @p2 $0x1082  }
0x22: {  	[simem:s7], [sflag:s8] =	dma.local @!p0 [hbm:s6], $0xF7A  }
0x23: {  	s9 =	sor.u32 $0xD0000000, s2;
	s6 =	simm.s32 $0x108;
	_ =	swait.ge @!p0 [sflag:s8], $0x0  }
0x24: {  	s3 =	sadd.s32 $0x88, s3;
	s6 =	simm.s32 @!p1 $0x1082;
	[sflag:s4] =	ssyncset.s32 $0xFFFFF086  }
0x25: {  	[simem:s6], [sflag:s4] =	dma.local [hbm:s3], $0xF7A  }
0x26: {  	[smem:$0x3FA0] =	sst s1;
	(tag) =	ssettag s2;
	_ =	strace s9  }
0x27: {  	s1 =	sld [smem:$0x3FB0]  }
0x28: {  	s2 =	sld [smem:$0x3FB1]  }
0x29: {  	s4 =	sld [smem:$0x3FB3]  }
0x2a: {  	p0 =	seq.s32 s5, $0x0;
	s5 =	sld [smem:$0x3FB4]  }
0x2b: {  	s6 =	sld [smem:$0x3FB5]  }
0x2c: {  	s7 =	sld [smem:$0x3FB6]  }
0x2d: {  	s3 =	simm.s32 $0x108;
	s8 =	sld [smem:$0x3FB7]  }
0x2e: {  	s3 =	simm.s32 @!p0 $0x1082;
	s9 =	sld [smem:$0x3FB8]  }
0x2f: {  	lr =	sadd.s32 s0, s3;
	s0 =	sld [smem:$0x3FAF]  }
0x30: {  	s3 =	sld [smem:$0x3FB2]  }
0x31: {  	[smem:$0x3FBB] =	sst s10  }
0x32: {  	s10 =	sld [smem:$0x3FB9];
	_ =	sdelay $0x3  }
0x33: {  	p0 =	seq.s32 s10, $0x1;
	s10 =	sld [smem:$0x3FBB];
	_ =	sdelay $0x3  }
0x34: {  	[smem:$0x3FBB] =	sst s10  }
0x35: {  	s10 =	sld [smem:$0x3FBA];
	_ =	sdelay $0x3  }
0x36: {  	p1 =	seq.s32 s10, $0x1;
	s10 =	sld [smem:$0x3FBB];
	_ =	sdelay $0x3  }
0x37: {  	[smem:$0x3FBB] =	sst s10  }
0x38: {  	s10 =	sld [smem:$0x3FBC]  }
0x39: {  	_ = 	snop;
	(pc) =	sbr.ind lr, $3  }
0x3a: {  	_ = 	snop  }
0x3b: {  	_ = 	snop  }
0x3c: {  	p2 =	seq.s32 s10, $0x1;
	s10 =	sld [smem:$0x3FBB]  }
0x3d: {  	_ =	shalt  }
0x3e: {  	_ =	shalt  }
0x3f: {  	_ =	shalt  }
0x40: {  	_ =	shalt  }
0x41: {  	_ =	shalt  }
0x42: {  	_ =	shalt  }
0x43: {  	_ =	shalt  }
0x44: {  	_ =	shalt  }
0x45: {  	_ =	shalt  }
0x46: {  	_ =	shalt  }
0x47: {  	_ =	shalt  }
0x48: {  	_ =	shalt  }
0x49: {  	_ =	shalt  }
0x4a: {  	_ =	shalt  }
0x4b: {  	_ =	shalt  }
0x4c: {  	_ =	shalt  }
0x4d: {  	_ =	shalt  }
0x4e: {  	_ =	shalt  }
0x4f: {  	_ =	shalt  }
0x50: {  	_ =	shalt  }
0x51: {  	_ =	shalt  }
0x52: {  	_ =	shalt  }
0x53: {  	_ =	shalt  }
0x54: {  	_ =	shalt  }
0x55: {  	_ =	shalt  }
0x56: {  	_ =	shalt  }
0x57: {  	_ =	shalt  }
0x58: {  	_ =	shalt  }
0x59: {  	_ =	shalt  }
0x5a: {  	_ =	shalt  }
0x5b: {  	_ =	shalt  }
0x5c: {  	_ =	shalt  }
0x5d: {  	_ =	shalt  }
0x5e: {  	_ =	shalt  }
0x5f: {  	_ =	shalt  }
0x60: {  	_ =	shalt  }
0x61: {  	_ =	shalt  }
0x62: {  	_ =	shalt  }
0x63: {  	_ =	shalt  }
0x64: {  	_ =	shalt  }
0x65: {  	_ =	shalt  }
0x66: {  	_ =	shalt  }
0x67: {  	_ =	shalt  }
0x68: {  	_ =	shalt  }
0x69: {  	_ =	shalt  }
0x6a: {  	_ =	shalt  }
0x6b: {  	_ =	shalt  }
0x6c: {  	_ =	shalt  }
0x6d: {  	_ =	shalt  }
0x6e: {  	_ =	shalt  }
0x6f: {  	_ =	shalt  }
0x70: {  	_ =	shalt  }
0x71: {  	_ =	shalt  }
0x72: {  	_ =	shalt  }
0x73: {  	_ =	shalt  }
0x74: {  	_ =	shalt  }
0x75: {  	_ =	shalt  }
0x76: {  	_ =	shalt  }
0x77: {  	_ =	shalt  }
0x78: {  	_ =	shalt  }
0x79: {  	_ =	shalt  }
0x7a: {  	_ =	shalt  }
0x7b: {  	_ =	shalt  }
0x7c: {  	_ =	shalt  }
0x7d: {  	_ =	shalt  }
0x7e: {  	_ =	shalt  }
0x7f: {  	_ =	shalt  }
0x80: {  	_ =	shalt  }
0x81: {  	_ =	shalt  }
0x82: {  	_ =	shalt  }
0x83: {  	_ =	shalt  }
0x84: {  	_ =	shalt  }
0x85: {  	_ =	shalt  }
0x86: {  	_ =	shalt  }
0x87: {  	_ =	shalt  }
.Lfunc_end0:
.L_simem_size_0:
called_computation_lowered:
.L_overlay_start_0:
0x88: {  	s2 =	sld [smem:$0x3FD9]  }
0x89: {  	s3 =	sld [smem:$0x3FFE];
	_ =	sdelay $0x1  }
0x8a: {  	s1 =	srdreg.scid  }
0x8b: {  	s0 =	sand.u32 $0x1, s1  }
0x8c: {  	s18 =	sshll.u32 s0, $0xA;
	s2 =	sadd.s32 s3, s2  }
0x8d: {  	s2 =	sadd.s32 s2, s18  }
0x8e: {  	[smem:$0x3FC7] =	sst s2  }
0x8f: {  	_ = 	snop  }
0x90: {  	s2 =	sld [smem:$0x3FC9]  }
0x91: {  	s19 =	sld [smem:$0x3FD0];
	(tm) =	ssettm $0x1  }
0x92: {  	s4 =	sld [smem:$0x3FFB];
	_ =	sdelay $0x3  }
0x93: {  	_ =	strace s4  }
0x94: {  	s4 =	sld [smem:$0x3FFC];
	_ =	sdelay $0x3  }
0x95: {  	_ =	strace s4  }
0x96: {  	s4 =	sld [smem:$0x3FFD];
	_ =	sdelay $0x3  }
0x97: {  	_ =	strace s4  }
0x98: {  	_ =	strace $0x8FFFFFFF  }
0x99: {  	s20 =	sld [smem:$0x3FDB];
	_ =	sdelay $0x1  }
0x9a: {  	s5 =	simm.s32 $_scs_section_size  }
0x9b: {  	s6 =	simm.s32 $_size__tile_overlayer_lowered;
	s7 =	simm.s32 $_tile_overlayer_lowered  }
0x9c: {  	s23 =	simm.s32 $0x1BFF;
	s22 =	sshll.u32 s7, $0x1;
	s4 =	sadd.s32 s5, s20  }
0x9d: {  	s8 =	simm.s32 $0x0;
	s21 =	sshll.u32 s6, $0x1;
	s6 =	sadd.s32 s22, s4  }
0x9e: {  	[timem:s8], [sflag:s23] =	dma.local [hbm:s6], s21  }
0x9f: {  	_ =	swait.ge [sflag:s23], s21  }
0xa0: {  	s5 =	ssub.s32 $0x0, s21;
	[sflag:s23] =	ssyncset.done $0x0  }
0xa1: {  	[sflag:s23] =	ssyncadd.s32 s5;
	_ =	sdelay $0x1  }
0xa2: {  	s24 =	simm.s32 $0x1B8B  }
0xa3: {  	_ =	swait.ge [sflag:s24], $0x1  }
0xa4: {  	[sflag:s24] =	ssyncset.done $0x0  }
0xa5: {  	s25 =	simm.s32 $0x1B8E;
	[sflag:s24] =	ssyncadd.s32 $0xFFFFFFFF  }
0xa6: {  	s26 =	simm.s32 $execute0_lowered;
	[smem:$0x3FD2] =	sst s25  }
0xa7: {  	s5 =	sshll.u32 s26, $0x1;
	_ =	strace $0x80000046;
	[dreg:$0x1] =	wrdreg $0xFFFFFFFF  }
0xa8: {  	s28 =	simm.s32 $_size_execute0_lowered;
	s4 =	sadd.s32 s4, s5;
	[dreg:$0x0] =	wrdreg $0x0  }
0xa9: {  	s5 =	sshll.u32 s28, $0x1;
	[dreg:$0x2] =	wrdreg s4  }
0xaa: {  	[dreg:$0x3] =	wrdreg s5  }
0xab: {  	[dreg:$0x4] =	wrdreg $0xC0  }
0xac: {  	_ =	task [dreg:s8], $0x5FFFF  }
0xad: {  	[dreg:$0x1] =	wrdreg $0xFFFFFFFF  }
0xae: {  	[dreg:$0x0] =	wrdreg $0x60  }
0xaf: {  	[dreg:$0x2] =	wrdreg s2  }
0xb0: {  	[dreg:$0x3] =	wrdreg s19  }
0xb1: {  	[dreg:$0x4] =	wrdreg $0x9  }
0xb2: {  	_ =	task.clear_ibuf [dreg:s8], $0x5FFFF;
	_ =	strace $0x90000046  }
0xb3: {  	s29 =	simm.s32 $0x9;
	_ =	strace $0x80000048  }
0xb4: {  	_ =	swait.ge [sflag:s29], $0x1  }
0xb5: {  	[sflag:s29] =	ssyncadd.s32 $0xFFFFFFFF  }
0xb6: {  	_ =	strace $0x90000048  }
0xb7: {  	_ =	sfence  }
0xb8: {  	s30 =	sld [smem:$0x0];
	_ =	sdelay $0x2  }
0xb9: {  	s31 =	sshll.u32 s1, $0xD;
	s1 =	sshrl.u32 s1, $0x2  }
0xba: {  	s3 =	sand.u32 $0x4000, s31;
	s1 =	sadd.s32 s1, s30  }
0xbb: {  	s0 =	sor.u32 s3, s0;
	s1 =	sshll.u32 s1, $0x11  }
0xbc: {  	s0 =	sor.u32 s1, s0  }
0xbd: {  	s0 =	sadd.s32 $0x8F2B, s0  }
0xbe: {  	[sflag:s0] =	ssyncadd.remote.s32 $0x1  }
0xbf: {  	_ =	sfence.sel $0xFFFF  }
0xc0: {  	[dreg:$0x0] =	wrdreg $0xFFFFFFFF;
	(pc) =	sbr.abs _section_cstart, $3  }
0xc1: {  	[dreg:$0x1] =	wrdreg $0xFFFFFFFF  }
0xc2: {  	_ =	task.clear_ibuf [dreg:s8], $0x2FFFF;
	_ =	strace $0x9FFFFFFF  }
0xc3: {  	(tm) =	ssettm $0x7FFFFFFF  }
tec
execute0_lowered:
.L_overlay_start_1:
0x0: {  	(tag) =	ssettag $0x1  }
0x1: {  	s0 =	rddreg [dreg:$0x0]  }
0x2: {  	s1 =	rddreg [dreg:$0x1]  }
0x3: {  	s2 =	srdreg.scid;
	s4 =	stileid.u32  }
0x4: {  	s5 =	simm.s32 $0x0;
	s2 =	sand.u32 $0x1, s2;
	s4 =	sshll.u32 s4, $0x1  }
0x5: {  	[smem:$0x7FF] =	sst s5;
	s3 =	ssub.s32 $0x2, s2;
	s2 =	sor.u32 s2, s4  }
0x6: {  	s30 =	sadd.s32 $0x7A1000, s1;
	_ =	strace $0x80000047;
	s4 =	sshll.u32 s2, $0x8  }
0x7: {  	[smem:$0x7FB] =	sst s30;
	s28 =	sshll.u32 s2, $0xB;
	s6 =	sadd.s32 s0, s4  }
0x8: {  	s26 =	ssub.s32 $0xF61, s2;
	s4 =	sadd.s32 s1, s28;
	[smem:$0x7F7] =	sst s6  }
.Ltmp0:
0x9: {  	s0 =	sadd.s32 $0xF4200, s0;
	[smem:$0x7F9] =	sst s4;
	(pc) =	sbr.rel .LBB2_1-.Ltmp0, $4  }
0xa: {  	v0 =	vlaneseq.u32;
	s25 =	sshrl.u32 s3, $0x1;
	s19 =	sshrl.u32 s26, $0x5;
	[smem:$0x7FA] =	sst s0  }
0xb: {  	v0 =	vmul.u32 $0x101, v0;
	s3 =	ssub.s32 s3, s25;
	s29 =	sadd.s32 $0x2000, s6;
	[smem:$0x7FD] =	sst s19  }
0xc: {  	s20 =	simm.s32 $0x12000;
	s31 =	smax.u32 s3, $0x1;
	[smem:$0x7F8] =	sst s29  }
0xd: {  	p0 =	sne.s32 s2, $0x2;
	v1 =	vadd.s32 $0x1010, v0;
	v2 =	vadd.s32 $0x2020, v0;
	v3 =	vadd.s32 $0x3030, v0;
	s1 =	simm.s32 $0x0;
	[smem:$0x7FC] =	sst s31  }
.LBB2_19:
0xe: {  	s8 =	simm.s32 $0x3;
	s15 =	simm.s32 $0xC0;
	s6 =	simm.s32 $0x8080  }
.LBB2_26:
0xf: {  	_ =	sdelay $0x1  }
0x10: {  	s10 =	sadd.s32 @p2 $0x100, s15;
	s12 =	simm.s32 $0xC0;
	[tilespmem:s18+$0x8000] =	vst @p2 v14  }
0x11: {  	v48 =	vadd.s32 s8, v0;
	[tilespmem:s11+$0xFFFFFFA0] =	vst @p2 v6;
	s12 =	smov.u32 @p2 s10  }
0x12: {  	v6 =	vld.idx.msk @p2 [tilespmem:v15+s20+$0x0], $0xffff;
	s10 =	sadd.s32 @p1 $0xFFFFFF80, s12;
	s14 =	sor.u32 @p1 $0x50, s12;
	[tilespmem:s6+$0x10] =	vst @p1 v9  }
0x13: {  	v49 =	vadd.s32 s5, v0;
	v15 =	vld.idx.msk @p2 [tilespmem:v16+s20+$0x0], $0xffff;
	s15 =	sor.u32 @p1 $0x50, s10;
	[tilespmem:s14+$0x8000] =	vst @p1 v8  }
0x14: {  	v8 =	vadd.s32 @p1 s3, v2;
	[tilespmem:s15+$0x8000] =	vst @p1 v7;
	v12 =	vld.idx.msk @p1 [tilespmem:v12+s20+$0x0], $0xffff  }
0x15: {  	[tilespmem:s6+$0xFFFFFF90] =	vst @p1 v11;
	v11 =	vadd.s32 @p1 s17, v3;
	v9 =	vld.idx.msk @p1 [tilespmem:v13+s20+$0x0], $0xffff  }
0x16: {  	[tilespmem:s13+$0x8000] =	vst @p2 v10;
	v13 =	vadd.s32 @p1 s2, v2;
	v14 =	vld.idx.msk [tilespmem:v48+s20+$0x0], $0xffff  }
0x17: {  	v5 =	vld.idx.msk [tilespmem:v5+s20+$0x0], $0xffff;
	v50 =	vadd.s32 s8, v1;
	[tilespmem:s11+$0x30] =	vst @p2 v6  }
0x18: {  	v51 =	vadd.s32 s9, v1;
	s13 =	sor.u32 @p1 $0x60, s12;
	v7 =	vld.idx.msk [tilespmem:v49+s20+$0x0], $0xffff;
	[tilespmem:s11+$0xFFFFFFB0] =	vst @p2 v15  }
0x19: {  	v52 =	vadd.s32 s7, v1;
	s11 =	sor.u32 @p1 $0x60, s10;
	v6 =	vld.idx.msk @p1 [tilespmem:v8+s20+$0x0], $0xffff;
	[tilespmem:s13+$0x8000] =	vst @p1 v12;
	s13 =	sadd.s32 @p1 $0x100, s6  }
0x1a: {  	v53 =	vadd.s32 s5, v1;
	[tilespmem:s11+$0x8000] =	vst @p1 v9;
	v9 =	vld.idx.msk @p1 [tilespmem:v11+s20+$0x0], $0xffff;
	s0 =	smov.u32 @p1 s13  }
0x1b: {  	v11 =	vadd.s32 @p1 s4, v3;
	v13 =	vld.idx.msk @p1 [tilespmem:v13+s20+$0x0], $0xffff;
	[tilespmem:s0+$0x40] =	vst v14  }
0x1c: {  	[tilespmem:s0+$0xFFFFFFC0] =	vst v4;
	v4 =	vld.idx.msk [tilespmem:v50+s20+$0x0], $0xffff  }
0x1d: {  	[tilespmem:s0+$0x0] =	vst v5;
	v5 =	vadd.s32 s8, v2;
	v8 =	vld.idx.msk [tilespmem:v51+s20+$0x0], $0xffff  }
0x1e: {  	v55 =	vadd.s32 s9, v2;
	s4 =	smov.u32 @p1 s6;
	s6 =	sor.u32 @p1 $0x70, s12;
	s11 =	sadd.s32 @p1 $0x100, s12;
	[tilespmem:s0+$0xFFFFFF80] =	vst v7;
	v54 =	vld.idx.msk [tilespmem:v52+s20+$0x0], $0xffff  }
0x1f: {  	v56 =	vadd.s32 s7, v2;
	s6 =	smov.u32 @p1 s6;
	s1 =	smov.u32 @p1 s11;
	v12 =	vld.idx.msk [tilespmem:v53+s20+$0x0], $0xffff;
	[tilespmem:s4+$0x20] =	vst @p1 v6;
	v6 =	vpsel p1, v9, v0  }
0x20: {  	v57 =	vadd.s32 s5, v2;
	v14 =	vadd.s32 @p1 s3, v3;
	s22 =	sadd.s32 $0xFFFFFF80, s1;
	s23 =	sor.u32 $0x50, s1;
	v11 =	vld.idx.msk @p1 [tilespmem:v11+s20+$0x0], $0xffff;
	[tilespmem:s6+$0x8000] =	vst @p1 v6  }
0x21: {  	v15 =	vadd.s32 @p1 s2, v3;
	v14 =	vpsel p1, v14, v0;
	s24 =	sor.u32 $0x50, s22;
	[tilespmem:s23+$0x8000] =	vst v4  }
0x22: {  	v4 =	vpsel p1, v15, v0;
	[tilespmem:s24+$0x8000] =	vst v8;
	v5 =	vld.idx.msk [tilespmem:v5+s20+$0x0], $0xffff  }
0x23: {  	v58 =	vadd.s32 s8, v3;
	[tilespmem:s0+$0x10] =	vst v54;
	v8 =	vld.idx.msk [tilespmem:v55+s20+$0x0], $0xffff  }
0x24: {  	v59 =	vadd.s32 s9, v3;
	s2 =	sor.u32 @p1 $0x70, s10;
	s4 =	smov.u32 @p1 s4;
	v10 =	vpsel p1, v13, v0;
	[tilespmem:s0+$0xFFFFFF90] =	vst v12;
	v9 =	vld.idx.msk [tilespmem:v56+s20+$0x0], $0xffff  }
0x25: {  	v60 =	vadd.s32 s7, v3;
	s2 =	smov.u32 @p1 s2;
	[tilespmem:s4+$0xFFFFFFA0] =	vst @p1 v10;
	v6 =	vld.idx.msk [tilespmem:v57+s20+$0x0], $0xffff;
	v11 =	vpsel p1, v11, v0  }
0x26: {  	v61 =	vadd.s32 s5, v3;
	s25 =	sor.u32 $0x60, s1;
	v13 =	vld.idx.msk @p1 [tilespmem:v14+s20+$0x0], $0xffff;
	[tilespmem:s2+$0x8000] =	vst @p1 v11  }
0x27: {  	s26 =	sor.u32 $0x60, s22;
	v4 =	vld.idx.msk @p1 [tilespmem:v4+s20+$0x0], $0xffff;
	[tilespmem:s25+$0x8000] =	vst v5  }
0x28: {  	[tilespmem:s26+$0x8000] =	vst v8;
	v5 =	vld.idx.msk [tilespmem:v58+s20+$0x0], $0xffff  }
0x29: {  	[tilespmem:s0+$0x20] =	vst v9;
	v62 =	vld.idx.msk [tilespmem:v59+s20+$0x0], $0xffff  }
0x2a: {  	[tilespmem:s0+$0xFFFFFFA0] =	vst v6;
	v63 =	vld.idx.msk [tilespmem:v60+s20+$0x0], $0xffff  }
0x2b: {  	[tilespmem:s4+$0x30] =	vst @p1 v13;
	v6 =	vld.idx.msk [tilespmem:v61+s20+$0x0], $0xffff  }
0x2c: {  	s1 =	sor.u32 $0x70, s1;
	[tilespmem:s4+$0xFFFFFFB0] =	vst @p1 v4  }
0x2d: {  	s28 =	sor.u32 $0x70, s22;
	[tilespmem:s1+$0x8000] =	vst v5  }
0x2e: {  	[tilespmem:s28+$0x8000] =	vst v62  }
0x2f: {  	[tilespmem:s0+$0x30] =	vst v63  }
0x30: {  	[tilespmem:s0+$0xFFFFFFB0] =	vst v6  }
0x31: {  	s1 =	sld [smem:$0x7FB];
	_ =	sdelay $0x1  }
0x32: {  	s29 =	simm.s32 $0x0;
	s30 =	simm.s32 $0x8000;
	s31 =	simm.s32 $0x3  }
0x33: {  	[hbm4b:s1+s29] =	stream.linear.scatter [tilespmem:s30], [sflag:$0x3], $0x1000, $0x38;
	[tilespmem:$0x16080] =	vst v63  }
0x34: {  	_ =	swait.ge [sflag:s31], $0x1000  }
0x35: {  	[sflag:s31] =	ssyncset.done $0x0  }
0x36: {  	s1 =	sld [smem:$0x7F6];
	[sflag:s31] =	ssyncadd.s32 $0xFFFFF000  }
.LBB2_27:
0x37: {  	s0 =	sld [smem:$0x7FC];
	_ =	sdelay $0x1  }
0x38: {  	s1 =	sadd.s32 $0x1, s1  }
0x39: {  	p1 =	sne.s32 s1, s0  }
.Ltmp1:
0x3a: {  	_ = 	snop;
	(pc) =	sbr.rel @!p1 .LBB2_28-.Ltmp1, $1  }
0x3b: {  	_ =	sdelay $0x3  }
.LBB2_1:
0x3c: {  	s29 =	sld [smem:$0x7F7]  }
.Ltmp2:
0x3d: {  	s0 =	simm.s32 $0x0;
	(pc) =	sbr.rel .LBB2_2-.Ltmp2, $4  }
0x3e: {  	s2 =	simm.s32 $0x800;
	s3 =	simm.s32 $0x7A1400;
	s30 =	sld [smem:$0x7F8]  }
0x3f: {  	[tilespmem:s0], [sflag:$0x1] =	stream.strided.gather [hbm4b:s29+s2], $0x4000, s3, s2, $0x38;
	[tilespmem:$0x16080] =	vst v63  }
0x40: {  	[smem:$0x7F6] =	sst s1;
	s31 =	simm.s32 $0x4000;
	s5 =	simm.s32 $0x0  }
0x41: {  	[tilespmem:s31], [sflag:$0x2] =	stream.strided.gather [hbm4b:s30+s2], $0x4000, s3, s2, $0x38;
	[tilespmem:$0x16080] =	vst v63  }
.LBB2_14:
0x42: {  	s5 =	sadd.s32 $0x1, s5  }
0x43: {  	p1 =	sne.s32 s5, $0x3E  }
.Ltmp3:
0x44: {  	_ = 	snop;
	(pc) =	sbr.rel @!p1 .LBB2_15-.Ltmp3, $1  }
0x45: {  	_ =	sdelay $0x3  }
.LBB2_2:
0x46: {  	s4 =	sshll.u32 s5, $0x1  }
0x47: {  	p2 =	sge.u32 s4, s19  }
.Ltmp4:
0x48: {  	_ = 	snop;
	(pc) =	sbr.rel @p2 .LBB2_8-.Ltmp4, $3  }
0x49: {  	_ =	sdelay $0x1  }
0x4a: {  	[smem:$0x7F4] =	sst s5  }
0x4b: {  	p1 =	seq.s32 s5, $0x0;
	[smem:$0x7F5] =	sst s4  }
0x4c: {  	s0 =	simm.s32 $0x1  }
0x4d: {  	_ =	swait.ge [sflag:s0], $0x4000  }
0x4e: {  	[sflag:s0] =	ssyncset.done $0x0  }
0x4f: {  	s7 =	simm.s32 $0x0;
	[sflag:s0] =	ssyncadd.s32 $0xFFFFC000;
	s0 =	simm.s32 @!p1 $0x3  }
0x50: {  	s10 =	simm.s32 $0x100;
	s2 =	simm.s32 $0x0;
	_ =	swait.ge @!p1 [sflag:s0], $0x4000  }
0x51: {  	s1 =	sand.u32 $0x3800, s7;
	s2 =	sand.u32 $0x200, s2;
	[sflag:s0] =	ssyncset.done @!p1 $0x0  }
0x52: {  	s6 =	sor.u32 s2, s1;
	[sflag:s0] =	ssyncadd.s32 @!p1 $0xFFFFC000;
	s0 =	sand.u32 $0x300, s10  }
0x53: {  	s0 =	sor.u32 s0, s1;
	v5 =	vld [tilespmem:s6+$0x0]  }
0x54: {  	s3 =	simm.s32 $0x80;
	v4 =	vld [tilespmem:s0+$0x0]  }
0x55: {  	s4 =	simm.s32 $0x180;
	s3 =	sand.u32 $0x280, s3  }
0x56: {  	s4 =	sand.u32 $0x380, s4;
	s11 =	sor.u32 s3, s1  }
0x57: {  	s29 =	simm.s32 $0x202;
	s1 =	sor.u32 s4, s1;
	v6 =	vld [tilespmem:s11+$0x0]  }
0x58: {  	v7 =	vld [tilespmem:s1+$0x0];
	[tilespmem:s29+$0x11DFE] =	vst v5  }
0x59: {  	[tilespmem:s29+$0x12000] =	vst v4;
	v5 =	vld [tilespmem:s6+$0x10]  }
0x5a: {  	v4 =	vld [tilespmem:s0+$0x10];
	_ =	sdelay $0x1  }
0x5b: {  	[tilespmem:s29+$0x11EFF] =	vst v6  }
0x5c: {  	v6 =	vld [tilespmem:s11+$0x10];
	[tilespmem:s29+$0x12101] =	vst v7  }
0x5d: {  	v7 =	vld [tilespmem:s1+$0x10];
	[tilespmem:s29+$0x11E0E] =	vst v5  }
0x5e: {  	[tilespmem:s29+$0x12010] =	vst v4;
	v5 =	vld [tilespmem:s6+$0x20]  }
0x5f: {  	v4 =	vld [tilespmem:s0+$0x20];
	_ =	sdelay $0x1  }
0x60: {  	[tilespmem:s29+$0x11F0F] =	vst v6  }
0x61: {  	v6 =	vld [tilespmem:s11+$0x20];
	[tilespmem:s29+$0x12111] =	vst v7  }
0x62: {  	v7 =	vld [tilespmem:s1+$0x20];
	[tilespmem:s29+$0x11E1E] =	vst v5  }
0x63: {  	[tilespmem:s29+$0x12020] =	vst v4;
	v5 =	vld [tilespmem:s6+$0x30]  }
0x64: {  	v4 =	vld [tilespmem:s0+$0x30];
	_ =	sdelay $0x1  }
0x65: {  	[tilespmem:s29+$0x11F1F] =	vst v6  }
0x66: {  	v6 =	vld [tilespmem:s11+$0x30];
	[tilespmem:s29+$0x12121] =	vst v7  }
0x67: {  	v7 =	vld [tilespmem:s1+$0x30];
	[tilespmem:s29+$0x11E2E] =	vst v5  }
0x68: {  	[tilespmem:s29+$0x12030] =	vst v4;
	v5 =	vld [tilespmem:s6+$0x40]  }
0x69: {  	v4 =	vld [tilespmem:s0+$0x40];
	_ =	sdelay $0x1  }
0x6a: {  	[tilespmem:s29+$0x11F2F] =	vst v6  }
0x6b: {  	v6 =	vld [tilespmem:s11+$0x40];
	[tilespmem:s29+$0x12131] =	vst v7  }
0x6c: {  	v7 =	vld [tilespmem:s1+$0x40];
	[tilespmem:s29+$0x11E3E] =	vst v5  }
0x6d: {  	[tilespmem:s29+$0x12040] =	vst v4;
	v5 =	vld [tilespmem:s6+$0x50]  }
0x6e: {  	v4 =	vld [tilespmem:s0+$0x50];
	_ =	sdelay $0x1  }
0x6f: {  	[tilespmem:s29+$0x11F3F] =	vst v6  }
0x70: {  	v6 =	vld [tilespmem:s11+$0x50];
	[tilespmem:s29+$0x12141] =	vst v7  }
0x71: {  	v7 =	vld [tilespmem:s1+$0x50];
	[tilespmem:s29+$0x11E4E] =	vst v5  }
0x72: {  	[tilespmem:s29+$0x12050] =	vst v4;
	v5 =	vld [tilespmem:s6+$0x60]  }
0x73: {  	s12 =	sand.u32 $0x7, s7;
	v4 =	vld [tilespmem:s0+$0x60]  }
0x74: {  	p2 =	por $0x0, $0x0;
	s3 =	simm.s32 $0x1;
	s5 =	sshll.u32 s12, $0x7  }
0x75: {  	s3 =	simm.s32 @!p2 $0x0;
	s13 =	sadd.s32 $0x0, s5;
	[tilespmem:s29+$0x11F4F] =	vst v6  }
0x76: {  	s15 =	simm.s32 $0x300;
	s3 =	sshll.u32 s3, $0x9;
	s5 =	sadd.s32 $0x80, s13;
	v6 =	vld [tilespmem:s11+$0x60];
	[tilespmem:s29+$0x12151] =	vst v7  }
0x77: {  	s4 =	sadd.s32 $0x0, s3;
	s3 =	sadd.s32 $0x180, s13;
	s13 =	simm.s32 $0x400;
	v7 =	vld [tilespmem:s1+$0x60];
	[tilespmem:s29+$0x11E5E] =	vst v5  }
0x78: {  	s16 =	sand.u32 $0x300, s15;
	s10 =	sand.u32 $0x3800, s13;
	[tilespmem:s29+$0x12060] =	vst v4;
	v5 =	vld [tilespmem:s6+$0x70]  }
0x79: {  	s8 =	sor.u32 s16, s10;
	v4 =	vld [tilespmem:s0+$0x70]  }
0x7a: {  	s14 =	sand.u32 $0x3, s7;
	v8 =	vld [tilespmem:s8+$0x0]  }
0x7b: {  	s17 =	simm.s32 $0x200;
	s7 =	sshll.u32 s14, $0x8;
	[tilespmem:s29+$0x11F5F] =	vst v6  }
0x7c: {  	s18 =	sand.u32 $0x200, s17;
	s7 =	sadd.s32 $0x0, s7;
	v6 =	vld [tilespmem:s11+$0x70];
	[tilespmem:s29+$0x12161] =	vst v7  }
0x7d: {  	s2 =	sadd.s32 $0x100, s7;
	s7 =	sor.u32 s18, s10;
	v7 =	vld [tilespmem:s1+$0x70];
	[tilespmem:s29+$0x11E6E] =	vst v5  }
0x7e: {  	s30 =	simm.s32 $0x606;
	s12 =	sor.u32 $0x400, s4;
	[tilespmem:s29+$0x12070] =	vst v4;
	v4 =	vld [tilespmem:s7+$0x0]  }
0x7f: {  	s19 =	simm.s32 $0x808;
	s22 =	simm.s32 $0x0;
	[tilespmem:s30+$0x12000] =	vst v8;
	v5 =	vld [tilespmem:s12+$0x0]  }
0x80: {  	s24 =	simm.s32 $0x404;
	s26 =	simm.s32 $0xC0C;
	s9 =	sor.u32 $0x400, s2;
	v8 =	vld [tilespmem:s8+$0x10]  }
0x81: {  	s23 =	sand.u32 $0xFFFFFE00, s22;
	s15 =	simm.s32 $0x280;
	s20 =	sor.u32 $0x400, s5;
	[tilespmem:s29+$0x11F6F] =	vst v6;
	v9 =	vld [tilespmem:s9+$0x0]  }
0x82: {  	s25 =	sor.u32 $0x410, s2;
	s11 =	sor.u32 $0x400, s3;
	s1 =	sadd.s32 $0x200, s23;
	v6 =	vld [tilespmem:s20+$0x0];
	[tilespmem:s29+$0x12171] =	vst v7  }
0x83: {  	s21 =	sor.u32 $0x410, s4;
	s6 =	sand.u32 $0xFFFFFE00, s19;
	s1 =	sshra.s32 s1, $0x2;
	v7 =	vld [tilespmem:s11+$0x0];
	[tilespmem:s30+$0x11DFE] =	vst v4  }
0x84: {  	s16 =	simm.s32 $0x380;
	s6 =	sadd.s32 $0x208, s6;
	s12 =	sand.u32 $0xFFFFFE00, s24;
	[tilespmem:s1+$0x12000] =	vst v5;
	v4 =	vld [tilespmem:s7+$0x10]  }
0x85: {  	[tilespmem:s30+$0x12010] =	vst v8;
	s6 =	sshra.s32 s6, $0x2;
	s11 =	sand.u32 $0xFFFFFE00, s26;
	s12 =	sadd.s32 $0x204, s12;
	v5 =	vld [tilespmem:s21+$0x0]  }
0x86: {  	v8 =	vld [tilespmem:s8+$0x20];
	s14 =	sadd.s32 $0x20C, s11;
	s12 =	sshra.s32 s12, $0x2;
	s11 =	sand.u32 $0x280, s15;
	[tilespmem:s6+$0x12000] =	vst v9  }
0x87: {  	s17 =	sand.u32 $0x380, s16;
	s9 =	sor.u32 s11, s10;
	[tilespmem:s12+$0x12000] =	vst v6;
	s6 =	sshra.s32 s14, $0x2;
	v9 =	vld [tilespmem:s25+$0x0]  }
0x88: {  	v6 =	vld [tilespmem:s9+$0x0];
	[tilespmem:s6+$0x12000] =	vst v7;
	s6 =	sor.u32 s17, s10  }
0x89: {  	s19 =	sor.u32 $0x410, s3;
	v7 =	vld [tilespmem:s6+$0x0];
	[tilespmem:s30+$0x11E0E] =	vst v4  }
0x8a: {  	[tilespmem:s29+$0x11E8E] =	vst v5;
	v5 =	vld [tilespmem:s19+$0x0]  }
0x8b: {  	s18 =	sor.u32 $0x410, s5;
	[tilespmem:s30+$0x12020] =	vst v8;
	v4 =	vld [tilespmem:s7+$0x20]  }
0x8c: {  	[tilespmem:s29+$0x12090] =	vst v9;
	v9 =	vld [tilespmem:s18+$0x0]  }
0x8d: {  	v8 =	vld [tilespmem:s8+$0x30];
	[tilespmem:s30+$0x11EFF] =	vst v6  }
0x8e: {  	v6 =	vld [tilespmem:s9+$0x10];
	[tilespmem:s30+$0x12101] =	vst v7  }
0x8f: {  	s21 =	sor.u32 $0x420, s4;
	v7 =	vld [tilespmem:s6+$0x10];
	[tilespmem:s29+$0x12191] =	vst v5  }
0x90: {  	s20 =	sor.u32 $0x420, s2;
	v5 =	vld [tilespmem:s21+$0x0];
	[tilespmem:s30+$0x11E1E] =	vst v4  }
0x91: {  	[tilespmem:s29+$0x11F8F] =	vst v9;
	v9 =	vld [tilespmem:s20+$0x0]  }
0x92: {  	[tilespmem:s30+$0x12030] =	vst v8;
	v4 =	vld [tilespmem:s7+$0x30]  }
0x93: {  	v8 =	vld [tilespmem:s8+$0x40];
	[tilespmem:s30+$0x11F0F] =	vst v6  }
0x94: {  	v6 =	vld [tilespmem:s9+$0x20];
	[tilespmem:s30+$0x12111] =	vst v7  }
0x95: {  	s22 =	sor.u32 $0x420, s5;
	v7 =	vld [tilespmem:s6+$0x20];
	[tilespmem:s29+$0x11E9E] =	vst v5  }
0x96: {  	s23 =	sor.u32 $0x430, s2;
	[tilespmem:s29+$0x120A0] =	vst v9;
	v9 =	vld [tilespmem:s22+$0x0]  }
0x97: {  	[tilespmem:s30+$0x11E2E] =	vst v4;
	v5 =	vld [tilespmem:s23+$0x0]  }
0x98: {  	[tilespmem:s30+$0x12040] =	vst v8;
	v4 =	vld [tilespmem:s7+$0x40]  }
0x99: {  	v8 =	vld [tilespmem:s8+$0x50];
	[tilespmem:s30+$0x11F1F] =	vst v6  }
0x9a: {  	v6 =	vld [tilespmem:s9+$0x30];
	[tilespmem:s30+$0x12121] =	vst v7  }
0x9b: {  	s24 =	sor.u32 $0x420, s3;
	v7 =	vld [tilespmem:s6+$0x30];
	[tilespmem:s29+$0x11F9F] =	vst v9  }
0x9c: {  	s25 =	sor.u32 $0x440, s2;
	[tilespmem:s29+$0x120B0] =	vst v5;
	v5 =	vld [tilespmem:s24+$0x0]  }
0x9d: {  	[tilespmem:s30+$0x11E3E] =	vst v4;
	v9 =	vld [tilespmem:s25+$0x0]  }
0x9e: {  	[tilespmem:s30+$0x12050] =	vst v8;
	v4 =	vld [tilespmem:s7+$0x50]  }
0x9f: {  	v8 =	vld [tilespmem:s8+$0x60];
	[tilespmem:s30+$0x11F2F] =	vst v6  }
0xa0: {  	v6 =	vld [tilespmem:s9+$0x40];
	[tilespmem:s30+$0x12131] =	vst v7  }
0xa1: {  	s26 =	sor.u32 $0x430, s4;
	v7 =	vld [tilespmem:s6+$0x40];
	[tilespmem:s29+$0x121A1] =	vst v5  }
0xa2: {  	s0 =	sor.u32 $0x430, s5;
	v5 =	vld [tilespmem:s26+$0x0];
	[tilespmem:s29+$0x120C0] =	vst v9  }
0xa3: {  	v9 =	vld [tilespmem:s0+$0x0];
	[tilespmem:s30+$0x11E4E] =	vst v4  }
0xa4: {  	[tilespmem:s30+$0x12060] =	vst v8;
	v4 =	vld [tilespmem:s7+$0x60]  }
0xa5: {  	[tilespmem:s30+$0x11F3F] =	vst v6  }
0xa6: {  	v6 =	vld [tilespmem:s9+$0x50];
	[tilespmem:s30+$0x12141] =	vst v7  }
0xa7: {  	p2 =	por !p2, !p2;
	s15 =	sor.u32 $0x440, s4;
	s11 =	sor.u32 $0x470, s4;
	v7 =	vld [tilespmem:s6+$0x50];
	[tilespmem:s29+$0x11EAE] =	vst v5  }
0xa8: {  	v8 =	vld [tilespmem:s8+$0x70];
	s1 =	sor.u32 $0x430, s3;
	s14 =	sor.u32 $0x450, s5;
	s10 =	sor.u32 $0x460, s5;
	[tilespmem:s29+$0x11FAF] =	vst v9  }
0xa9: {  	s21 =	simm.s32 $0x2;
	s20 =	sor.u32 $0x440, s5;
	s5 =	sor.u32 $0x470, s5;
	v5 =	vld [tilespmem:s1+$0x0];
	[tilespmem:s30+$0x11E5E] =	vst v4  }
0xaa: {  	s12 =	sor.u32 $0x460, s4;
	s22 =	sand.u32 $0x3, s21;
	v4 =	vld [tilespmem:s7+$0x70];
	[dreg:$0xc] =	wrdreg s5  }
0xab: {  	s17 =	sor.u32 $0x440, s3;
	s19 =	simm.s32 $0x1;
	s23 =	sshll.u32 s22, $0x8;
	[tilespmem:s30+$0x11F4F] =	vst v6  }
0xac: {  	s18 =	sor.u32 $0x450, s4;
	s19 =	simm.s32 @!p2 $0x0;
	s24 =	sadd.s32 $0x400, s23;
	v9 =	vld [tilespmem:s15+$0x0];
	[tilespmem:s30+$0x12151] =	vst v7  }
0xad: {  	s22 =	sor.u32 $0x450, s2;
	s8 =	sadd.s32 $0x100, s24;
	s26 =	sor.u32 $0x470, s3;
	[tilespmem:s30+$0x12070] =	vst v8;
	v6 =	vld [tilespmem:s9+$0x60]  }
0xae: {  	s25 =	sshll.u32 s19, $0x9;
	s5 =	sor.u32 $0x400, s8;
	v7 =	vld [tilespmem:s6+$0x60];
	[dreg:$0x10] =	wrdreg s26  }
0xaf: {  	s23 =	simm.s32 $0x1818;
	s4 =	sadd.s32 $0x400, s25;
	s15 =	simm.s32 $0x4;
	v8 =	vld [tilespmem:s5+$0x0];
	[tilespmem:s29+$0x121B1] =	vst v5  }
0xb0: {  	s0 =	sor.u32 $0x450, s3;
	s1 =	sor.u32 $0x400, s4;
	s19 =	sand.u32 $0x7, s15;
	[tilespmem:s30+$0x11E6E] =	vst v4  }
0xb1: {  	s7 =	sor.u32 $0x460, s3;
	s3 =	sand.u32 $0xFFFFFE00, s23;
	s5 =	sshll.u32 s19, $0x7;
	v5 =	vld [tilespmem:s22+$0x0];
	[tilespmem:s29+$0x11EBE] =	vst v9  }
0xb2: {  	s3 =	sadd.s32 $0x218, s3;
	s5 =	sadd.s32 $0x400, s5;
	v4 =	vld [tilespmem:s1+$0x0];
	[tilespmem:s30+$0x11F5F] =	vst v6  }
0xb3: {  	s24 =	simm.s32 $0x1010;
	s3 =	sshra.s32 s3, $0x2;
	s26 =	sadd.s32 $0x80, s5;
	v9 =	vld [tilespmem:s20+$0x0];
	[tilespmem:s30+$0x12161] =	vst v7  }
0xb4: {  	s25 =	sand.u32 $0xFFFFFE00, s24;
	s20 =	sor.u32 $0x420, s26;
	v6 =	vld [tilespmem:s9+$0x70];
	[tilespmem:s3+$0x12000] =	vst v8  }
0xb5: {  	s15 =	sadd.s32 $0x210, s25;
	v7 =	vld [tilespmem:s17+$0x0];
	[dreg:$0x12] =	wrdreg s20  }
0xb6: {  	s17 =	sshra.s32 s15, $0x2;
	[tilespmem:s29+$0x120D0] =	vst v5  }
0xb7: {  	s24 =	sor.u32 $0x420, s4;
	s25 =	sor.u32 $0x430, s4;
	v8 =	vld [tilespmem:s18+$0x0];
	[tilespmem:s17+$0x12000] =	vst v4  }
0xb8: {  	s22 =	sor.u32 $0x460, s2;
	s19 =	sadd.s32 $0x180, s5;
	s5 =	sor.u32 $0x400, s26;
	v4 =	vld [tilespmem:s6+$0x70];
	[tilespmem:s29+$0x11FBF] =	vst v9  }
0xb9: {  	s23 =	sor.u32 $0x430, s26;
	s15 =	sor.u32 $0x470, s26;
	s9 =	sor.u32 $0x410, s26;
	v5 =	vld [tilespmem:s22+$0x0];
	[tilespmem:s30+$0x11F6F] =	vst v6  }
0xba: {  	s20 =	sor.u32 $0x440, s26;
	s18 =	sor.u32 $0x460, s26;
	v9 =	vld [tilespmem:s14+$0x0];
	[dreg:$0x19] =	wrdreg s24  }
0xbb: {  	s17 =	sor.u32 $0x450, s26;
	s26 =	sor.u32 $0x440, s4;
	[dreg:$0xd] =	wrdreg s25  }
0xbc: {  	[dreg:$0xa] =	wrdreg s26  }
0xbd: {  	v6 =	vld [tilespmem:s5+$0x0];
	[tilespmem:s29+$0x121C1] =	vst v7;
	s5 =	sor.u32 $0x450, s4  }
0xbe: {  	s6 =	sor.u32 $0x460, s4;
	[dreg:$0x6] =	wrdreg s5  }
0xbf: {  	[dreg:$0x15] =	wrdreg s6  }
0xc0: {  	[tilespmem:s29+$0x11ECE] =	vst v8  }
0xc1: {  	s2 =	sor.u32 $0x470, s2;
	s1 =	sor.u32 $0x470, s4;
	s24 =	simm.s32 $0x1C1C;
	v7 =	vld [tilespmem:s0+$0x0];
	[tilespmem:s30+$0x12171] =	vst v4  }
0xc2: {  	s3 =	sor.u32 $0x410, s4;
	s25 =	sor.u32 $0x400, s19;
	s5 =	sand.u32 $0xFFFFFE00, s24;
	[tilespmem:s29+$0x120E0] =	vst v5;
	v8 =	vld [tilespmem:s12+$0x0]  }
0xc3: {  	s14 =	simm.s32 $0x1414;
	s26 =	sadd.s32 $0x21C, s5;
	[tilespmem:s29+$0x11FCF] =	vst v9;
	s5 =	sor.u32 $0x420, s19;
	v10 =	vld [tilespmem:s25+$0x0]  }
0xc4: {  	s22 =	sand.u32 $0xFFFFFE00, s14;
	v11 =	vld [tilespmem:s2+$0x0];
	s2 =	sor.u32 $0x410, s19;
	[dreg:$0x1a] =	wrdreg s5  }
0xc5: {  	s4 =	sadd.s32 $0x214, s22;
	s12 =	sor.u32 $0x430, s19;
	[dreg:$0x1d] =	wrdreg s2  }
0xc6: {  	s4 =	sshra.s32 s4, $0x2;
	[dreg:$0x13] =	wrdreg s12  }
0xc7: {  	s14 =	sor.u32 $0x440, s19;
	[tilespmem:s4+$0x12000] =	vst v6  }
0xc8: {  	s22 =	sor.u32 $0x450, s19;
	v9 =	vld [tilespmem:s10+$0x0];
	[dreg:$0x11] =	wrdreg s14  }
0xc9: {  	s24 =	sor.u32 $0x410, s8;
	s25 =	sor.u32 $0x470, s19;
	[dreg:$0xf] =	wrdreg s22  }
0xca: {  	v6 =	vld [tilespmem:s24+$0x0];
	[dreg:$0x9] =	wrdreg s25  }
0xcb: {  	s28 =	simm.s32 $0x210;
	s31 =	simm.s32 $0x218;
	[tilespmem:s29+$0x121D1] =	vst v7  }
0xcc: {  	p2 =	por !p2, !p2;
	s5 =	sor.u32 $0x460, s19;
	s26 =	sshra.s32 s26, $0x2;
	[tilespmem:s29+$0x11EDE] =	vst v8;
	v7 =	vld [tilespmem:s3+$0x0]  }
0xcd: {  	s12 =	simm.s32 $0x214;
	s4 =	simm.s32 $0x4;
	s10 =	simm.s32 $0x8;
	[tilespmem:s26+$0x12000] =	vst v10;
	v8 =	vld [tilespmem:s9+$0x0]  }
0xce: {  	s14 =	simm.s32 $0x21C;
	s22 =	simm.s32 $0x505;
	s25 =	simm.s32 $0x1818;
	[tilespmem:s29+$0x120F0] =	vst v11;
	v4 =	vld [tilespmem:s7+$0x0]  }
0xcf: {  	s24 =	simm.s32 $0x707;
	s26 =	simm.s32 $0x606;
	v5 =	vld [tilespmem:s11+$0x0];
	s7 =	simm.s32 $0x404;
	[tilespmem:s29+$0x11FDF] =	vst v9  }
.LBB2_4:
0xd0: {  	[smem:$0x7E2] =	sst s20  }
0xd1: {  	[smem:$0x7E6] =	sst s17  }
0xd2: {  	[smem:$0x7ED] =	sst s1  }
0xd3: {  	[smem:$0x7E9] =	sst s18  }
0xd4: {  	[dreg:$0x1f] =	wrdreg s5  }
0xd5: {  	s0 =	rddreg [dreg:$0x1d]  }
0xd6: {  	s2 =	simm.s32 $0x1;
	s20 =	rddreg [dreg:$0xc]  }
0xd7: {  	s3 =	sand.u32 $0x7, s10;
	s6 =	sor.u32 $0x420, s8;
	s1 =	rddreg [dreg:$0x10]  }
0xd8: {  	s16 =	sadd.s32 $0x200, s16;
	s13 =	sadd.s32 $0x400, s13;
	s17 =	rddreg [dreg:$0x12]  }
0xd9: {  	[tilespmem:s30+$0x12090] =	vst v6;
	s2 =	simm.s32 @!p2 $0x0;
	s3 =	sshll.u32 s3, $0x7;
	[dreg:$0x5] =	wrdreg s16  }
0xda: {  	v9 =	vld [tilespmem:s6+$0x0];
	s19 =	sadd.s32 $0xFFFFFF80, s16;
	s6 =	sand.u32 $0x3800, s13;
	s9 =	sadd.s32 $0xFFFFFE80, s16  }
0xdb: {  	v6 =	vld [tilespmem:s0+$0x0];
	s11 =	sadd.s32 $0xFFFFFF00, s16;
	s16 =	sand.u32 $0x380, s16;
	s0 =	smov.u32 s21  }
0xdc: {  	[tilespmem:s29+$0x121E1] =	vst v4;
	s2 =	sshll.u32 s2, $0x9;
	s5 =	sand.u32 $0x300, s19;
	s9 =	sand.u32 $0x200, s9  }
0xdd: {  	[tilespmem:s29+$0x11EEE] =	vst v5;
	v5 =	vld [tilespmem:s1+$0x0];
	s11 =	sand.u32 $0x280, s11;
	s1 =	sadd.s32 s3, s13;
	s18 =	sor.u32 s5, s6  }
0xde: {  	s5 =	rddreg [dreg:$0x19];
	s19 =	sor.u32 s9, s6;
	s9 =	sor.u32 s11, s6  }
0xdf: {  	s21 =	sadd.s32 s2, s13;
	s11 =	sor.u32 s16, s6;
	s16 =	smov.u32 s23;
	[tilespmem:s30+$0x11E8E] =	vst v7  }
0xe0: {  	s23 =	sadd.s32 $0x180, s1;
	v7 =	vld [tilespmem:s5+$0x0];
	s5 =	sadd.s32 $0x80, s1;
	s1 =	sor.u32 $0x410, s21  }
0xe1: {  	v4 =	vld [tilespmem:s20+$0x0];
	[smem:$0x7EF] =	sst s1  }
0xe2: {  	s2 =	sor.u32 $0x400, s5;
	s1 =	rddreg [dreg:$0x1a]  }
0xe3: {  	[tilespmem:s30+$0x11F8F] =	vst v8;
	s6 =	sor.u32 $0x410, s5;
	[smem:$0x7EB] =	sst s2  }
0xe4: {  	s20 =	sor.u32 $0x430, s8;
	v8 =	vld [tilespmem:s18+$0x0];
	[tilespmem:s30+$0x120A0] =	vst v9;
	s2 =	sor.u32 $0x400, s23;
	[smem:$0x7F2] =	sst s6  }
0xe5: {  	[tilespmem:s30+$0x12191] =	vst v6;
	v9 =	vld [tilespmem:s20+$0x0];
	s20 =	sor.u32 $0x410, s23;
	[smem:$0x7EC] =	sst s2  }
0xe6: {  	v6 =	vld [tilespmem:s17+$0x0];
	[tilespmem:s29+$0x11FEF] =	vst v4;
	s6 =	sor.u32 $0x420, s21;
	[dreg:$0x1d] =	wrdreg s20  }
0xe7: {  	s25 =	sadd.s32 $0x1010, s25;
	v4 =	vld [tilespmem:s19+$0x0];
	[tilespmem:s29+$0x121F1] =	vst v5;
	s29 =	sor.u32 $0x450, s5;
	[dreg:$0x19] =	wrdreg s6  }
0xe8: {  	s17 =	sshra.s32 s25, $0x2;
	s6 =	sor.u32 $0x440, s5;
	[smem:$0x7E7] =	sst s29  }
0xe9: {  	s3 =	sor.u32 $0x400, s21;
	v5 =	vld [tilespmem:s9+$0x0];
	s29 =	sor.u32 $0x440, s23;
	[tilespmem:s17+$0x12000] =	vst v8;
	[smem:$0x7E3] =	sst s6  }
0xea: {  	s20 =	sor.u32 $0x420, s23;
	[smem:$0x7E4] =	sst s29;
	s29 =	sor.u32 $0x450, s21;
	[tilespmem:s30+$0x11E9E] =	vst v7;
	v7 =	vld [tilespmem:s11+$0x0]  }
0xeb: {  	s2 =	sor.u32 $0x440, s8;
	v8 =	vld [tilespmem:s18+$0x10];
	[smem:$0x7E5] =	sst s29;
	s29 =	sor.u32 $0x460, s5;
	[tilespmem:s30+$0x11F9F] =	vst v6  }
0xec: {  	v6 =	vld [tilespmem:s1+$0x0];
	[tilespmem:s17+$0x11DFE] =	vst v4;
	s1 =	smov.u32 s13;
	[smem:$0x7EE] =	sst s29;
	s29 =	sor.u32 $0x450, s23  }
0xed: {  	s13 =	smov.u32 s15;
	[tilespmem:s30+$0x120B0] =	vst v9;
	v9 =	vld [tilespmem:s19+$0x10];
	[smem:$0x7E8] =	sst s29;
	s29 =	sor.u32 $0x460, s21  }
0xee: {  	s15 =	sor.u32 $0x430, s21;
	[tilespmem:s17+$0x11EFF] =	vst v5;
	v4 =	vld [tilespmem:s2+$0x0];
	[smem:$0x7F0] =	sst s29;
	s29 =	sor.u32 $0x460, s23  }
0xef: {  	s2 =	sor.u32 $0x440, s21;
	v5 =	vld [tilespmem:s9+$0x10];
	s21 =	sor.u32 $0x470, s21;
	[smem:$0x7F1] =	sst s29;
	[tilespmem:s17+$0x12101] =	vst v7  }
0xf0: {  	s6 =	sor.u32 $0x430, s23;
	[smem:$0x7F3] =	sst s21;
	s21 =	sor.u32 $0x470, s23;
	[tilespmem:s17+$0x12010] =	vst v8;
	v7 =	vld [tilespmem:s11+$0x10]  }
0xf1: {  	s29 =	smov.u32 s30;
	s23 =	rddreg [dreg:$0xd];
	v8 =	vld [tilespmem:s18+$0x20];
	[tilespmem:s30+$0x121A1] =	vst v6;
	s30 =	smov.u32 s17  }
0xf2: {  	v6 =	vld [tilespmem:s23+$0x0];
	[tilespmem:s30+$0x11E0E] =	vst v9  }
0xf3: {  	s23 =	sor.u32 $0x450, s8;
	[tilespmem:s29+$0x120C0] =	vst v4;
	v9 =	vld [tilespmem:s19+$0x20]  }
0xf4: {  	[tilespmem:s30+$0x11F0F] =	vst v5;
	v4 =	vld [tilespmem:s23+$0x0]  }
0xf5: {  	[tilespmem:s30+$0x12111] =	vst v7  }
0xf6: {  	v5 =	vld [tilespmem:s9+$0x20];
	[tilespmem:s30+$0x12020] =	vst v8  }
0xf7: {  	s17 =	smov.u32 s20;
	[tilespmem:s29+$0x11EAE] =	vst v6;
	v7 =	vld [tilespmem:s11+$0x20]  }
0xf8: {  	[dreg:$0x1a] =	wrdreg s17;
	s17 =	smov.u32 s13;
	v8 =	vld [tilespmem:s18+$0x30];
	[tilespmem:s30+$0x11E1E] =	vst v9  }
0xf9: {  	[dreg:$0xc] =	wrdreg s17;
	s17 =	sor.u32 $0x460, s8;
	[tilespmem:s29+$0x120D0] =	vst v4;
	v9 =	vld [tilespmem:s19+$0x30]  }
0xfa: {  	v4 =	vld [tilespmem:s17+$0x0]  }
0xfb: {  	v6 =	vld [tilespmem:s16+$0x0];
	[tilespmem:s30+$0x11F1F] =	vst v5  }
0xfc: {  	[smem:$0x7EA] =	sst s3;
	s3 =	sor.u32 $0x420, s5;
	v5 =	vld [tilespmem:s9+$0x30];
	[tilespmem:s30+$0x12121] =	vst v7  }
0xfd: {  	[dreg:$0x12] =	wrdreg s3;
	[tilespmem:s30+$0x12030] =	vst v8;
	v7 =	vld [tilespmem:s11+$0x30]  }
0xfe: {  	s3 =	sor.u32 $0x430, s5;
	s13 =	smov.u32 s1;
	s1 =	rddreg [dreg:$0x13];
	v8 =	vld [tilespmem:s18+$0x40];
	[tilespmem:s30+$0x11E2E] =	vst v9  }
0xff: {  	s5 =	sor.u32 $0x470, s5;
	s20 =	rddreg [dreg:$0x9];
	s23 =	smov.u32 s15;
	[tilespmem:s29+$0x120E0] =	vst v4;
	v4 =	vld [tilespmem:s1+$0x0]  }
0x100: {  	[dreg:$0xd] =	wrdreg s23;
	s23 =	smov.u32 s20;
	s20 =	sor.u32 $0x470, s8;
	[tilespmem:s29+$0x11FAF] =	vst v6;
	v9 =	vld [tilespmem:s19+$0x40]  }
0x101: {  	s15 =	smov.u32 s5;
	s5 =	smov.u32 s21;
	[tilespmem:s30+$0x11F2F] =	vst v5;
	v6 =	vld [tilespmem:s20+$0x0]  }
0x102: {  	[dreg:$0x9] =	wrdreg s5;
	v5 =	vld [tilespmem:s9+$0x40];
	[tilespmem:s30+$0x12131] =	vst v7  }
0x103: {  	s8 =	rddreg [dreg:$0xa];
	[tilespmem:s30+$0x12040] =	vst v8;
	v7 =	vld [tilespmem:s11+$0x40]  }
0x104: {  	s20 =	sld [smem:$0x7E2];
	v8 =	vld [tilespmem:s18+$0x50];
	[tilespmem:s29+$0x121B1] =	vst v4  }
0x105: {  	[dreg:$0x10] =	wrdreg s23;
	v4 =	vld [tilespmem:s8+$0x0];
	[tilespmem:s30+$0x11E3E] =	vst v9  }
0x106: {  	s23 =	smov.u32 s3;
	s3 =	sld [smem:$0x7E4];
	[tilespmem:s29+$0x120F0] =	vst v6;
	v9 =	vld [tilespmem:s19+$0x50]  }
0x107: {  	s5 =	smov.u32 s6;
	s6 =	rddreg [dreg:$0x6];
	v6 =	vld [tilespmem:s20+$0x0];
	[tilespmem:s30+$0x11F3F] =	vst v5  }
0x108: {  	[dreg:$0x13] =	wrdreg s5;
	v5 =	vld [tilespmem:s9+$0x50];
	[tilespmem:s30+$0x12141] =	vst v7  }
0x109: {  	s5 =	smov.u32 s3;
	s3 =	sld [smem:$0x7E6];
	[tilespmem:s30+$0x12050] =	vst v8;
	v7 =	vld [tilespmem:s11+$0x50]  }
0x10a: {  	s17 =	smov.u32 s2;
	s2 =	rddreg [dreg:$0x11];
	v8 =	vld [tilespmem:s18+$0x60];
	[tilespmem:s29+$0x11EBE] =	vst v4  }
0x10b: {  	[dreg:$0x11] =	wrdreg s5;
	v4 =	vld [tilespmem:s2+$0x0];
	[tilespmem:s30+$0x11E4E] =	vst v9  }
0x10c: {  	s5 =	sld [smem:$0x7E7];
	[tilespmem:s29+$0x11FBF] =	vst v6;
	v6 =	vld [tilespmem:s6+$0x0]  }
0x10d: {  	s8 =	sld [smem:$0x7E5];
	v9 =	vld [tilespmem:s19+$0x60];
	[tilespmem:s30+$0x11F4F] =	vst v5  }
0x10e: {  	s26 =	sadd.s32 $0x404, s26;
	s24 =	sadd.s32 $0x404, s24;
	[dreg:$0xa] =	wrdreg s17;
	v5 =	vld [tilespmem:s9+$0x60];
	[tilespmem:s30+$0x12151] =	vst v7  }
0x10f: {  	s28 =	sadd.s32 $0x10, s28;
	s31 =	sadd.s32 $0x10, s31;
	s1 =	sld [smem:$0x7E3];
	[tilespmem:s30+$0x12060] =	vst v8;
	v7 =	vld [tilespmem:s11+$0x60]  }
0x110: {  	s21 =	smov.u32 s0;
	s17 =	smov.u32 s8;
	s8 =	sld [smem:$0x7E8];
	v8 =	vld [tilespmem:s18+$0x70]  }
0x111: {  	s7 =	sadd.s32 $0x404, s7;
	s21 =	sadd.s32 $0x2, s21;
	[dreg:$0x6] =	wrdreg s17;
	[tilespmem:s29+$0x121C1] =	vst v4;
	v4 =	vld [tilespmem:s3+$0x0]  }
0x112: {  	s20 =	smov.u32 s1;
	s1 =	sand.u32 $0x3, s21;
	s6 =	rddreg [dreg:$0xf];
	[tilespmem:s29+$0x11ECE] =	vst v6  }
0x113: {  	s17 =	smov.u32 s5;
	s5 =	sld [smem:$0x7EA];
	s2 =	sshll.u32 s1, $0x8;
	v6 =	vld [tilespmem:s6+$0x0];
	[tilespmem:s30+$0x11E5E] =	vst v9  }
0x114: {  	s12 =	sadd.s32 $0x10, s12;
	s1 =	rddreg [dreg:$0x15];
	s2 =	sadd.s32 s13, s2;
	[tilespmem:s30+$0x11F5F] =	vst v5;
	v9 =	vld [tilespmem:s19+$0x70]  }
0x115: {  	s18 =	smov.u32 s8;
	s8 =	sadd.s32 $0x100, s2;
	s3 =	sld [smem:$0x7E9];
	v5 =	vld [tilespmem:s9+$0x70];
	[tilespmem:s30+$0x12070] =	vst v8  }
0x116: {  	s22 =	sadd.s32 $0x404, s22;
	[dreg:$0xf] =	wrdreg s18;
	s2 =	sor.u32 $0x400, s8;
	[tilespmem:s29+$0x11FCF] =	vst v4;
	v4 =	vld [tilespmem:s1+$0x0]  }
0x117: {  	s6 =	sshll.u32 s7, $0x2;
	s19 =	sshll.u32 s26, $0x2;
	s9 =	sld [smem:$0x7EB];
	[tilespmem:s30+$0x12161] =	vst v7;
	v8 =	vld [tilespmem:s2+$0x0]  }
0x118: {  	s1 =	sshll.u32 s24, $0x2;
	v7 =	vld [tilespmem:s11+$0x70];
	[tilespmem:s29+$0x121D1] =	vst v6;
	s2 =	sand.u32 $0xFFFFFE00, s19;
	s11 =	sshll.u32 s22, $0x2  }
0x119: {  	s19 =	sld [smem:$0x7EC];
	s2 =	sadd.s32 s2, s31;
	[tilespmem:s30+$0x11E6E] =	vst v9;
	v9 =	vld [tilespmem:s3+$0x0];
	s3 =	sand.u32 $0xFFFFFE00, s6  }
0x11a: {  	[tilespmem:s30+$0x11F6F] =	vst v5;
	s6 =	sand.u32 $0xFFFFFE00, s1;
	s1 =	sld [smem:$0x7EF];
	v10 =	vld [tilespmem:s5+$0x0];
	s5 =	sand.u32 $0xFFFFFE00, s11  }
0x11b: {  	s2 =	sshra.s32 s2, $0x2;
	v11 =	vld [tilespmem:s9+$0x0];
	s9 =	rddreg [dreg:$0x1f];
	[tilespmem:s29+$0x11EDE] =	vst v4;
	s5 =	sadd.s32 s5, s12  }
0x11c: {  	s18 =	sor.u32 $0x410, s8;
	[tilespmem:s2+$0x12000] =	vst v8;
	s11 =	sshra.s32 s5, $0x2;
	s5 =	sld [smem:$0x7F0]  }
0x11d: {  	s3 =	sadd.s32 s3, s28;
	[tilespmem:s30+$0x12171] =	vst v7;
	v6 =	vld [tilespmem:s18+$0x0];
	s18 =	sld [smem:$0x7ED]  }
0x11e: {  	s4 =	sadd.s32 $0x4, s4;
	s3 =	sshra.s32 s3, $0x2;
	v12 =	vld [tilespmem:s19+$0x0];
	s19 =	sld [smem:$0x7EE];
	[tilespmem:s29+$0x11FDF] =	vst v9  }
0x11f: {  	p3 =	slt.u32 s4, $0x3C;
	v4 =	vld [tilespmem:s9+$0x0];
	s9 =	sld [smem:$0x7F1];
	[tilespmem:s3+$0x12000] =	vst v10  }
.Ltmp5:
0x120: {  	[tilespmem:s11+$0x12000] =	vst v11;
	s11 =	sld [smem:$0x7F2];
	(pc) =	sbr.rel @p3 .LBB2_4-.Ltmp5, $4  }
0x121: {  	s14 =	sadd.s32 $0x10, s14;
	v5 =	vld [tilespmem:s18+$0x0];
	s18 =	smov.u32 s19;
	s19 =	sld [smem:$0x7F3]  }
0x122: {  	s10 =	sadd.s32 $0x4, s10;
	p2 =	por !p2, !p2;
	s2 =	sadd.s32 s6, s14  }
0x123: {  	s16 =	rddreg [dreg:$0x5];
	s2 =	sshra.s32 s2, $0x2;
	s6 =	smov.u32 s5;
	v7 =	vld [tilespmem:s1+$0x0]  }
0x124: {  	[dreg:$0x15] =	wrdreg s6;
	s5 =	smov.u32 s9;
	v8 =	vld [tilespmem:s11+$0x0];
	[tilespmem:s2+$0x12000] =	vst v12;
	s1 =	smov.u32 s19  }
0x125: {  	_ = 	snop  }
0x126: {  	s0 =	rddreg [dreg:$0x1d]  }
0x127: {  	[tilespmem:s30+$0x12090] =	vst v6;
	v9 =	vld [tilespmem:s0+$0x0]  }
0x128: {  	s3 =	sor.u32 $0x420, s8;
	[tilespmem:s30+$0x11E8E] =	vst v7  }
0x129: {  	v6 =	vld [tilespmem:s3+$0x0];
	s4 =	rddreg [dreg:$0x19]  }
0x12a: {  	v7 =	vld [tilespmem:s4+$0x0]  }
0x12b: {  	[tilespmem:s30+$0x11F8F] =	vst v8  }
0x12c: {  	s6 =	rddreg [dreg:$0x12];
	[tilespmem:s30+$0x12191] =	vst v9  }
0x12d: {  	v8 =	vld [tilespmem:s6+$0x0];
	s7 =	rddreg [dreg:$0x1a]  }
0x12e: {  	[tilespmem:s30+$0x120A0] =	vst v6;
	v9 =	vld [tilespmem:s7+$0x0]  }
0x12f: {  	s9 =	sor.u32 $0x430, s8;
	[tilespmem:s30+$0x11E9E] =	vst v7  }
0x130: {  	v6 =	vld [tilespmem:s9+$0x0];
	s10 =	rddreg [dreg:$0xd]  }
0x131: {  	v7 =	vld [tilespmem:s10+$0x0]  }
0x132: {  	[tilespmem:s30+$0x11F9F] =	vst v8  }
0x133: {  	[tilespmem:s30+$0x121A1] =	vst v9  }
0x134: {  	v8 =	vld [tilespmem:s23+$0x0];
	s11 =	rddreg [dreg:$0x13]  }
0x135: {  	[tilespmem:s30+$0x120B0] =	vst v6;
	v9 =	vld [tilespmem:s11+$0x0]  }
0x136: {  	s12 =	sor.u32 $0x440, s8;
	[tilespmem:s30+$0x11EAE] =	vst v7  }
0x137: {  	v6 =	vld [tilespmem:s12+$0x0];
	s13 =	rddreg [dreg:$0xa]  }
0x138: {  	v7 =	vld [tilespmem:s13+$0x0]  }
0x139: {  	[tilespmem:s30+$0x11FAF] =	vst v8  }
0x13a: {  	v8 =	vld [tilespmem:s20+$0x0];
	[tilespmem:s30+$0x121B1] =	vst v9  }
0x13b: {  	s14 =	rddreg [dreg:$0x11]  }
0x13c: {  	[tilespmem:s30+$0x120C0] =	vst v6;
	v9 =	vld [tilespmem:s14+$0x0]  }
0x13d: {  	s16 =	sor.u32 $0x450, s8;
	[tilespmem:s30+$0x11EBE] =	vst v7  }
0x13e: {  	v6 =	vld [tilespmem:s16+$0x0];
	s19 =	rddreg [dreg:$0x6]  }
0x13f: {  	[tilespmem:s30+$0x11FBF] =	vst v8;
	v7 =	vld [tilespmem:s19+$0x0]  }
0x140: {  	v8 =	vld [tilespmem:s17+$0x0]  }
0x141: {  	[tilespmem:s30+$0x121C1] =	vst v9  }
0x142: {  	s20 =	rddreg [dreg:$0xf]  }
0x143: {  	[tilespmem:s30+$0x120D0] =	vst v6;
	v9 =	vld [tilespmem:s20+$0x0]  }
0x144: {  	[tilespmem:s30+$0x11ECE] =	vst v7  }
0x145: {  	s21 =	sor.u32 $0x460, s8;
	[tilespmem:s30+$0x11FCF] =	vst v8  }
0x146: {  	v6 =	vld [tilespmem:s21+$0x0];
	s22 =	rddreg [dreg:$0x15];
	[tilespmem:s29+$0x121E1] =	vst v4  }
0x147: {  	v8 =	vld [tilespmem:s18+$0x0];
	[tilespmem:s29+$0x11EEE] =	vst v5  }
0x148: {  	v7 =	vld [tilespmem:s22+$0x0];
	[tilespmem:s30+$0x121D1] =	vst v9  }
0x149: {  	v4 =	vld [tilespmem:s5+$0x0];
	s23 =	rddreg [dreg:$0xc]  }
0x14a: {  	v5 =	vld [tilespmem:s23+$0x0]  }
0x14b: {  	s24 =	rddreg [dreg:$0x10];
	[tilespmem:s30+$0x120E0] =	vst v6  }
0x14c: {  	[tilespmem:s30+$0x11FDF] =	vst v8  }
0x14d: {  	s25 =	sor.u32 $0x470, s8;
	v9 =	vld [tilespmem:s24+$0x0];
	[tilespmem:s30+$0x11EDE] =	vst v7  }
0x14e: {  	v6 =	vld [tilespmem:s25+$0x0];
	[tilespmem:s30+$0x121E1] =	vst v4  }
0x14f: {  	v7 =	vld [tilespmem:s1+$0x0];
	[tilespmem:s29+$0x11FEF] =	vst v5  }
0x150: {  	v4 =	vld [tilespmem:s15+$0x0];
	s26 =	rddreg [dreg:$0x9]  }
0x151: {  	s3 =	simm.s32 $0x3;
	v5 =	vld [tilespmem:s26+$0x0]  }
0x152: {  	s6 =	simm.s32 $0x1;
	v8 =	vadd.s32 s3, v0;
	[tilespmem:s29+$0x121F1] =	vst v9  }
0x153: {  	[tilespmem:s30+$0x120F0] =	vst v6;
	v6 =	vadd.s32 s6, v0  }
0x154: {  	s28 =	simm.s32 $0x2;
	[tilespmem:s30+$0x11EEE] =	vst v7  }
0x155: {  	s11 =	simm.s32 $0x0;
	[tilespmem:s30+$0x11FEF] =	vst v4;
	v4 =	vadd.s32 s28, v0  }
0x156: {  	s2 =	simm.s32 $0x5;
	s20 =	simm.s32 $0x12000;
	[tilespmem:s30+$0x121F1] =	vst v5;
	v5 =	vadd.s32 s11, v0  }
0x157: {  	v10 =	vadd.s32 s2, v0;
	v7 =	vld.idx.msk [tilespmem:v8+s20+$0x0], $0xffff  }
0x158: {  	v6 =	vld.idx.msk [tilespmem:v6+s20+$0x0], $0xffff;
	v8 =	vadd.s32 s3, v1  }
0x159: {  	s16 =	simm.s32 $0x4;
	v9 =	vadd.s32 s6, v1  }
0x15a: {  	v15 =	vadd.s32 s16, v0;
	v4 =	vld.idx.msk [tilespmem:v4+s20+$0x0], $0xffff  }
0x15b: {  	v11 =	vadd.s32 s28, v1;
	s4 =	simm.s32 $0x8080;
	v5 =	vld.idx.msk [tilespmem:v5+s20+$0x0], $0xffff  }
0x15c: {  	s0 =	simm.s32 $0x6;
	v12 =	vadd.s32 s11, v1;
	v10 =	vld.idx.msk [tilespmem:v10+s20+$0x0], $0xffff;
	[tilespmem:s4+$0x40] =	vst v7  }
0x15d: {  	v7 =	vadd.s32 s0, v0;
	[tilespmem:s4+$0xFFFFFFC0] =	vst v6;
	v6 =	vld.idx.msk [tilespmem:v8+s20+$0x0], $0xffff  }
0x15e: {  	v8 =	vld.idx.msk [tilespmem:v9+s20+$0x0], $0xffff;
	v9 =	vadd.s32 s3, v2  }
0x15f: {  	s7 =	simm.s32 $0x7;
	v18 =	vld.idx.msk [tilespmem:v15+s20+$0x0], $0xffff;
	[tilespmem:s4+$0x0] =	vst v4;
	v4 =	vadd.s32 s6, v2  }
0x160: {  	s8 =	simm.s32 $0xC0;
	[tilespmem:s4+$0xFFFFFF80] =	vst v5;
	v5 =	vld.idx.msk [tilespmem:v11+s20+$0x0], $0xffff;
	v11 =	vadd.s32 s7, v0  }
0x161: {  	v13 =	vadd.s32 s28, v2;
	s9 =	simm.s32 $0x40;
	s29 =	sor.u32 $0x50, s8;
	v12 =	vld.idx.msk [tilespmem:v12+s20+$0x0], $0xffff  }
0x162: {  	s10 =	sor.u32 $0x50, s9;
	v14 =	vld.idx.msk [tilespmem:v7+s20+$0x0], $0xffff;
	v7 =	vadd.s32 s11, v2;
	[tilespmem:s29+$0x8000] =	vst v6  }
0x163: {  	v19 =	vadd.s32 s0, v1;
	s1 =	simm.s32 $0x9;
	[tilespmem:s10+$0x8000] =	vst v8;
	v8 =	vld.idx.msk [tilespmem:v9+s20+$0x0], $0xffff  }
0x164: {  	v9 =	vadd.s32 s1, v0;
	v16 =	vld.idx.msk [tilespmem:v4+s20+$0x0], $0xffff  }
0x165: {  	[tilespmem:s4+$0x10] =	vst v5;
	v5 =	vld.idx.msk [tilespmem:v11+s20+$0x0], $0xffff;
	v11 =	vadd.s32 s3, v3  }
0x166: {  	s3 =	simm.s32 $0x8180;
	[tilespmem:s4+$0xFFFFFF90] =	vst v12;
	v12 =	vadd.s32 s6, v3;
	v17 =	vld.idx.msk [tilespmem:v13+s20+$0x0], $0xffff  }
0x167: {  	v13 =	vadd.s32 s7, v1;
	[tilespmem:s3+$0x0] =	vst v14;
	v6 =	vld.idx.msk [tilespmem:v7+s20+$0x0], $0xffff  }
0x168: {  	s30 =	sor.u32 $0x60, s8;
	[tilespmem:s3+$0xFFFFFFC0] =	vst v10;
	v7 =	vadd.s32 s2, v1;
	v10 =	vld.idx.msk [tilespmem:v19+s20+$0x0], $0xffff  }
0x169: {  	s31 =	sor.u32 $0x60, s9;
	v20 =	vadd.s32 s16, v1;
	v4 =	vld.idx.msk [tilespmem:v9+s20+$0x0], $0xffff;
	[tilespmem:s30+$0x8000] =	vst v8  }
0x16a: {  	v15 =	vadd.s32 s28, v3;
	s6 =	simm.s32 $0xA;
	[tilespmem:s31+$0x8000] =	vst v16;
	v11 =	vld.idx.msk [tilespmem:v11+s20+$0x0], $0xffff  }
0x16b: {  	v9 =	vadd.s32 s6, v0;
	[tilespmem:s3+$0x40] =	vst v5;
	v5 =	vld.idx.msk [tilespmem:v12+s20+$0x0], $0xffff  }
0x16c: {  	[tilespmem:s3+$0xFFFFFF80] =	vst v18;
	v8 =	vld.idx.msk [tilespmem:v13+s20+$0x0], $0xffff;
	v13 =	vadd.s32 s11, v3  }
0x16d: {  	s9 =	sor.u32 $0x70, s9;
	s12 =	sor.u32 $0x70, s8;
	s5 =	simm.s32 $0x8;
	v14 =	vadd.s32 s7, v2;
	[tilespmem:s4+$0x20] =	vst v17;
	v7 =	vld.idx.msk [tilespmem:v7+s20+$0x0], $0xffff  }
0x16e: {  	s10 =	simm.s32 $0xB;
	v16 =	vadd.s32 s2, v2;
	s11 =	simm.s32 $0xC;
	v12 =	vld.idx.msk [tilespmem:v20+s20+$0x0], $0xffff;
	s19 =	sld [smem:$0x7FD]  }
.LBB2_6:
0x16f: {  	p2 =	slt.u32 s11, $0xFC;
	v17 =	vadd.s32 s10, v0;
	v15 =	vld.idx.msk [tilespmem:v15+s20+$0x0], $0xffff;
	[tilespmem:s12+$0x8000] =	vst v11;
	s8 =	sadd.s32 $0x100, s8  }
0x170: {  	v18 =	vld.idx.msk [tilespmem:v9+s20+$0x0], $0xffff;
	s12 =	sadd.s32 $0xFFFFFF80, s8;
	v9 =	vadd.s32 s0, v2;
	s13 =	sor.u32 $0x50, s8;
	[tilespmem:s4+$0xFFFFFFA0] =	vst v6  }
0x171: {  	v6 =	vadd.s32 s16, v2;
	s14 =	sor.u32 $0x50, s12;
	s15 =	sor.u32 $0x60, s12;
	s12 =	sor.u32 $0x70, s12;
	[tilespmem:s13+$0x8000] =	vst v8;
	v8 =	vld.idx.msk [tilespmem:v13+s20+$0x0], $0xffff  }
0x172: {  	v11 =	vadd.s32 s5, v0;
	s13 =	sadd.s32 $0x1, s11;
	[tilespmem:s14+$0x8000] =	vst v7;
	v7 =	vld.idx.msk [tilespmem:v14+s20+$0x0], $0xffff  }
0x173: {  	v13 =	vadd.s32 s13, v0;
	v14 =	vld.idx.msk [tilespmem:v16+s20+$0x0], $0xffff;
	[tilespmem:s3+$0x10] =	vst v10  }
0x174: {  	v10 =	vld.idx.msk [tilespmem:v17+s20+$0x0], $0xffff;
	[tilespmem:s3+$0xFFFFFF90] =	vst v12;
	v12 =	vadd.s32 s7, v3;
	s7 =	smov.u32 s10  }
0x175: {  	v16 =	vadd.s32 s2, v3;
	s2 =	smov.u32 s1;
	s1 =	smov.u32 s13;
	v17 =	vld.idx.msk [tilespmem:v9+s20+$0x0], $0xffff;
	[tilespmem:s9+$0x8000] =	vst v5;
	s9 =	smov.u32 s12  }
0x176: {  	v19 =	vadd.s32 s7, v1;
	v6 =	vld.idx.msk [tilespmem:v6+s20+$0x0], $0xffff;
	[tilespmem:s4+$0x30] =	vst v15  }
0x177: {  	v21 =	vadd.s32 s2, v1;
	s10 =	sor.u32 $0x60, s8;
	v20 =	vld.idx.msk [tilespmem:v11+s20+$0x0], $0xffff;
	[tilespmem:s4+$0xFFFFFFB0] =	vst v8;
	s4 =	smov.u32 s3  }
0x178: {  	v23 =	vadd.s32 s6, v1;
	v22 =	vld.idx.msk [tilespmem:v13+s20+$0x0], $0xffff;
	[tilespmem:s10+$0x8000] =	vst v7  }
0x179: {  	v24 =	vadd.s32 s5, v1;
	s3 =	sadd.s32 $0x100, s3;
	[tilespmem:s15+$0x8000] =	vst v14;
	v11 =	vld.idx.msk [tilespmem:v12+s20+$0x0], $0xffff  }
.Ltmp6:
0x17a: {  	v15 =	vadd.s32 s0, v3;
	s0 =	smov.u32 s6;
	s6 =	sadd.s32 $0x2, s11;
	[tilespmem:s3+$0x40] =	vst v10;
	v5 =	vld.idx.msk [tilespmem:v16+s20+$0x0], $0xffff;
	(pc) =	sbr.rel @p2 .LBB2_6-.Ltmp6, $4  }
0x17b: {  	v9 =	vadd.s32 s6, v0;
	[tilespmem:s3+$0xFFFFFFC0] =	vst v4;
	v8 =	vld.idx.msk [tilespmem:v19+s20+$0x0], $0xffff  }
0x17c: {  	v13 =	vadd.s32 s16, v3;
	s16 =	smov.u32 s5;
	s5 =	smov.u32 s11;
	v7 =	vld.idx.msk [tilespmem:v21+s20+$0x0], $0xffff;
	[tilespmem:s3+$0x0] =	vst v18  }
0x17d: {  	v14 =	vadd.s32 s7, v2;
	[tilespmem:s3+$0xFFFFFF80] =	vst v20;
	v10 =	vld.idx.msk [tilespmem:v23+s20+$0x0], $0xffff  }
0x17e: {  	s12 =	sor.u32 $0x70, s8;
	s11 =	sadd.s32 $0x4, s11;
	s10 =	sadd.s32 $0x3, s5;
	v16 =	vadd.s32 s2, v2;
	v4 =	vmov v22;
	v12 =	vld.idx.msk [tilespmem:v24+s20+$0x0], $0xffff;
	[tilespmem:s4+$0x20] =	vst v17  }
0x17f: {  	_ = 	snop  }
0x180: {  	[tilespmem:s12+$0x8000] =	vst v11  }
0x181: {  	[tilespmem:s4+$0xFFFFFFA0] =	vst v6  }
0x182: {  	s11 =	sadd.s32 $0x100, s8;
	v32 =	vadd.s32 s10, v0;
	[tilespmem:s9+$0x8000] =	vst v5;
	s14 =	sadd.s32 $0x100, s3  }
0x183: {  	v33 =	vld.idx.msk [tilespmem:v15+s20+$0x0], $0xffff;
	s8 =	sadd.s32 $0xFFFFFF80, s11;
	s31 =	sor.u32 $0x50, s11;
	[tilespmem:s14+$0xFFFFFFC0] =	vst v4  }
0x184: {  	v35 =	vadd.s32 s5, v0;
	v40 =	vld.idx.msk [tilespmem:v9+s20+$0x0], $0xffff;
	s13 =	sor.u32 $0x50, s8;
	[tilespmem:s31+$0x8000] =	vst v8  }
0x185: {  	v37 =	vadd.s32 s0, v2;
	v34 =	vld.idx.msk [tilespmem:v13+s20+$0x0], $0xffff;
	[tilespmem:s13+$0x8000] =	vst v7  }
0x186: {  	v42 =	vadd.s32 s6, v1;
	v36 =	vld.idx.msk [tilespmem:v14+s20+$0x0], $0xffff;
	[tilespmem:s3+$0x10] =	vst v10  }
0x187: {  	v44 =	vadd.s32 s16, v2;
	[tilespmem:s3+$0xFFFFFF90] =	vst v12;
	v11 =	vld.idx.msk [tilespmem:v32+s20+$0x0], $0xffff  }
0x188: {  	v5 =	vadd.s32 s10, v1;
	v38 =	vld.idx.msk [tilespmem:v16+s20+$0x0], $0xffff;
	[tilespmem:s4+$0x30] =	vst v33  }
0x189: {  	v41 =	vadd.s32 s1, v1;
	v7 =	vld.idx.msk [tilespmem:v35+s20+$0x0], $0xffff;
	[tilespmem:s14+$0x0] =	vst v40  }
0x18a: {  	v43 =	vadd.s32 s5, v1;
	s12 =	sor.u32 $0x60, s11;
	v10 =	vld.idx.msk [tilespmem:v37+s20+$0x0], $0xffff;
	[tilespmem:s4+$0xFFFFFFB0] =	vst v34  }
0x18b: {  	v39 =	vadd.s32 s7, v3;
	v47 =	vld.idx.msk [tilespmem:v42+s20+$0x0], $0xffff;
	[tilespmem:s12+$0x8000] =	vst v36  }
0x18c: {  	v50 =	vadd.s32 s6, v2;
	s13 =	sor.u32 $0x60, s8;
	v51 =	vld.idx.msk [tilespmem:v44+s20+$0x0], $0xffff;
	[tilespmem:s14+$0x40] =	vst v11  }
0x18d: {  	v45 =	vadd.s32 s2, v3;
	[tilespmem:s13+$0x8000] =	vst v38;
	v4 =	vld.idx.msk [tilespmem:v5+s20+$0x0], $0xffff  }
0x18e: {  	v46 =	vadd.s32 s10, v2;
	[tilespmem:s14+$0xFFFFFF80] =	vst v7;
	v5 =	vld.idx.msk [tilespmem:v41+s20+$0x0], $0xffff  }
0x18f: {  	v48 =	vadd.s32 s1, v2;
	[tilespmem:s3+$0x20] =	vst v10;
	v49 =	vld.idx.msk [tilespmem:v43+s20+$0x0], $0xffff  }
0x190: {  	v52 =	vadd.s32 s5, v2;
	s17 =	sadd.s32 $0x100, s11;
	v12 =	vld.idx.msk [tilespmem:v39+s20+$0x0], $0xffff;
	[tilespmem:s14+$0x10] =	vst v47  }
0x191: {  	v53 =	vadd.s32 s0, v3;
	s18 =	sadd.s32 $0xFFFFFF80, s17;
	s21 =	sor.u32 $0x50, s17;
	[tilespmem:s3+$0xFFFFFFA0] =	vst v51;
	v57 =	vld.idx.msk [tilespmem:v50+s20+$0x0], $0xffff  }
0x192: {  	v59 =	vadd.s32 s6, v3;
	s22 =	sor.u32 $0x50, s18;
	v11 =	vld.idx.msk [tilespmem:v45+s20+$0x0], $0xffff;
	[tilespmem:s21+$0x8000] =	vst v4  }
0x193: {  	v4 =	vadd.s32 s16, v3;
	[tilespmem:s22+$0x8000] =	vst v5;
	v5 =	vld.idx.msk [tilespmem:v46+s20+$0x0], $0xffff  }
0x194: {  	v55 =	vadd.s32 s10, v3;
	s15 =	sor.u32 $0x70, s11;
	[tilespmem:s14+$0xFFFFFF90] =	vst v49;
	v54 =	vld.idx.msk [tilespmem:v48+s20+$0x0], $0xffff  }
0x195: {  	v56 =	vadd.s32 s1, v3;
	[tilespmem:s15+$0x8000] =	vst v12;
	v58 =	vld.idx.msk [tilespmem:v52+s20+$0x0], $0xffff  }
0x196: {  	v61 =	vadd.s32 s5, v3;
	s23 =	sor.u32 $0x70, s8;
	v60 =	vld.idx.msk [tilespmem:v53+s20+$0x0], $0xffff;
	[tilespmem:s14+$0x20] =	vst v57  }
0x197: {  	s24 =	sor.u32 $0x60, s17;
	[tilespmem:s23+$0x8000] =	vst v11;
	v62 =	vld.idx.msk [tilespmem:v59+s20+$0x0], $0xffff  }
0x198: {  	s25 =	sor.u32 $0x60, s18;
	v4 =	vld.idx.msk [tilespmem:v4+s20+$0x0], $0xffff;
	[tilespmem:s24+$0x8000] =	vst v5  }
0x199: {  	[tilespmem:s25+$0x8000] =	vst v54;
	v5 =	vld.idx.msk [tilespmem:v55+s20+$0x0], $0xffff  }
0x19a: {  	[tilespmem:s14+$0xFFFFFFA0] =	vst v58;
	v6 =	vld.idx.msk [tilespmem:v56+s20+$0x0], $0xffff  }
0x19b: {  	[tilespmem:s3+$0x30] =	vst v60;
	v63 =	vld.idx.msk [tilespmem:v61+s20+$0x0], $0xffff  }
0x19c: {  	[tilespmem:s14+$0x30] =	vst v62  }
0x19d: {  	s26 =	sor.u32 $0x70, s17;
	[tilespmem:s3+$0xFFFFFFB0] =	vst v4  }
0x19e: {  	s28 =	sor.u32 $0x70, s18;
	[tilespmem:s26+$0x8000] =	vst v5  }
0x19f: {  	[tilespmem:s28+$0x8000] =	vst v6  }
0x1a0: {  	s5 =	sld [smem:$0x7F4];
	[tilespmem:s14+$0xFFFFFFB0] =	vst v63  }
0x1a1: {  	s1 =	sld [smem:$0x7F9];
	_ =	sdelay $0x1  }
0x1a2: {  	s4 =	sld [smem:$0x7F5];
	s29 =	sshll.u32 s5, $0x11  }
0x1a3: {  	s30 =	simm.s32 $0x0;
	s31 =	simm.s32 $0x8000;
	s0 =	sadd.s32 s29, s1  }
0x1a4: {  	[hbm4b:s0+s30] =	stream.linear.scatter [tilespmem:s31], [sflag:$0x3], $0x4000, $0x38;
	[tilespmem:$0x16080] =	vst v63  }
0x1a5: {  	s1 =	sld [smem:$0x7F7];
	s0 =	sadd.s32 $0x2, s4  }
0x1a6: {  	p2 =	sge.u32 s0, s19  }
0x1a7: {  	s0 =	sshll.u32 @!p2 s0, $0xD;
	s2 =	simm.s32 @!p2 $0x7A1400  }
0x1a8: {  	s3 =	simm.s32 @!p2 $0x0;
	s0 =	sadd.s32 @!p2 s0, s1;
	s1 =	simm.s32 @!p2 $0x800  }
0x1a9: {  	[tilespmem:s3], [sflag:$0x1] =	stream.strided.gather @!p2 [hbm4b:s0+s1], $0x4000, s2, s1, $0x38;
	[tilespmem:$0x16080] =	vst v63  }
.LBB2_8:
0x1aa: {  	s0 =	sor.u32 $0x1, s4  }
0x1ab: {  	p2 =	sge.u32 s0, s19  }
.Ltmp7:
0x1ac: {  	_ = 	snop;
	(pc) =	sbr.rel @p2 .LBB2_14-.Ltmp7, $1  }
0x1ad: {  	_ =	sdelay $0x3  }
0x1ae: {  	[smem:$0x7DF] =	sst s0;
	s22 =	simm.s32 $0x2  }
0x1af: {  	_ =	swait.ge [sflag:s22], $0x4000  }
0x1b0: {  	s0 =	simm.s32 @!p1 $0x4;
	s5 =	simm.s32 $0x0;
	[sflag:s22] =	ssyncset.done $0x0  }
0x1b1: {  	s23 =	simm.s32 $0x180;
	s24 =	simm.s32 $0x0;
	[sflag:s22] =	ssyncadd.s32 $0xFFFFC000  }
0x1b2: {  	s3 =	simm.s32 $0x80;
	s1 =	sand.u32 $0x3800, s5;
	_ =	swait.ge @!p1 [sflag:s0], $0x4000  }
0x1b3: {  	s2 =	sor.u32 $0x4000, s1;
	s1 =	sand.u32 $0x200, s24;
	[sflag:s0] =	ssyncset.done @!p1 $0x0  }
0x1b4: {  	s25 =	sor.u32 s1, s2;
	[sflag:s0] =	ssyncadd.s32 @!p1 $0xFFFFC000;
	s0 =	sand.u32 $0x380, s23  }
0x1b5: {  	s8 =	simm.s32 $0x100;
	s4 =	sand.u32 $0x280, s3;
	s0 =	sor.u32 s0, s2;
	v5 =	vld [tilespmem:s25+$0x0]  }
0x1b6: {  	s26 =	sor.u32 s4, s2;
	s4 =	sand.u32 $0x300, s8;
	v4 =	vld [tilespmem:s0+$0x0]  }
0x1b7: {  	v6 =	vld [tilespmem:s26+$0x0];
	s2 =	sor.u32 s4, s2  }
0x1b8: {  	v7 =	vld [tilespmem:s2+$0x0]  }
0x1b9: {  	s29 =	simm.s32 $0x202  }
0x1ba: {  	[tilespmem:s29+$0x11DFE] =	vst v5  }
0x1bb: {  	[tilespmem:s29+$0x12101] =	vst v4;
	v5 =	vld [tilespmem:s25+$0x10]  }
0x1bc: {  	[tilespmem:s29+$0x11EFF] =	vst v6;
	v4 =	vld [tilespmem:s0+$0x10]  }
0x1bd: {  	v6 =	vld [tilespmem:s26+$0x10];
	[tilespmem:s29+$0x12000] =	vst v7  }
0x1be: {  	v7 =	vld [tilespmem:s2+$0x10];
	_ =	sdelay $0x1  }
0x1bf: {  	[tilespmem:s29+$0x11E0E] =	vst v5  }
0x1c0: {  	[tilespmem:s29+$0x12111] =	vst v4;
	v5 =	vld [tilespmem:s25+$0x20]  }
0x1c1: {  	[tilespmem:s29+$0x11F0F] =	vst v6;
	v4 =	vld [tilespmem:s0+$0x20]  }
0x1c2: {  	v6 =	vld [tilespmem:s26+$0x20];
	[tilespmem:s29+$0x12010] =	vst v7  }
0x1c3: {  	v7 =	vld [tilespmem:s2+$0x20];
	_ =	sdelay $0x1  }
0x1c4: {  	[tilespmem:s29+$0x11E1E] =	vst v5  }
0x1c5: {  	[tilespmem:s29+$0x12121] =	vst v4;
	v5 =	vld [tilespmem:s25+$0x30]  }
0x1c6: {  	[tilespmem:s29+$0x11F1F] =	vst v6;
	v4 =	vld [tilespmem:s0+$0x30]  }
0x1c7: {  	v6 =	vld [tilespmem:s26+$0x30];
	[tilespmem:s29+$0x12020] =	vst v7  }
0x1c8: {  	v7 =	vld [tilespmem:s2+$0x30];
	_ =	sdelay $0x1  }
0x1c9: {  	[tilespmem:s29+$0x11E2E] =	vst v5  }
0x1ca: {  	[tilespmem:s29+$0x12131] =	vst v4;
	v5 =	vld [tilespmem:s25+$0x40]  }
0x1cb: {  	[tilespmem:s29+$0x11F2F] =	vst v6;
	v4 =	vld [tilespmem:s0+$0x40]  }
0x1cc: {  	v6 =	vld [tilespmem:s26+$0x40];
	[tilespmem:s29+$0x12030] =	vst v7  }
0x1cd: {  	v7 =	vld [tilespmem:s2+$0x40];
	_ =	sdelay $0x1  }
0x1ce: {  	[tilespmem:s29+$0x11E3E] =	vst v5  }
0x1cf: {  	[tilespmem:s29+$0x12141] =	vst v4;
	v5 =	vld [tilespmem:s25+$0x50]  }
0x1d0: {  	[tilespmem:s29+$0x11F3F] =	vst v6;
	v4 =	vld [tilespmem:s0+$0x50]  }
0x1d1: {  	v6 =	vld [tilespmem:s26+$0x50];
	[tilespmem:s29+$0x12040] =	vst v7  }
0x1d2: {  	v7 =	vld [tilespmem:s2+$0x50];
	_ =	sdelay $0x1  }
0x1d3: {  	[tilespmem:s29+$0x11E4E] =	vst v5  }
0x1d4: {  	[tilespmem:s29+$0x12151] =	vst v4;
	v5 =	vld [tilespmem:s25+$0x60]  }
0x1d5: {  	[tilespmem:s29+$0x11F4F] =	vst v6;
	v4 =	vld [tilespmem:s0+$0x60]  }
0x1d6: {  	v6 =	vld [tilespmem:s26+$0x60];
	[tilespmem:s29+$0x12050] =	vst v7  }
0x1d7: {  	s14 =	simm.s32 $0xC0C;
	s30 =	simm.s32 $0x606;
	v7 =	vld [tilespmem:s2+$0x60]  }
0x1d8: {  	s18 =	simm.s32 $0x404;
	s6 =	sand.u32 $0x3, s5;
	s7 =	sand.u32 $0x7, s5  }
0x1d9: {  	s20 =	simm.s32 $0x280;
	s7 =	sshll.u32 s7, $0x7;
	s12 =	sshll.u32 s6, $0x8;
	[tilespmem:s29+$0x11E5E] =	vst v5  }
0x1da: {  	p1 =	por $0x0, $0x0;
	s23 =	simm.s32 $0x400;
	s4 =	simm.s32 $0x1;
	[tilespmem:s29+$0x12161] =	vst v4;
	v5 =	vld [tilespmem:s25+$0x70]  }
0x1db: {  	s9 =	sand.u32 $0x3800, s23;
	s4 =	simm.s32 @!p1 $0x0;
	[tilespmem:s29+$0x11F5F] =	vst v6;
	v4 =	vld [tilespmem:s0+$0x70];
	s0 =	simm.s32 $0x380  }
0x1dc: {  	s5 =	sor.u32 $0x4000, s9;
	s9 =	simm.s32 $0x200;
	v6 =	vld [tilespmem:s26+$0x70];
	[tilespmem:s29+$0x12060] =	vst v7;
	s10 =	sand.u32 $0x380, s0  }
0x1dd: {  	s4 =	sshll.u32 s4, $0x9;
	s11 =	sand.u32 $0x200, s9;
	v9 =	vld [tilespmem:s2+$0x70];
	s8 =	sor.u32 s10, s5  }
0x1de: {  	s7 =	sadd.s32 $0x0, s7;
	s6 =	sor.u32 s11, s5;
	s4 =	sadd.s32 $0x0, s4;
	v8 =	vld [tilespmem:s8+$0x0]  }
0x1df: {  	s21 =	simm.s32 $0x808;
	s1 =	sadd.s32 $0x180, s7;
	s13 =	sor.u32 $0x400, s4;
	v7 =	vld [tilespmem:s6+$0x0];
	[tilespmem:s29+$0x11E6E] =	vst v5  }
0x1e0: {  	s3 =	sadd.s32 $0x0, s12;
	s2 =	sadd.s32 $0x80, s7;
	s10 =	sor.u32 $0x400, s1;
	[tilespmem:s29+$0x12171] =	vst v4;
	v5 =	vld [tilespmem:s13+$0x4000]  }
0x1e1: {  	s12 =	simm.s32 $0x0;
	s3 =	sadd.s32 $0x100, s3;
	s15 =	sor.u32 $0x400, s2;
	[tilespmem:s29+$0x11F6F] =	vst v6;
	v4 =	vld [tilespmem:s10+$0x4000]  }
0x1e2: {  	s24 =	sand.u32 $0xFFFFFE00, s21;
	s17 =	sand.u32 $0xFFFFFE00, s12;
	s11 =	sor.u32 $0x400, s3;
	v6 =	vld [tilespmem:s15+$0x4000];
	[tilespmem:s29+$0x12070] =	vst v9  }
0x1e3: {  	s22 =	sand.u32 $0x280, s20;
	s7 =	sand.u32 $0xFFFFFE00, s14;
	s10 =	sadd.s32 $0x200, s17;
	v9 =	vld [tilespmem:s11+$0x4000];
	[tilespmem:s30+$0x12101] =	vst v8  }
0x1e4: {  	s12 =	sand.u32 $0xFFFFFE00, s18;
	s7 =	sadd.s32 $0x20C, s7;
	[tilespmem:s30+$0x11DFE] =	vst v7;
	s10 =	sshra.s32 s10, $0x2;
	v8 =	vld [tilespmem:s8+$0x10]  }
0x1e5: {  	s19 =	sadd.s32 $0x204, s12;
	s16 =	sor.u32 $0x410, s4;
	s7 =	sshra.s32 s7, $0x2;
	v7 =	vld [tilespmem:s6+$0x10];
	[tilespmem:s10+$0x12000] =	vst v5  }
0x1e6: {  	s25 =	sadd.s32 $0x208, s24;
	s13 =	sor.u32 $0x410, s1;
	[tilespmem:s7+$0x12000] =	vst v4;
	s7 =	sshra.s32 s19, $0x2;
	v5 =	vld [tilespmem:s16+$0x4000]  }
0x1e7: {  	s9 =	sshra.s32 s25, $0x2;
	v4 =	vld [tilespmem:s13+$0x4000];
	[tilespmem:s7+$0x12000] =	vst v6;
	s7 =	sor.u32 s22, s5  }
0x1e8: {  	s11 =	sor.u32 $0x410, s2;
	[tilespmem:s9+$0x12000] =	vst v9;
	v6 =	vld [tilespmem:s7+$0x0]  }
0x1e9: {  	v9 =	vld [tilespmem:s11+$0x4000];
	[tilespmem:s30+$0x12111] =	vst v8  }
0x1ea: {  	s26 =	simm.s32 $0x300;
	[tilespmem:s30+$0x11E0E] =	vst v7;
	v8 =	vld [tilespmem:s8+$0x20]  }
0x1eb: {  	s12 =	sor.u32 $0x410, s3;
	s10 =	sand.u32 $0x300, s26;
	v7 =	vld [tilespmem:s6+$0x20];
	[tilespmem:s29+$0x11E8E] =	vst v5  }
0x1ec: {  	s5 =	sor.u32 s10, s5;
	v5 =	vld [tilespmem:s12+$0x4000];
	[tilespmem:s29+$0x12191] =	vst v4  }
0x1ed: {  	v4 =	vld [tilespmem:s5+$0x0];
	[tilespmem:s30+$0x11EFF] =	vst v6  }
0x1ee: {  	s13 =	sor.u32 $0x420, s1;
	[tilespmem:s29+$0x11F8F] =	vst v9;
	v6 =	vld [tilespmem:s7+$0x10]  }
0x1ef: {  	v9 =	vld [tilespmem:s13+$0x4000];
	[tilespmem:s30+$0x12121] =	vst v8  }
0x1f0: {  	s14 =	sor.u32 $0x420, s4;
	[tilespmem:s30+$0x11E1E] =	vst v7;
	v8 =	vld [tilespmem:s8+$0x30]  }
0x1f1: {  	[tilespmem:s29+$0x12090] =	vst v5;
	v5 =	vld [tilespmem:s14+$0x4000]  }
0x1f2: {  	[tilespmem:s30+$0x12000] =	vst v4;
	v4 =	vld [tilespmem:s6+$0x30]  }
0x1f3: {  	v7 =	vld [tilespmem:s5+$0x10];
	[tilespmem:s30+$0x11F0F] =	vst v6  }
0x1f4: {  	s15 =	sor.u32 $0x420, s2;
	[tilespmem:s29+$0x121A1] =	vst v9;
	v6 =	vld [tilespmem:s7+$0x20]  }
0x1f5: {  	v9 =	vld [tilespmem:s15+$0x4000];
	[tilespmem:s30+$0x12131] =	vst v8  }
0x1f6: {  	s16 =	sor.u32 $0x430, s1;
	[tilespmem:s29+$0x11E9E] =	vst v5;
	v8 =	vld [tilespmem:s8+$0x40]  }
0x1f7: {  	v5 =	vld [tilespmem:s16+$0x4000];
	[tilespmem:s30+$0x11E2E] =	vst v4  }
0x1f8: {  	[tilespmem:s30+$0x12010] =	vst v7;
	v4 =	vld [tilespmem:s6+$0x40]  }
0x1f9: {  	v7 =	vld [tilespmem:s5+$0x20];
	[tilespmem:s30+$0x11F1F] =	vst v6  }
0x1fa: {  	s17 =	sor.u32 $0x420, s3;
	[tilespmem:s29+$0x11F9F] =	vst v9;
	v6 =	vld [tilespmem:s7+$0x30]  }
0x1fb: {  	v9 =	vld [tilespmem:s17+$0x4000];
	[tilespmem:s30+$0x12141] =	vst v8  }
0x1fc: {  	s18 =	sor.u32 $0x440, s1;
	[tilespmem:s29+$0x121B1] =	vst v5;
	v8 =	vld [tilespmem:s8+$0x50]  }
0x1fd: {  	v5 =	vld [tilespmem:s18+$0x4000];
	[tilespmem:s30+$0x11E3E] =	vst v4  }
0x1fe: {  	[tilespmem:s30+$0x12020] =	vst v7;
	v4 =	vld [tilespmem:s6+$0x50]  }
0x1ff: {  	v7 =	vld [tilespmem:s5+$0x30];
	[tilespmem:s30+$0x11F2F] =	vst v6  }
0x200: {  	s19 =	sor.u32 $0x430, s4;
	[tilespmem:s29+$0x120A0] =	vst v9;
	v6 =	vld [tilespmem:s7+$0x40]  }
0x201: {  	v9 =	vld [tilespmem:s19+$0x4000];
	[tilespmem:s30+$0x12151] =	vst v8  }
0x202: {  	s20 =	sor.u32 $0x430, s2;
	[tilespmem:s29+$0x121C1] =	vst v5;
	v8 =	vld [tilespmem:s8+$0x60]  }
0x203: {  	v5 =	vld [tilespmem:s20+$0x4000];
	[tilespmem:s30+$0x11E4E] =	vst v4  }
0x204: {  	[tilespmem:s30+$0x12030] =	vst v7;
	v4 =	vld [tilespmem:s6+$0x60]  }
0x205: {  	v7 =	vld [tilespmem:s5+$0x40];
	[tilespmem:s30+$0x11F3F] =	vst v6  }
0x206: {  	[tilespmem:s29+$0x11EAE] =	vst v9;
	v6 =	vld [tilespmem:s7+$0x50]  }
0x207: {  	[tilespmem:s30+$0x12161] =	vst v8  }
0x208: {  	s21 =	sor.u32 $0x430, s3;
	p1 =	por !p1, !p1;
	[tilespmem:s29+$0x11FAF] =	vst v5;
	v8 =	vld [tilespmem:s8+$0x70]  }
0x209: {  	s26 =	sor.u32 $0x450, s1;
	s22 =	sor.u32 $0x440, s4;
	s20 =	simm.s32 $0x4;
	v5 =	vld [tilespmem:s21+$0x4000];
	[tilespmem:s30+$0x11E5E] =	vst v4  }
0x20a: {  	s10 =	sor.u32 $0x440, s3;
	s11 =	sor.u32 $0x460, s3;
	s14 =	sand.u32 $0x7, s20;
	v9 =	vld [tilespmem:s22+$0x4000];
	[tilespmem:s30+$0x12040] =	vst v7  }
0x20b: {  	s14 =	sshll.u32 s14, $0x7;
	s8 =	sor.u32 $0x450, s3;
	s3 =	sor.u32 $0x470, s3;
	v4 =	vld [tilespmem:s6+$0x70];
	[tilespmem:s30+$0x11F4F] =	vst v6  }
0x20c: {  	s15 =	simm.s32 $0x1;
	s14 =	sadd.s32 $0x400, s14;
	v7 =	vld [tilespmem:s5+$0x50];
	[dreg:$0x7] =	wrdreg s3  }
0x20d: {  	s9 =	sor.u32 $0x450, s4;
	s15 =	simm.s32 @!p1 $0x0;
	s22 =	sadd.s32 $0x180, s14;
	v6 =	vld [tilespmem:s7+$0x60];
	[tilespmem:s30+$0x12171] =	vst v8  }
0x20e: {  	s12 =	sor.u32 $0x470, s4;
	s24 =	sshll.u32 s15, $0x9;
	s25 =	sor.u32 $0x400, s22;
	[tilespmem:s29+$0x120B0] =	vst v5  }
0x20f: {  	s13 =	sor.u32 $0x440, s2;
	s6 =	sor.u32 $0x460, s4;
	s4 =	sadd.s32 $0x400, s24;
	[tilespmem:s29+$0x11EBE] =	vst v9;
	v8 =	vld [tilespmem:s25+$0x4000]  }
0x210: {  	s15 =	sor.u32 $0x450, s2;
	s17 =	simm.s32 $0x1C1C;
	s16 =	sor.u32 $0x400, s4;
	v9 =	vld [tilespmem:s13+$0x4000];
	[tilespmem:s30+$0x11E6E] =	vst v4  }
0x211: {  	s17 =	sand.u32 $0xFFFFFE00, s17;
	s18 =	simm.s32 $0x1010;
	s19 =	simm.s32 $0x2;
	[tilespmem:s30+$0x12050] =	vst v7;
	v4 =	vld [tilespmem:s16+$0x4000]  }
0x212: {  	s21 =	sadd.s32 $0x21C, s17;
	s3 =	sor.u32 $0x460, s2;
	s2 =	sor.u32 $0x470, s2;
	v7 =	vld [tilespmem:s26+$0x4000];
	[tilespmem:s30+$0x11F5F] =	vst v6  }
0x213: {  	s24 =	sand.u32 $0xFFFFFE00, s18;
	s16 =	sshra.s32 s21, $0x2;
	v5 =	vld [tilespmem:s5+$0x60];
	[dreg:$0x14] =	wrdreg s2  }
0x214: {  	s17 =	sadd.s32 $0x210, s24;
	s25 =	sand.u32 $0x3, s19;
	s19 =	sor.u32 $0x420, s4;
	[tilespmem:s16+$0x12000] =	vst v8  }
0x215: {  	s18 =	sshra.s32 s17, $0x2;
	v6 =	vld [tilespmem:s7+$0x70];
	[dreg:$0x16] =	wrdreg s19  }
0x216: {  	s21 =	sor.u32 $0x430, s4;
	[tilespmem:s18+$0x12000] =	vst v4  }
0x217: {  	s24 =	sor.u32 $0x440, s4;
	v8 =	vld [tilespmem:s10+$0x4000];
	[dreg:$0x8] =	wrdreg s21  }
0x218: {  	[dreg:$0x4] =	wrdreg s24  }
0x219: {  	s26 =	sshll.u32 s25, $0x8;
	[tilespmem:s30+$0x12060] =	vst v5  }
0x21a: {  	s13 =	sadd.s32 $0x400, s26;
	v4 =	vld [tilespmem:s9+$0x4000];
	[tilespmem:s29+$0x121D1] =	vst v7  }
0x21b: {  	s31 =	sor.u32 $0x450, s4;
	s25 =	sor.u32 $0x460, s1;
	s13 =	sadd.s32 $0x100, s13;
	[tilespmem:s29+$0x11FBF] =	vst v9;
	v5 =	vld [tilespmem:s5+$0x70]  }
0x21c: {  	s17 =	sor.u32 $0x470, s4;
	s2 =	sor.u32 $0x410, s4;
	s16 =	sor.u32 $0x410, s13;
	v7 =	vld [tilespmem:s25+$0x4000];
	[tilespmem:s30+$0x11F6F] =	vst v6  }
0x21d: {  	s19 =	sor.u32 $0x460, s4;
	s4 =	sadd.s32 $0x80, s14;
	v9 =	vld [tilespmem:s15+$0x4000];
	[dreg:$0x1b] =	wrdreg s16  }
0x21e: {  	s18 =	sor.u32 $0x400, s4;
	s21 =	sor.u32 $0x420, s13;
	[tilespmem:s29+$0x120C0] =	vst v8  }
0x21f: {  	s24 =	sor.u32 $0x430, s13;
	v6 =	vld [tilespmem:s18+$0x4000];
	[dreg:$0x17] =	wrdreg s21  }
0x220: {  	s25 =	sor.u32 $0x440, s13;
	[dreg:$0xe] =	wrdreg s24  }
0x221: {  	[dreg:$0xb] =	wrdreg s25  }
0x222: {  	[tilespmem:s29+$0x11ECE] =	vst v4  }
0x223: {  	s26 =	simm.s32 $0x1414;
	v8 =	vld [tilespmem:s8+$0x4000];
	[tilespmem:s30+$0x12070] =	vst v5  }
0x224: {  	s28 =	simm.s32 $0x707;
	s14 =	sor.u32 $0x400, s13;
	s9 =	sand.u32 $0xFFFFFE00, s26;
	v10 =	vld [tilespmem:s6+$0x4000];
	[tilespmem:s29+$0x121E1] =	vst v7  }
0x225: {  	s1 =	sor.u32 $0x470, s1;
	s5 =	sadd.s32 $0x214, s9;
	s16 =	sor.u32 $0x430, s4;
	[tilespmem:s29+$0x11FCF] =	vst v9;
	v11 =	vld [tilespmem:s14+$0x4000]  }
0x226: {  	p1 =	por !p1, !p1;
	s5 =	sshra.s32 s5, $0x2;
	v12 =	vld [tilespmem:s1+$0x4000];
	[smem:$0x7E0] =	sst s16  }
0x227: {  	s7 =	sor.u32 $0x460, s13;
	s10 =	sor.u32 $0x410, s4;
	s21 =	sor.u32 $0x440, s4;
	[tilespmem:s5+$0x12000] =	vst v6  }
0x228: {  	s26 =	simm.s32 $0x1818;
	s24 =	sor.u32 $0x450, s4;
	v9 =	vld [tilespmem:s3+$0x4000];
	[dreg:$0x1c] =	wrdreg s21  }
0x229: {  	s15 =	sor.u32 $0x470, s13;
	s9 =	sor.u32 $0x420, s4;
	[dreg:$0x18] =	wrdreg s24  }
0x22a: {  	s25 =	sor.u32 $0x410, s22;
	s8 =	sand.u32 $0xFFFFFE00, s26;
	s26 =	sor.u32 $0x470, s4;
	[tilespmem:s29+$0x120D0] =	vst v8  }
0x22b: {  	s18 =	sor.u32 $0x450, s13;
	s6 =	sadd.s32 $0x218, s8;
	v6 =	vld [tilespmem:s25+$0x4000];
	[smem:$0x7E1] =	sst s26  }
0x22c: {  	s13 =	sor.u32 $0x460, s4;
	s4 =	simm.s32 $0x1818;
	s6 =	sshra.s32 s6, $0x2;
	v4 =	vld [tilespmem:s11+$0x4000];
	[tilespmem:s29+$0x11EDE] =	vst v10  }
0x22d: {  	s14 =	simm.s32 $0x210;
	s16 =	simm.s32 $0x404;
	s1 =	simm.s32 $0x218;
	[tilespmem:s6+$0x12000] =	vst v11;
	v7 =	vld [tilespmem:s2+$0x4000]  }
0x22e: {  	s3 =	simm.s32 $0x4;
	s24 =	simm.s32 $0x214;
	s21 =	simm.s32 $0x606;
	[tilespmem:s29+$0x121F1] =	vst v12;
	v8 =	vld [tilespmem:s10+$0x4000]  }
0x22f: {  	s25 =	simm.s32 $0x505;
	s26 =	simm.s32 $0x21C;
	v5 =	vld [tilespmem:s12+$0x4000];
	[tilespmem:s29+$0x11FDF] =	vst v9;
	s12 =	simm.s32 $0x4  }
.LBB2_10:
0x230: {  	[smem:$0x7D3] =	sst s31  }
0x231: {  	[smem:$0x7D4] =	sst s18  }
0x232: {  	[smem:$0x7D6] =	sst s19  }
0x233: {  	[smem:$0x7D7] =	sst s13  }
0x234: {  	[smem:$0x7DA] =	sst s17  }
0x235: {  	[dreg:$0x1e] =	wrdreg s7  }
0x236: {  	s2 =	simm.s32 $0x1;
	s5 =	rddreg [dreg:$0x1b]  }
0x237: {  	s6 =	sand.u32 $0x3, s12;
	s13 =	sor.u32 $0x420, s22;
	s18 =	rddreg [dreg:$0x14]  }
0x238: {  	s23 =	sadd.s32 $0x400, s23;
	s0 =	sadd.s32 $0x200, s0;
	s19 =	rddreg [dreg:$0x7]  }
0x239: {  	[tilespmem:s30+$0x12191] =	vst v6;
	s4 =	sadd.s32 $0x1010, s4;
	s2 =	simm.s32 @!p1 $0x0;
	v9 =	vld [tilespmem:s5+$0x4000];
	s6 =	sshll.u32 s6, $0x8  }
0x23a: {  	v6 =	vld [tilespmem:s13+$0x4000];
	[tilespmem:s29+$0x120E0] =	vst v4;
	s17 =	sand.u32 $0x3800, s23;
	[dreg:$0x3] =	wrdreg s0;
	s11 =	sand.u32 $0x380, s0  }
0x23b: {  	[tilespmem:s29+$0x11EEE] =	vst v5;
	v4 =	vld [tilespmem:s18+$0x4000];
	s8 =	sadd.s32 $0xFFFFFE80, s0;
	s10 =	sadd.s32 $0xFFFFFF00, s0;
	s7 =	sor.u32 $0x4000, s17  }
0x23c: {  	s0 =	sadd.s32 $0xFFFFFF80, s0;
	s5 =	sor.u32 $0x430, s22;
	v5 =	vld [tilespmem:s19+$0x4000];
	s18 =	sor.u32 s11, s7;
	[tilespmem:s30+$0x11E8E] =	vst v7  }
0x23d: {  	s2 =	sshll.u32 s2, $0x9;
	s13 =	sand.u32 $0x200, s8;
	s11 =	rddreg [dreg:$0x16];
	[tilespmem:s30+$0x11F8F] =	vst v8;
	v8 =	vld [tilespmem:s18+$0x0]  }
0x23e: {  	s19 =	sand.u32 $0x280, s10;
	s17 =	sand.u32 $0x300, s0;
	s0 =	smov.u32 s23;
	v7 =	vld [tilespmem:s11+$0x4000];
	[tilespmem:s30+$0x12090] =	vst v9  }
0x23f: {  	s8 =	sshra.s32 s4, $0x2;
	s6 =	sadd.s32 s0, s6;
	s11 =	sor.u32 s13, s7;
	v9 =	vld [tilespmem:s9+$0x4000];
	[tilespmem:s30+$0x121A1] =	vst v6  }
0x240: {  	s19 =	sor.u32 s19, s7;
	s9 =	sor.u32 s17, s7;
	[tilespmem:s29+$0x11FEF] =	vst v4;
	v4 =	vld [tilespmem:s11+$0x0];
	s7 =	sadd.s32 $0x100, s6  }
0x241: {  	s23 =	rddreg [dreg:$0x17];
	v6 =	vld [tilespmem:s5+$0x4000];
	s5 =	smov.u32 s15;
	[tilespmem:s29+$0x120F0] =	vst v5;
	s6 =	sor.u32 $0x400, s7  }
0x242: {  	s15 =	sadd.s32 s2, s0;
	v5 =	vld [tilespmem:s19+$0x0];
	s13 =	sor.u32 $0x410, s7;
	[smem:$0x7D9] =	sst s6;
	[tilespmem:s8+$0x12101] =	vst v8  }
0x243: {  	s31 =	smov.u32 s20;
	s2 =	sor.u32 $0x400, s15;
	[dreg:$0x1b] =	wrdreg s13;
	[tilespmem:s30+$0x11E9E] =	vst v7;
	v7 =	vld [tilespmem:s9+$0x0]  }
0x244: {  	s29 =	sor.u32 $0x440, s22;
	s10 =	sor.u32 $0x410, s15;
	[smem:$0x7D8] =	sst s2;
	v8 =	vld [tilespmem:s18+$0x10];
	[tilespmem:s30+$0x11F9F] =	vst v9  }
0x245: {  	s17 =	sor.u32 $0x420, s15;
	s20 =	sor.u32 $0x430, s15;
	[smem:$0x7DC] =	sst s10;
	v9 =	vld [tilespmem:s23+$0x4000];
	[tilespmem:s8+$0x11DFE] =	vst v4  }
0x246: {  	s6 =	sor.u32 $0x440, s15;
	[dreg:$0x16] =	wrdreg s17;
	s23 =	sor.u32 $0x450, s7;
	[tilespmem:s30+$0x121B1] =	vst v6;
	v6 =	vld [tilespmem:s11+$0x10]  }
0x247: {  	s10 =	sor.u32 $0x420, s7;
	[smem:$0x7D5] =	sst s23;
	v4 =	vld [tilespmem:s29+$0x4000];
	s29 =	sor.u32 $0x460, s15  }
0x248: {  	s2 =	sor.u32 $0x450, s15;
	[tilespmem:s8+$0x11EFF] =	vst v5;
	s15 =	sor.u32 $0x470, s15;
	[smem:$0x7DD] =	sst s29  }
0x249: {  	v5 =	vld [tilespmem:s19+$0x10];
	[smem:$0x7DE] =	sst s15;
	s29 =	smov.u32 s30;
	s30 =	smov.u32 s8;
	[tilespmem:s8+$0x12000] =	vst v7  }
0x24a: {  	s15 =	smov.u32 s10;
	s10 =	sld [smem:$0x7E1];
	[tilespmem:s30+$0x12111] =	vst v8;
	v7 =	vld [tilespmem:s9+$0x10]  }
0x24b: {  	s23 =	sor.u32 $0x460, s7;
	s8 =	rddreg [dreg:$0x8];
	v8 =	vld [tilespmem:s18+$0x20];
	[tilespmem:s29+$0x120A0] =	vst v9  }
0x24c: {  	s13 =	sor.u32 $0x430, s7;
	[smem:$0x7DB] =	sst s23;
	s23 =	smov.u32 s5;
	v9 =	vld [tilespmem:s8+$0x4000];
	[tilespmem:s30+$0x11E0E] =	vst v6  }
0x24d: {  	[dreg:$0x7] =	wrdreg s23;
	s23 =	smov.u32 s10;
	s10 =	sor.u32 $0x450, s22;
	[tilespmem:s29+$0x121C1] =	vst v4;
	v6 =	vld [tilespmem:s11+$0x20]  }
0x24e: {  	s17 =	sor.u32 $0x440, s7;
	s7 =	sor.u32 $0x470, s7;
	[dreg:$0x17] =	wrdreg s15;
	[tilespmem:s30+$0x11F0F] =	vst v5;
	v4 =	vld [tilespmem:s10+$0x4000]  }
0x24f: {  	s15 =	smov.u32 s7;
	s7 =	sld [smem:$0x7E0];
	v5 =	vld [tilespmem:s19+$0x20];
	[tilespmem:s30+$0x12010] =	vst v7  }
0x250: {  	[tilespmem:s30+$0x12121] =	vst v8;
	v7 =	vld [tilespmem:s9+$0x20]  }
0x251: {  	[tilespmem:s29+$0x11EAE] =	vst v9;
	v8 =	vld [tilespmem:s18+$0x30]  }
0x252: {  	v9 =	vld [tilespmem:s7+$0x4000];
	[tilespmem:s30+$0x11E1E] =	vst v6  }
0x253: {  	s8 =	sor.u32 $0x460, s22;
	[tilespmem:s29+$0x121D1] =	vst v4;
	v6 =	vld [tilespmem:s11+$0x30]  }
0x254: {  	[tilespmem:s30+$0x11F1F] =	vst v5;
	v4 =	vld [tilespmem:s8+$0x4000]  }
0x255: {  	v5 =	vld [tilespmem:s19+$0x30];
	[tilespmem:s30+$0x12020] =	vst v7  }
0x256: {  	[tilespmem:s30+$0x12131] =	vst v8;
	v7 =	vld [tilespmem:s9+$0x30]  }
0x257: {  	s10 =	rddreg [dreg:$0xe];
	[tilespmem:s29+$0x11FAF] =	vst v9;
	v8 =	vld [tilespmem:s18+$0x40]  }
0x258: {  	v9 =	vld [tilespmem:s10+$0x4000];
	[tilespmem:s30+$0x11E2E] =	vst v6  }
0x259: {  	s22 =	sor.u32 $0x470, s22;
	[tilespmem:s29+$0x121E1] =	vst v4;
	v6 =	vld [tilespmem:s11+$0x40]  }
0x25a: {  	[tilespmem:s30+$0x11F2F] =	vst v5;
	v4 =	vld [tilespmem:s22+$0x4000]  }
0x25b: {  	v5 =	vld [tilespmem:s19+$0x40];
	[tilespmem:s30+$0x12030] =	vst v7  }
0x25c: {  	[tilespmem:s30+$0x12141] =	vst v8;
	v7 =	vld [tilespmem:s9+$0x40]  }
0x25d: {  	s7 =	rddreg [dreg:$0x4];
	v8 =	vld [tilespmem:s18+$0x50];
	[tilespmem:s29+$0x120B0] =	vst v9  }
0x25e: {  	s10 =	rddreg [dreg:$0x1c];
	v9 =	vld [tilespmem:s7+$0x4000];
	[tilespmem:s30+$0x11E3E] =	vst v6  }
0x25f: {  	[tilespmem:s29+$0x121F1] =	vst v4;
	v4 =	vld [tilespmem:s10+$0x4000]  }
0x260: {  	[dreg:$0x14] =	wrdreg s23;
	s23 =	smov.u32 s20;
	v6 =	vld [tilespmem:s11+$0x50];
	[tilespmem:s30+$0x11F3F] =	vst v5  }
0x261: {  	[dreg:$0x8] =	wrdreg s23;
	s23 =	smov.u32 s13;
	[tilespmem:s30+$0x12040] =	vst v7  }
0x262: {  	[dreg:$0xe] =	wrdreg s23;
	v5 =	vld [tilespmem:s19+$0x50];
	[tilespmem:s30+$0x12151] =	vst v8  }
0x263: {  	s23 =	sld [smem:$0x7D3];
	[tilespmem:s29+$0x11EBE] =	vst v9;
	v8 =	vld [tilespmem:s18+$0x60]  }
0x264: {  	s3 =	sadd.s32 $0x4, s3;
	s13 =	rddreg [dreg:$0xb];
	v7 =	vld [tilespmem:s9+$0x50];
	[tilespmem:s29+$0x11FBF] =	vst v4  }
0x265: {  	s14 =	sadd.s32 $0x10, s14;
	s16 =	sadd.s32 $0x404, s16;
	s20 =	smov.u32 s31;
	v4 =	vld [tilespmem:s13+$0x4000];
	[tilespmem:s30+$0x11E4E] =	vst v6  }
0x266: {  	s24 =	sadd.s32 $0x10, s24;
	s20 =	sadd.s32 $0x4, s20;
	s8 =	smov.u32 s6;
	v6 =	vld [tilespmem:s23+$0x4000]  }
0x267: {  	s31 =	smov.u32 s2;
	s6 =	sand.u32 $0x7, s20;
	[dreg:$0x4] =	wrdreg s8;
	v9 =	vld [tilespmem:s11+$0x60];
	[tilespmem:s30+$0x11F4F] =	vst v5  }
0x268: {  	s2 =	sshll.u32 s6, $0x7;
	s8 =	sld [smem:$0x7D4];
	s23 =	smov.u32 s0;
	v5 =	vld [tilespmem:s19+$0x60];
	[tilespmem:s30+$0x12161] =	vst v8  }
0x269: {  	s25 =	sadd.s32 $0x404, s25;
	s7 =	rddreg [dreg:$0x18];
	s2 =	sadd.s32 s2, s23;
	[tilespmem:s30+$0x12050] =	vst v7;
	v8 =	vld [tilespmem:s18+$0x70]  }
0x26a: {  	s22 =	smov.u32 s17;
	s10 =	sld [smem:$0x7D5];
	s5 =	sadd.s32 $0x80, s2;
	v7 =	vld [tilespmem:s9+$0x60];
	[tilespmem:s29+$0x120C0] =	vst v4  }
0x26b: {  	s28 =	sadd.s32 $0x404, s28;
	[dreg:$0xb] =	wrdreg s22;
	s17 =	sor.u32 $0x430, s5;
	v4 =	vld [tilespmem:s7+$0x4000];
	[tilespmem:s29+$0x11ECE] =	vst v6  }
0x26c: {  	s26 =	sadd.s32 $0x10, s26;
	s22 =	sadd.s32 $0x180, s2;
	[smem:$0x7E0] =	sst s17;
	v6 =	vld [tilespmem:s8+$0x4000];
	[tilespmem:s30+$0x11E5E] =	vst v9  }
0x26d: {  	s18 =	smov.u32 s10;
	s10 =	sor.u32 $0x440, s5;
	s17 =	sld [smem:$0x7D7];
	[tilespmem:s30+$0x11F5F] =	vst v5;
	v9 =	vld [tilespmem:s11+$0x70]  }
0x26e: {  	s1 =	sadd.s32 $0x10, s1;
	s13 =	sor.u32 $0x400, s22;
	[dreg:$0x1c] =	wrdreg s10;
	v5 =	vld [tilespmem:s19+$0x70];
	[tilespmem:s30+$0x12171] =	vst v8  }
0x26f: {  	s19 =	sshll.u32 s28, $0x2;
	s11 =	sor.u32 $0x450, s5;
	v8 =	vld [tilespmem:s13+$0x4000];
	s13 =	sld [smem:$0x7D6]  }
0x270: {  	s6 =	sor.u32 $0x400, s5;
	[dreg:$0x18] =	wrdreg s11;
	s7 =	sand.u32 $0xFFFFFE00, s19;
	[tilespmem:s30+$0x12060] =	vst v7  }
0x271: {  	s2 =	sor.u32 $0x410, s5;
	s19 =	sld [smem:$0x7D8];
	s7 =	sadd.s32 s7, s26;
	v7 =	vld [tilespmem:s9+$0x70]  }
0x272: {  	[tilespmem:s29+$0x11FCF] =	vst v4;
	s9 =	sor.u32 $0x420, s5;
	v4 =	vld [tilespmem:s13+$0x4000];
	s13 =	sor.u32 $0x460, s5;
	s5 =	sor.u32 $0x470, s5  }
0x273: {  	s21 =	sadd.s32 $0x404, s21;
	s10 =	sshra.s32 s7, $0x2;
	[tilespmem:s30+$0x11E6E] =	vst v9;
	v9 =	vld [tilespmem:s17+$0x4000];
	[smem:$0x7E1] =	sst s5  }
0x274: {  	[tilespmem:s29+$0x120D0] =	vst v6;
	s17 =	sshll.u32 s25, $0x2;
	v10 =	vld [tilespmem:s19+$0x4000];
	s5 =	sshll.u32 s16, $0x2;
	s19 =	sld [smem:$0x7D9]  }
0x275: {  	s8 =	sand.u32 $0xFFFFFE00, s17;
	s11 =	sand.u32 $0xFFFFFE00, s5;
	[tilespmem:s10+$0x12000] =	vst v8;
	s10 =	sor.u32 $0x410, s22  }
0x276: {  	[tilespmem:s30+$0x11F6F] =	vst v5;
	s17 =	sadd.s32 s8, s24;
	s7 =	sadd.s32 s11, s14;
	v6 =	vld [tilespmem:s10+$0x4000];
	s10 =	rddreg [dreg:$0x1e]  }
0x277: {  	v11 =	vld [tilespmem:s6+$0x4000];
	[tilespmem:s30+$0x12070] =	vst v7;
	s11 =	sshll.u32 s21, $0x2;
	s6 =	sshra.s32 s17, $0x2;
	s17 =	sld [smem:$0x7DB]  }
0x278: {  	p2 =	slt.u32 s3, $0x3C;
	v12 =	vld [tilespmem:s19+$0x4000];
	s19 =	sand.u32 $0xFFFFFE00, s11;
	s11 =	sld [smem:$0x7DA]  }
0x279: {  	s7 =	sshra.s32 s7, $0x2;
	[tilespmem:s29+$0x11EDE] =	vst v4;
	s8 =	sadd.s32 s19, s1;
	s19 =	sld [smem:$0x7DC]  }
.Ltmp8:
0x27a: {  	v4 =	vld [tilespmem:s10+$0x4000];
	s10 =	sld [smem:$0x7DD];
	[tilespmem:s7+$0x12000] =	vst v10;
	(pc) =	sbr.rel @p2 .LBB2_10-.Ltmp8, $4  }
0x27b: {  	[tilespmem:s29+$0x11FDF] =	vst v9;
	v5 =	vld [tilespmem:s11+$0x4000];
	s11 =	sld [smem:$0x7DE]  }
0x27c: {  	s12 =	sadd.s32 $0x2, s12;
	[tilespmem:s6+$0x12000] =	vst v11  }
0x27d: {  	p1 =	por !p1, !p1;
	s0 =	rddreg [dreg:$0x3];
	s8 =	sshra.s32 s8, $0x2;
	v8 =	vld [tilespmem:s2+$0x4000]  }
0x27e: {  	s7 =	smov.u32 s17;
	v7 =	vld [tilespmem:s19+$0x4000];
	s19 =	smov.u32 s10;
	[tilespmem:s8+$0x12000] =	vst v12;
	s17 =	smov.u32 s11  }
0x27f: {  	_ =	sdelay $0x2  }
0x280: {  	s0 =	rddreg [dreg:$0x1b];
	[tilespmem:s30+$0x12191] =	vst v6  }
0x281: {  	s3 =	sor.u32 $0x420, s22;
	v9 =	vld [tilespmem:s0+$0x4000];
	[tilespmem:s30+$0x11E8E] =	vst v7  }
0x282: {  	v6 =	vld [tilespmem:s3+$0x4000];
	s4 =	rddreg [dreg:$0x16]  }
0x283: {  	[tilespmem:s30+$0x11F8F] =	vst v8;
	v7 =	vld [tilespmem:s4+$0x4000]  }
0x284: {  	v8 =	vld [tilespmem:s9+$0x4000];
	_ =	sdelay $0x1  }
0x285: {  	[tilespmem:s30+$0x12090] =	vst v9  }
0x286: {  	s5 =	rddreg [dreg:$0x17];
	[tilespmem:s30+$0x121A1] =	vst v6  }
0x287: {  	v9 =	vld [tilespmem:s5+$0x4000];
	[tilespmem:s30+$0x11E9E] =	vst v7  }
0x288: {  	s8 =	rddreg [dreg:$0x8];
	[tilespmem:s30+$0x11F9F] =	vst v8  }
0x289: {  	s6 =	sor.u32 $0x430, s22;
	s9 =	sld [smem:$0x7E0]  }
0x28a: {  	v6 =	vld [tilespmem:s6+$0x4000]  }
0x28b: {  	v7 =	vld [tilespmem:s8+$0x4000]  }
0x28c: {  	[tilespmem:s30+$0x120A0] =	vst v9;
	v8 =	vld [tilespmem:s9+$0x4000]  }
0x28d: {  	s10 =	rddreg [dreg:$0xe]  }
0x28e: {  	v9 =	vld [tilespmem:s10+$0x4000]  }
0x28f: {  	[tilespmem:s30+$0x121B1] =	vst v6  }
0x290: {  	s11 =	sor.u32 $0x440, s22;
	[tilespmem:s30+$0x11EAE] =	vst v7  }
0x291: {  	v6 =	vld [tilespmem:s11+$0x4000];
	s12 =	rddreg [dreg:$0x4];
	[tilespmem:s30+$0x11FAF] =	vst v8  }
0x292: {  	v7 =	vld [tilespmem:s12+$0x4000];
	s14 =	rddreg [dreg:$0x1c]  }
0x293: {  	[tilespmem:s30+$0x120B0] =	vst v9;
	v8 =	vld [tilespmem:s14+$0x4000]  }
0x294: {  	s16 =	rddreg [dreg:$0xb]  }
0x295: {  	v9 =	vld [tilespmem:s16+$0x4000]  }
0x296: {  	s20 =	sor.u32 $0x450, s22;
	[tilespmem:s30+$0x121C1] =	vst v6  }
0x297: {  	v6 =	vld [tilespmem:s20+$0x4000];
	[tilespmem:s30+$0x11EBE] =	vst v7  }
0x298: {  	[tilespmem:s30+$0x11FBF] =	vst v8  }
0x299: {  	v7 =	vld [tilespmem:s31+$0x4000];
	s21 =	rddreg [dreg:$0x18]  }
0x29a: {  	[tilespmem:s30+$0x120C0] =	vst v9;
	v8 =	vld [tilespmem:s21+$0x4000]  }
0x29b: {  	v9 =	vld [tilespmem:s18+$0x4000]  }
0x29c: {  	[tilespmem:s30+$0x121D1] =	vst v6  }
0x29d: {  	s23 =	sor.u32 $0x460, s22;
	[tilespmem:s29+$0x120E0] =	vst v4  }
0x29e: {  	v6 =	vld [tilespmem:s23+$0x4000];
	[tilespmem:s30+$0x11ECE] =	vst v7  }
0x29f: {  	v7 =	vld [tilespmem:s19+$0x4000];
	[tilespmem:s30+$0x11FCF] =	vst v8  }
0x2a0: {  	[tilespmem:s30+$0x120D0] =	vst v9;
	v8 =	vld [tilespmem:s13+$0x4000]  }
0x2a1: {  	[tilespmem:s29+$0x11EEE] =	vst v5;
	v4 =	vld [tilespmem:s7+$0x4000]  }
0x2a2: {  	s24 =	rddreg [dreg:$0x14]  }
0x2a3: {  	s25 =	rddreg [dreg:$0x7];
	[tilespmem:s30+$0x121E1] =	vst v6  }
0x2a4: {  	v5 =	vld [tilespmem:s24+$0x4000];
	[tilespmem:s30+$0x11EDE] =	vst v7  }
0x2a5: {  	[tilespmem:s30+$0x11FDF] =	vst v8  }
0x2a6: {  	[tilespmem:s30+$0x120E0] =	vst v4  }
0x2a7: {  	s26 =	sor.u32 $0x470, s22;
	v9 =	vld [tilespmem:s25+$0x4000];
	s28 =	sld [smem:$0x7E1]  }
0x2a8: {  	v6 =	vld [tilespmem:s26+$0x4000]  }
0x2a9: {  	[tilespmem:s29+$0x11FEF] =	vst v5;
	v5 =	vld [tilespmem:s15+$0x4000]  }
0x2aa: {  	v4 =	vld [tilespmem:s28+$0x4000]  }
0x2ab: {  	s4 =	simm.s32 $0x3;
	v7 =	vld [tilespmem:s17+$0x4000]  }
0x2ac: {  	s6 =	simm.s32 $0x1;
	v8 =	vadd.s32 s4, v0;
	[tilespmem:s29+$0x120F0] =	vst v9  }
0x2ad: {  	s11 =	simm.s32 $0x0;
	[tilespmem:s30+$0x121F1] =	vst v6;
	v6 =	vadd.s32 s6, v0  }
0x2ae: {  	s12 =	simm.s32 $0x2;
	[tilespmem:s30+$0x120F0] =	vst v5;
	v5 =	vadd.s32 s11, v0  }
0x2af: {  	[tilespmem:s30+$0x11FEF] =	vst v4;
	v4 =	vadd.s32 s12, v0  }
0x2b0: {  	s2 =	simm.s32 $0x5;
	s20 =	simm.s32 $0x12000;
	[tilespmem:s30+$0x11EEE] =	vst v7  }
0x2b1: {  	v10 =	vadd.s32 s2, v0;
	v7 =	vld.idx.msk [tilespmem:v8+s20+$0x0], $0xffff  }
0x2b2: {  	v6 =	vld.idx.msk [tilespmem:v6+s20+$0x0], $0xffff;
	v8 =	vadd.s32 s4, v1  }
0x2b3: {  	v9 =	vadd.s32 s6, v1;
	v5 =	vld.idx.msk [tilespmem:v5+s20+$0x0], $0xffff  }
0x2b4: {  	v12 =	vadd.s32 s11, v1;
	v4 =	vld.idx.msk [tilespmem:v4+s20+$0x0], $0xffff  }
0x2b5: {  	s0 =	simm.s32 $0x6;
	s5 =	simm.s32 $0xC080;
	v11 =	vadd.s32 s12, v1  }
0x2b6: {  	s3 =	simm.s32 $0x4;
	v10 =	vld.idx.msk [tilespmem:v10+s20+$0x0], $0xffff;
	[tilespmem:s5+$0x40] =	vst v7;
	v7 =	vadd.s32 s0, v0  }
0x2b7: {  	v15 =	vadd.s32 s3, v0;
	[tilespmem:s5+$0xFFFFFFC0] =	vst v6;
	v6 =	vld.idx.msk [tilespmem:v8+s20+$0x0], $0xffff  }
0x2b8: {  	v8 =	vld.idx.msk [tilespmem:v9+s20+$0x0], $0xffff;
	v9 =	vadd.s32 s4, v2;
	[tilespmem:s5+$0xFFFFFF80] =	vst v5  }
0x2b9: {  	s8 =	simm.s32 $0x7;
	v12 =	vld.idx.msk [tilespmem:v12+s20+$0x0], $0xffff;
	[tilespmem:s5+$0x0] =	vst v4;
	v4 =	vadd.s32 s6, v2  }
0x2ba: {  	s9 =	simm.s32 $0xC0;
	v5 =	vld.idx.msk [tilespmem:v11+s20+$0x0], $0xffff;
	v11 =	vadd.s32 s8, v0  }
0x2bb: {  	s10 =	simm.s32 $0x40;
	s1 =	sor.u32 $0x50, s9;
	v14 =	vld.idx.msk [tilespmem:v7+s20+$0x0], $0xffff;
	v7 =	vadd.s32 s11, v2  }
0x2bc: {  	v13 =	vadd.s32 s12, v2;
	s29 =	sor.u32 $0x50, s10;
	v18 =	vld.idx.msk [tilespmem:v15+s20+$0x0], $0xffff;
	[tilespmem:s1+$0xC000] =	vst v6;
	s1 =	simm.s32 $0x9  }
0x2bd: {  	[tilespmem:s29+$0xC000] =	vst v8;
	v8 =	vld.idx.msk [tilespmem:v9+s20+$0x0], $0xffff;
	v9 =	vadd.s32 s1, v0  }
0x2be: {  	v19 =	vadd.s32 s0, v1;
	[tilespmem:s5+$0xFFFFFF90] =	vst v12;
	v16 =	vld.idx.msk [tilespmem:v4+s20+$0x0], $0xffff  }
0x2bf: {  	[tilespmem:s5+$0x10] =	vst v5;
	v5 =	vld.idx.msk [tilespmem:v11+s20+$0x0], $0xffff;
	v11 =	vadd.s32 s4, v3  }
0x2c0: {  	v12 =	vadd.s32 s6, v3;
	v6 =	vld.idx.msk [tilespmem:v7+s20+$0x0], $0xffff;
	s4 =	simm.s32 $0xC180  }
0x2c1: {  	v17 =	vld.idx.msk [tilespmem:v13+s20+$0x0], $0xffff;
	v13 =	vadd.s32 s8, v1;
	[tilespmem:s4+$0xFFFFFFC0] =	vst v10  }
0x2c2: {  	s30 =	sor.u32 $0x60, s9;
	v7 =	vadd.s32 s2, v1;
	[tilespmem:s4+$0x0] =	vst v14;
	v4 =	vld.idx.msk [tilespmem:v9+s20+$0x0], $0xffff  }
0x2c3: {  	v20 =	vadd.s32 s3, v1;
	s31 =	sor.u32 $0x60, s10;
	[tilespmem:s30+$0xC000] =	vst v8;
	v10 =	vld.idx.msk [tilespmem:v19+s20+$0x0], $0xffff  }
0x2c4: {  	s7 =	simm.s32 $0xA;
	v15 =	vadd.s32 s12, v3;
	[tilespmem:s31+$0xC000] =	vst v16;
	v11 =	vld.idx.msk [tilespmem:v11+s20+$0x0], $0xffff  }
0x2c5: {  	v9 =	vadd.s32 s7, v0;
	[tilespmem:s4+$0x40] =	vst v5;
	v5 =	vld.idx.msk [tilespmem:v12+s20+$0x0], $0xffff  }
0x2c6: {  	v8 =	vld.idx.msk [tilespmem:v13+s20+$0x0], $0xffff;
	v13 =	vadd.s32 s11, v3  }
0x2c7: {  	s13 =	sor.u32 $0x70, s9;
	s10 =	sor.u32 $0x70, s10;
	[tilespmem:s4+$0xFFFFFF80] =	vst v18;
	v14 =	vadd.s32 s8, v2;
	v7 =	vld.idx.msk [tilespmem:v7+s20+$0x0], $0xffff  }
0x2c8: {  	s12 =	simm.s32 $0xC;
	s6 =	simm.s32 $0x8;
	v16 =	vadd.s32 s2, v2;
	v12 =	vld.idx.msk [tilespmem:v20+s20+$0x0], $0xffff;
	s11 =	simm.s32 $0xB;
	[tilespmem:s5+$0x20] =	vst v17  }
.LBB2_12:
0x2c9: {  	p1 =	slt.u32 s12, $0xFC;
	v17 =	vadd.s32 s11, v0;
	v15 =	vld.idx.msk [tilespmem:v15+s20+$0x0], $0xffff;
	[tilespmem:s13+$0xC000] =	vst v11;
	s9 =	sadd.s32 $0x100, s9  }
0x2ca: {  	v18 =	vld.idx.msk [tilespmem:v9+s20+$0x0], $0xffff;
	s13 =	sadd.s32 $0xFFFFFF80, s9;
	v9 =	vadd.s32 s0, v2;
	s14 =	sor.u32 $0x50, s9;
	[tilespmem:s5+$0xFFFFFFA0] =	vst v6  }
0x2cb: {  	v6 =	vadd.s32 s3, v2;
	s15 =	sor.u32 $0x50, s13;
	s16 =	sor.u32 $0x60, s13;
	s13 =	sor.u32 $0x70, s13;
	[tilespmem:s14+$0xC000] =	vst v8;
	v8 =	vld.idx.msk [tilespmem:v13+s20+$0x0], $0xffff  }
0x2cc: {  	v11 =	vadd.s32 s6, v0;
	s14 =	sadd.s32 $0x1, s12;
	[tilespmem:s15+$0xC000] =	vst v7;
	v7 =	vld.idx.msk [tilespmem:v14+s20+$0x0], $0xffff  }
0x2cd: {  	v13 =	vadd.s32 s14, v0;
	v14 =	vld.idx.msk [tilespmem:v16+s20+$0x0], $0xffff;
	[tilespmem:s4+$0x10] =	vst v10  }
0x2ce: {  	v10 =	vld.idx.msk [tilespmem:v17+s20+$0x0], $0xffff;
	[tilespmem:s4+$0xFFFFFF90] =	vst v12;
	v12 =	vadd.s32 s8, v3;
	s8 =	smov.u32 s11  }
0x2cf: {  	v16 =	vadd.s32 s2, v3;
	s2 =	smov.u32 s1;
	s1 =	smov.u32 s14;
	v17 =	vld.idx.msk [tilespmem:v9+s20+$0x0], $0xffff;
	[tilespmem:s10+$0xC000] =	vst v5;
	s10 =	smov.u32 s13  }
0x2d0: {  	v19 =	vadd.s32 s8, v1;
	v6 =	vld.idx.msk [tilespmem:v6+s20+$0x0], $0xffff;
	[tilespmem:s5+$0x30] =	vst v15  }
0x2d1: {  	v21 =	vadd.s32 s2, v1;
	s11 =	sor.u32 $0x60, s9;
	v20 =	vld.idx.msk [tilespmem:v11+s20+$0x0], $0xffff;
	[tilespmem:s5+$0xFFFFFFB0] =	vst v8;
	s5 =	smov.u32 s4  }
0x2d2: {  	v23 =	vadd.s32 s7, v1;
	v22 =	vld.idx.msk [tilespmem:v13+s20+$0x0], $0xffff;
	[tilespmem:s11+$0xC000] =	vst v7  }
0x2d3: {  	v24 =	vadd.s32 s6, v1;
	s4 =	sadd.s32 $0x100, s4;
	[tilespmem:s16+$0xC000] =	vst v14;
	v11 =	vld.idx.msk [tilespmem:v12+s20+$0x0], $0xffff  }
.Ltmp9:
0x2d4: {  	v15 =	vadd.s32 s0, v3;
	s0 =	smov.u32 s7;
	s7 =	sadd.s32 $0x2, s12;
	[tilespmem:s4+$0x40] =	vst v10;
	v5 =	vld.idx.msk [tilespmem:v16+s20+$0x0], $0xffff;
	(pc) =	sbr.rel @p1 .LBB2_12-.Ltmp9, $4  }
0x2d5: {  	v9 =	vadd.s32 s7, v0;
	[tilespmem:s4+$0xFFFFFFC0] =	vst v4;
	v8 =	vld.idx.msk [tilespmem:v19+s20+$0x0], $0xffff  }
0x2d6: {  	v13 =	vadd.s32 s3, v3;
	s3 =	smov.u32 s6;
	s6 =	smov.u32 s12;
	v7 =	vld.idx.msk [tilespmem:v21+s20+$0x0], $0xffff;
	[tilespmem:s4+$0x0] =	vst v18  }
0x2d7: {  	v14 =	vadd.s32 s8, v2;
	[tilespmem:s4+$0xFFFFFF80] =	vst v20;
	v10 =	vld.idx.msk [tilespmem:v23+s20+$0x0], $0xffff  }
0x2d8: {  	s13 =	sor.u32 $0x70, s9;
	s12 =	sadd.s32 $0x4, s12;
	s11 =	sadd.s32 $0x3, s6;
	v16 =	vadd.s32 s2, v2;
	v4 =	vmov v22;
	v12 =	vld.idx.msk [tilespmem:v24+s20+$0x0], $0xffff;
	[tilespmem:s5+$0x20] =	vst v17  }
0x2d9: {  	_ = 	snop  }
0x2da: {  	[tilespmem:s13+$0xC000] =	vst v11  }
0x2db: {  	[tilespmem:s5+$0xFFFFFFA0] =	vst v6  }
0x2dc: {  	s12 =	sadd.s32 $0x100, s9;
	v32 =	vadd.s32 s11, v0;
	[tilespmem:s10+$0xC000] =	vst v5;
	s16 =	sadd.s32 $0x100, s4  }
0x2dd: {  	v33 =	vld.idx.msk [tilespmem:v15+s20+$0x0], $0xffff;
	s9 =	sadd.s32 $0xFFFFFF80, s12;
	s31 =	sor.u32 $0x50, s12;
	[tilespmem:s16+$0xFFFFFFC0] =	vst v4  }
0x2de: {  	v35 =	vadd.s32 s6, v0;
	v40 =	vld.idx.msk [tilespmem:v9+s20+$0x0], $0xffff;
	s14 =	sor.u32 $0x50, s9;
	[tilespmem:s31+$0xC000] =	vst v8  }
0x2df: {  	v37 =	vadd.s32 s0, v2;
	v34 =	vld.idx.msk [tilespmem:v13+s20+$0x0], $0xffff;
	[tilespmem:s14+$0xC000] =	vst v7  }
0x2e0: {  	v42 =	vadd.s32 s7, v1;
	v36 =	vld.idx.msk [tilespmem:v14+s20+$0x0], $0xffff;
	[tilespmem:s4+$0x10] =	vst v10  }
0x2e1: {  	v44 =	vadd.s32 s3, v2;
	[tilespmem:s4+$0xFFFFFF90] =	vst v12;
	v11 =	vld.idx.msk [tilespmem:v32+s20+$0x0], $0xffff  }
0x2e2: {  	v5 =	vadd.s32 s11, v1;
	v38 =	vld.idx.msk [tilespmem:v16+s20+$0x0], $0xffff;
	[tilespmem:s5+$0x30] =	vst v33  }
0x2e3: {  	v41 =	vadd.s32 s1, v1;
	v7 =	vld.idx.msk [tilespmem:v35+s20+$0x0], $0xffff;
	[tilespmem:s16+$0x0] =	vst v40  }
0x2e4: {  	v43 =	vadd.s32 s6, v1;
	s14 =	sor.u32 $0x60, s12;
	v10 =	vld.idx.msk [tilespmem:v37+s20+$0x0], $0xffff;
	[tilespmem:s5+$0xFFFFFFB0] =	vst v34  }
0x2e5: {  	v39 =	vadd.s32 s8, v3;
	v47 =	vld.idx.msk [tilespmem:v42+s20+$0x0], $0xffff;
	[tilespmem:s14+$0xC000] =	vst v36  }
0x2e6: {  	v50 =	vadd.s32 s7, v2;
	s15 =	sor.u32 $0x60, s9;
	v51 =	vld.idx.msk [tilespmem:v44+s20+$0x0], $0xffff;
	[tilespmem:s16+$0x40] =	vst v11  }
0x2e7: {  	v45 =	vadd.s32 s2, v3;
	[tilespmem:s15+$0xC000] =	vst v38;
	v4 =	vld.idx.msk [tilespmem:v5+s20+$0x0], $0xffff  }
0x2e8: {  	v46 =	vadd.s32 s11, v2;
	[tilespmem:s16+$0xFFFFFF80] =	vst v7;
	v5 =	vld.idx.msk [tilespmem:v41+s20+$0x0], $0xffff  }
0x2e9: {  	v48 =	vadd.s32 s1, v2;
	[tilespmem:s4+$0x20] =	vst v10;
	v49 =	vld.idx.msk [tilespmem:v43+s20+$0x0], $0xffff  }
0x2ea: {  	v52 =	vadd.s32 s6, v2;
	s18 =	sadd.s32 $0x100, s12;
	v12 =	vld.idx.msk [tilespmem:v39+s20+$0x0], $0xffff;
	[tilespmem:s16+$0x10] =	vst v47  }
0x2eb: {  	v53 =	vadd.s32 s0, v3;
	s19 =	sadd.s32 $0xFFFFFF80, s18;
	s21 =	sor.u32 $0x50, s18;
	[tilespmem:s4+$0xFFFFFFA0] =	vst v51;
	v57 =	vld.idx.msk [tilespmem:v50+s20+$0x0], $0xffff  }
0x2ec: {  	v59 =	vadd.s32 s7, v3;
	s22 =	sor.u32 $0x50, s19;
	v11 =	vld.idx.msk [tilespmem:v45+s20+$0x0], $0xffff;
	[tilespmem:s21+$0xC000] =	vst v4  }
0x2ed: {  	v4 =	vadd.s32 s3, v3;
	[tilespmem:s22+$0xC000] =	vst v5;
	v5 =	vld.idx.msk [tilespmem:v46+s20+$0x0], $0xffff  }
0x2ee: {  	v55 =	vadd.s32 s11, v3;
	s17 =	sor.u32 $0x70, s12;
	[tilespmem:s16+$0xFFFFFF90] =	vst v49;
	v54 =	vld.idx.msk [tilespmem:v48+s20+$0x0], $0xffff  }
0x2ef: {  	v56 =	vadd.s32 s1, v3;
	[tilespmem:s17+$0xC000] =	vst v12;
	v58 =	vld.idx.msk [tilespmem:v52+s20+$0x0], $0xffff  }
0x2f0: {  	v61 =	vadd.s32 s6, v3;
	s23 =	sor.u32 $0x70, s9;
	v60 =	vld.idx.msk [tilespmem:v53+s20+$0x0], $0xffff;
	[tilespmem:s16+$0x20] =	vst v57  }
0x2f1: {  	s24 =	sor.u32 $0x60, s18;
	[tilespmem:s23+$0xC000] =	vst v11;
	v62 =	vld.idx.msk [tilespmem:v59+s20+$0x0], $0xffff  }
0x2f2: {  	s25 =	sor.u32 $0x60, s19;
	v4 =	vld.idx.msk [tilespmem:v4+s20+$0x0], $0xffff;
	[tilespmem:s24+$0xC000] =	vst v5  }
0x2f3: {  	[tilespmem:s25+$0xC000] =	vst v54;
	v5 =	vld.idx.msk [tilespmem:v55+s20+$0x0], $0xffff  }
0x2f4: {  	[tilespmem:s16+$0xFFFFFFA0] =	vst v58;
	v6 =	vld.idx.msk [tilespmem:v56+s20+$0x0], $0xffff  }
0x2f5: {  	[tilespmem:s4+$0x30] =	vst v60;
	v63 =	vld.idx.msk [tilespmem:v61+s20+$0x0], $0xffff  }
0x2f6: {  	[tilespmem:s16+$0x30] =	vst v62  }
0x2f7: {  	s26 =	sor.u32 $0x70, s18;
	[tilespmem:s4+$0xFFFFFFB0] =	vst v4  }
0x2f8: {  	s28 =	sor.u32 $0x70, s19;
	[tilespmem:s26+$0xC000] =	vst v5  }
0x2f9: {  	[tilespmem:s28+$0xC000] =	vst v6  }
0x2fa: {  	s0 =	sld [smem:$0x7DF];
	[tilespmem:s16+$0xFFFFFFB0] =	vst v63  }
0x2fb: {  	s1 =	sld [smem:$0x7F9];
	_ =	sdelay $0x1  }
0x2fc: {  	s29 =	simm.s32 $0x0;
	s31 =	sld [smem:$0x7F5];
	s0 =	sshll.u32 s0, $0x10  }
0x2fd: {  	s30 =	simm.s32 $0xC000;
	s19 =	sld [smem:$0x7FD];
	s0 =	sadd.s32 s0, s1  }
0x2fe: {  	[hbm4b:s0+s29] =	stream.linear.scatter [tilespmem:s30], [sflag:$0x4], $0x4000, $0x38;
	[tilespmem:$0x16080] =	vst v63  }
.Ltmp10:
0x2ff: {  	s1 =	sld [smem:$0x7F7];
	s0 =	sadd.s32 $0x3, s31;
	(pc) =	sbr.rel .LBB2_14-.Ltmp10, $4  }
0x300: {  	p1 =	sge.u32 s0, s19  }
0x301: {  	s5 =	sld [smem:$0x7F4];
	s0 =	sshll.u32 @!p1 s0, $0xD;
	s2 =	simm.s32 @!p1 $0x7A1400  }
0x302: {  	s3 =	simm.s32 @!p1 $0x4000;
	s0 =	sadd.s32 @!p1 s0, s1;
	s1 =	simm.s32 @!p1 $0x800  }
0x303: {  	[tilespmem:s3], [sflag:$0x2] =	stream.strided.gather @!p1 [hbm4b:s0+s1], $0x4000, s2, s1, $0x38;
	[tilespmem:$0x16080] =	vst v63  }
.LBB2_15:
0x304: {  	s0 =	simm.s32 $0x3  }
0x305: {  	_ =	swait.ge [sflag:s0], $0x4000  }
.Ltmp11:
0x306: {  	[sflag:s0] =	ssyncset.done $0x0;
	(pc) =	sbr.rel @p0 .LBB2_27-.Ltmp11, $4  }
0x307: {  	s31 =	simm.s32 $0x4;
	[sflag:s0] =	ssyncadd.s32 $0xFFFFC000  }
0x308: {  	_ =	swait.ge [sflag:s31], $0x4000  }
0x309: {  	[sflag:s31] =	ssyncset.done $0x0  }
0x30a: {  	s1 =	sld [smem:$0x7F6];
	[sflag:s31] =	ssyncadd.s32 $0xFFFFC000  }
0x30b: {  	s0 =	sld [smem:$0x7FA]  }
0x30c: {  	s1 =	simm.s32 $0x7A1400  }
0x30d: {  	s2 =	simm.s32 $0x400;
	s3 =	simm.s32 $0x10000;
	s30 =	simm.s32 $0x5  }
0x30e: {  	[tilespmem:s3], [sflag:$0x5] =	stream.strided.gather [hbm4b:s0+s2], $0x2000, s1, s2, $0x38;
	[tilespmem:$0x16080] =	vst v63  }
0x30f: {  	_ =	swait.ge [sflag:s30], $0x2000  }
0x310: {  	[sflag:s30] =	ssyncset.done $0x0  }
0x311: {  	s31 =	simm.s32 $0x10100;
	[sflag:s30] =	ssyncadd.s32 $0xFFFFE000  }
0x312: {  	v5 =	vld [tilespmem:s31+$0xFFFFFF80]  }
0x313: {  	v4 =	vld [tilespmem:s31+$0x80]  }
0x314: {  	v6 =	vld [tilespmem:s31+$0x0];
	_ =	sdelay $0x1  }
0x315: {  	s0 =	simm.s32 $0x12202  }
0x316: {  	v7 =	vld [tilespmem:s31+$0xFFFFFF00];
	[tilespmem:s0+$0xFFFFFEFF] =	vst v5  }
0x317: {  	[tilespmem:s0+$0x101] =	vst v4;
	v5 =	vld [tilespmem:s31+$0xFFFFFF90]  }
0x318: {  	[tilespmem:s0+$0x0] =	vst v6;
	v4 =	vld [tilespmem:s31+$0x90]  }
0x319: {  	v6 =	vld [tilespmem:s31+$0x10]  }
0x31a: {  	s1 =	simm.s32 $0x10300  }
0x31b: {  	v8 =	vld [tilespmem:s1+$0x80];
	[tilespmem:s0+$0xFFFFFDFE] =	vst v7  }
0x31c: {  	v7 =	vld [tilespmem:s31+$0xFFFFFF10];
	[tilespmem:s0+$0xFFFFFF0F] =	vst v5  }
0x31d: {  	[tilespmem:s0+$0x111] =	vst v4;
	v5 =	vld [tilespmem:s31+$0xFFFFFFA0]  }
0x31e: {  	[tilespmem:s0+$0x10] =	vst v6;
	v4 =	vld [tilespmem:s31+$0xA0]  }
0x31f: {  	s2 =	simm.s32 $0x12606;
	v6 =	vld [tilespmem:s31+$0x20]  }
0x320: {  	v9 =	vld [tilespmem:s1+$0xFFFFFF80];
	[tilespmem:s2+$0x101] =	vst v8  }
0x321: {  	v8 =	vld [tilespmem:s1+$0x90];
	[tilespmem:s0+$0xFFFFFE0E] =	vst v7  }
0x322: {  	[tilespmem:s0+$0xFFFFFF1F] =	vst v5;
	v5 =	vld [tilespmem:s1+$0x0]  }
0x323: {  	v7 =	vld [tilespmem:s1+$0xFFFFFF00];
	[tilespmem:s0+$0x121] =	vst v4  }
0x324: {  	[tilespmem:s0+$0x20] =	vst v6;
	v6 =	vld [tilespmem:s31+$0xFFFFFF20]  }
0x325: {  	[tilespmem:s2+$0xFFFFFEFF] =	vst v9;
	v4 =	vld [tilespmem:s31+$0xB0]  }
0x326: {  	v9 =	vld [tilespmem:s1+$0xFFFFFF90];
	[tilespmem:s2+$0x111] =	vst v8  }
0x327: {  	[tilespmem:s2+$0x0] =	vst v5;
	v5 =	vld [tilespmem:s31+$0xFFFFFFB0]  }
0x328: {  	[tilespmem:s2+$0xFFFFFDFE] =	vst v7;
	v10 =	vld [tilespmem:s1+$0x10]  }
0x329: {  	v11 =	vld [tilespmem:s1+$0xFFFFFF10];
	[tilespmem:s0+$0xFFFFFE1E] =	vst v6  }
0x32a: {  	[tilespmem:s0+$0x131] =	vst v4;
	v4 =	vld [tilespmem:s31+$0xFFFFFF30]  }
0x32b: {  	[tilespmem:s2+$0xFFFFFF0F] =	vst v9;
	v6 =	vld [tilespmem:s1+$0xA0]  }
0x32c: {  	v7 =	vld [tilespmem:s1+$0xFFFFFFA0];
	[tilespmem:s0+$0xFFFFFF2F] =	vst v5  }
0x32d: {  	v5 =	vld [tilespmem:s31+$0x30];
	[tilespmem:s2+$0x10] =	vst v10  }
0x32e: {  	s4 =	simm.s32 $0x10500;
	s3 =	simm.s32 $0x4;
	[tilespmem:s2+$0xFFFFFE0E] =	vst v11;
	v8 =	vld [tilespmem:s1+$0x20]  }
.LBB2_17:
0x32f: {  	v9 =	vld [tilespmem:s4+$0x80];
	s3 =	sadd.s32 $0x4, s3;
	[tilespmem:s0+$0xFFFFFE2E] =	vst v4  }
0x330: {  	v4 =	vld [tilespmem:s4+$0xFFFFFF80];
	p1 =	slt.u32 s3, $0x3C;
	[tilespmem:s2+$0x121] =	vst v6  }
0x331: {  	[tilespmem:s2+$0xFFFFFF1F] =	vst v7;
	v6 =	vld [tilespmem:s1+$0xB0]  }
0x332: {  	v7 =	vld [tilespmem:s4+$0x0];
	[tilespmem:s0+$0x30] =	vst v5;
	s0 =	smov.u32 s2  }
0x333: {  	s2 =	sadd.s32 $0x404, s2;
	v5 =	vld [tilespmem:s4+$0xFFFFFF00];
	[tilespmem:s0+$0x20] =	vst v8  }
0x334: {  	[tilespmem:s2+$0x101] =	vst v9;
	v8 =	vld [tilespmem:s1+$0xFFFFFF20]  }
0x335: {  	[tilespmem:s2+$0xFFFFFEFF] =	vst v4;
	v4 =	vld [tilespmem:s4+$0x90]  }
0x336: {  	v9 =	vld [tilespmem:s4+$0xFFFFFF90];
	[tilespmem:s0+$0x131] =	vst v6  }
0x337: {  	[tilespmem:s2+$0x0] =	vst v7;
	v10 =	vld [tilespmem:s1+$0xFFFFFFB0]  }
0x338: {  	[tilespmem:s2+$0xFFFFFDFE] =	vst v5;
	v5 =	vld [tilespmem:s4+$0x10]  }
0x339: {  	v11 =	vld [tilespmem:s4+$0xFFFFFF10];
	[tilespmem:s0+$0xFFFFFE1E] =	vst v8  }
.Ltmp12:
0x33a: {  	[tilespmem:s2+$0x111] =	vst v4;
	v4 =	vld [tilespmem:s1+$0xFFFFFF30];
	(pc) =	sbr.rel @p1 .LBB2_17-.Ltmp12, $4  }
0x33b: {  	[tilespmem:s2+$0xFFFFFF0F] =	vst v9;
	v6 =	vld [tilespmem:s4+$0xA0]  }
0x33c: {  	v7 =	vld [tilespmem:s4+$0xFFFFFFA0];
	[tilespmem:s0+$0xFFFFFF2F] =	vst v10  }
0x33d: {  	[tilespmem:s2+$0x10] =	vst v5;
	v5 =	vld [tilespmem:s1+$0x30];
	s1 =	smov.u32 s4  }
0x33e: {  	s4 =	sadd.s32 $0x200, s4;
	[tilespmem:s2+$0xFFFFFE0E] =	vst v11;
	v8 =	vld [tilespmem:s1+$0x20]  }
0x33f: {  	v9 =	vld [tilespmem:s1+$0xFFFFFF20]  }
0x340: {  	[tilespmem:s0+$0xFFFFFE2E] =	vst v4  }
0x341: {  	[tilespmem:s2+$0x121] =	vst v6  }
0x342: {  	[tilespmem:s2+$0xFFFFFF1F] =	vst v7;
	v6 =	vld [tilespmem:s1+$0xB0]  }
0x343: {  	v7 =	vld [tilespmem:s1+$0xFFFFFFB0];
	[tilespmem:s2+$0x20] =	vst v8  }
0x344: {  	[tilespmem:s2+$0xFFFFFE1E] =	vst v9;
	v4 =	vld [tilespmem:s1+$0x30]  }
0x345: {  	s9 =	simm.s32 $0x1;
	v63 =	vld [tilespmem:s1+$0xFFFFFF30]  }
0x346: {  	p3 =	por $0x1, $0x1;
	[tilespmem:s0+$0x30] =	vst v5;
	v5 =	vadd.s32 s9, v0  }
.Ltmp13:
0x347: {  	[tilespmem:s2+$0x131] =	vst v6;
	(pc) =	sbr.rel @!p3 .LBB2_19-.Ltmp13, $4  }
0x348: {  	[tilespmem:s2+$0xFFFFFF2F] =	vst v7  }
0x349: {  	s5 =	simm.s32 $0x0;
	s7 =	simm.s32 $0x2;
	[tilespmem:s2+$0x30] =	vst v4  }
0x34a: {  	s17 =	simm.s32 $0x3;
	p1 =	por $0x0, $0x0;
	p2 =	por $0x0, $0x0;
	[tilespmem:s2+$0xFFFFFE2E] =	vst v63  }
0x34b: {  	s0 =	simm.s32 $0x8080;
	s1 =	simm.s32 $0xC0;
	s2 =	simm.s32 $0x4;
	v4 =	vld.idx.msk [tilespmem:v5+s20+$0x0], $0xffff;
	v5 =	vadd.s32 s7, v0  }
0x34c: {  	v6 =	vadd.s32 s17, v0;
	_ =	sdelay $0x1  }
0x34d: {  	v7 =	vadd.s32 s5, v0;
	_ =	sdelay $0x1  }
0x34e: {  	s4 =	simm.s32 $0x5;
	v10 =	vadd.s32 s9, v1  }
0x34f: {  	v8 =	vadd.s32 s4, v0;
	v6 =	vld.idx.msk [tilespmem:v6+s20+$0x0], $0xffff  }
0x350: {  	v9 =	vadd.s32 s17, v1;
	v5 =	vld.idx.msk [tilespmem:v5+s20+$0x0], $0xffff  }
0x351: {  	v12 =	vadd.s32 s7, v1;
	v11 =	vld.idx.msk [tilespmem:v7+s20+$0x0], $0xffff  }
0x352: {  	v13 =	vadd.s32 s5, v1;
	p3 =	por $0x1, $0x1;
	[tilespmem:s0+$0xFFFFFFC0] =	vst v4  }
.Ltmp14:
0x353: {  	v7 =	vld.idx.msk [tilespmem:v10+s20+$0x0], $0xffff;
	(pc) =	sbr.rel @!p3 .LBB2_21-.Ltmp14, $4  }
0x354: {  	v17 =	vld.idx.msk [tilespmem:v8+s20+$0x0], $0xffff;
	[tilespmem:s0+$0x40] =	vst v6  }
0x355: {  	[tilespmem:s0+$0x0] =	vst v5;
	v8 =	vld.idx.msk [tilespmem:v9+s20+$0x0], $0xffff  }
0x356: {  	s3 =	simm.s32 $0x6;
	[tilespmem:s0+$0xFFFFFF80] =	vst v11;
	v9 =	vld.idx.msk [tilespmem:v12+s20+$0x0], $0xffff  }
0x357: {  	s10 =	simm.s32 $0x7;
	s12 =	simm.s32 $0x8;
	p1 =	por $0x1, $0x1;
	v5 =	vadd.s32 s3, v0;
	v12 =	vadd.s32 s17, v2;
	v11 =	vld.idx.msk [tilespmem:v13+s20+$0x0], $0xffff;
	v13 =	vadd.s32 s9, v2  }
0x358: {  	_ =	sdelay $0x1  }
0x359: {  	v4 =	vadd.s32 s10, v0  }
0x35a: {  	s8 =	simm.s32 $0x40;
	v6 =	vadd.s32 s7, v2;
	s6 =	sor.u32 $0x50, s1  }
0x35b: {  	v5 =	vld.idx.msk [tilespmem:v5+s20+$0x0], $0xffff;
	v10 =	vadd.s32 s5, v2;
	s11 =	sor.u32 $0x50, s8;
	[tilespmem:s6+$0x8000] =	vst v8  }
0x35c: {  	s14 =	simm.s32 $0x9;
	v8 =	vadd.s32 s2, v0;
	[tilespmem:s11+$0x8000] =	vst v7;
	v7 =	vld.idx.msk [tilespmem:v12+s20+$0x0], $0xffff  }
0x35d: {  	v12 =	vadd.s32 s14, v0;
	v13 =	vld.idx.msk [tilespmem:v13+s20+$0x0], $0xffff  }
0x35e: {  	v14 =	vadd.s32 s17, v3;
	[tilespmem:s0+$0x10] =	vst v9;
	v9 =	vld.idx.msk [tilespmem:v4+s20+$0x0], $0xffff  }
0x35f: {  	v15 =	vadd.s32 s10, v1;
	[tilespmem:s0+$0xFFFFFF90] =	vst v11;
	v18 =	vld.idx.msk [tilespmem:v6+s20+$0x0], $0xffff  }
0x360: {  	v16 =	vadd.s32 s4, v1;
	s6 =	simm.s32 $0x8180;
	v6 =	vld.idx.msk [tilespmem:v10+s20+$0x0], $0xffff  }
0x361: {  	s30 =	sor.u32 $0x60, s1;
	[tilespmem:s6+$0xFFFFFFC0] =	vst v17;
	v11 =	vadd.s32 s9, v3;
	v19 =	vld.idx.msk [tilespmem:v8+s20+$0x0], $0xffff  }
0x362: {  	v4 =	vld.idx.msk [tilespmem:v12+s20+$0x0], $0xffff;
	v12 =	vadd.s32 s3, v1;
	[tilespmem:s30+$0x8000] =	vst v7  }
0x363: {  	v20 =	vadd.s32 s2, v1;
	p3 =	por $0x1, $0x1;
	v14 =	vld.idx.msk [tilespmem:v14+s20+$0x0], $0xffff;
	[tilespmem:s6+$0x40] =	vst v9  }
.Ltmp15:
0x364: {  	s16 =	simm.s32 $0xA;
	s31 =	sor.u32 $0x60, s8;
	[tilespmem:s6+$0x0] =	vst v5;
	v8 =	vld.idx.msk [tilespmem:v15+s20+$0x0], $0xffff;
	v15 =	vadd.s32 s7, v3;
	(pc) =	sbr.rel @!p3 .LBB2_23-.Ltmp15, $4  }
0x365: {  	v5 =	vadd.s32 s16, v0;
	[tilespmem:s31+$0x8000] =	vst v13;
	v7 =	vld.idx.msk [tilespmem:v16+s20+$0x0], $0xffff  }
0x366: {  	s18 =	sor.u32 $0x70, s1;
	v16 =	vadd.s32 s5, v3;
	v10 =	vld.idx.msk [tilespmem:v11+s20+$0x0], $0xffff  }
0x367: {  	p2 =	por $0x1, $0x1;
	s15 =	simm.s32 $0xC0;
	s13 =	sor.u32 $0x70, s8;
	[tilespmem:s6+$0xFFFFFF80] =	vst v19;
	v9 =	vld.idx.msk [tilespmem:v12+s20+$0x0], $0xffff;
	v12 =	vadd.s32 s10, v2  }
0x368: {  	s8 =	simm.s32 $0xB;
	s11 =	simm.s32 $0x8080;
	s5 =	simm.s32 $0xC;
	v13 =	vadd.s32 s4, v2;
	[tilespmem:s0+$0x20] =	vst v18;
	v11 =	vld.idx.msk [tilespmem:v20+s20+$0x0], $0xffff  }
.LBB2_24:
0x369: {  	p3 =	slt.u32 s5, $0x3C;
	v17 =	vadd.s32 s8, v0;
	v15 =	vld.idx.msk [tilespmem:v15+s20+$0x0], $0xffff;
	[tilespmem:s18+$0x8000] =	vst v14;
	s15 =	sadd.s32 $0x100, s15  }
0x36a: {  	v18 =	vld.idx.msk [tilespmem:v5+s20+$0x0], $0xffff;
	s7 =	sadd.s32 $0xFFFFFF80, s15;
	v5 =	vadd.s32 s3, v2;
	s9 =	sor.u32 $0x50, s15;
	[tilespmem:s11+$0xFFFFFFA0] =	vst v6  }
0x36b: {  	v6 =	vadd.s32 s2, v2;
	s17 =	sor.u32 $0x50, s7;
	s18 =	sor.u32 $0x60, s7;
	s7 =	sor.u32 $0x70, s7;
	[tilespmem:s9+$0x8000] =	vst v8;
	v8 =	vld.idx.msk [tilespmem:v16+s20+$0x0], $0xffff  }
0x36c: {  	v14 =	vadd.s32 s12, v0;
	s9 =	sadd.s32 $0x1, s5;
	[tilespmem:s17+$0x8000] =	vst v7;
	v7 =	vld.idx.msk [tilespmem:v12+s20+$0x0], $0xffff  }
0x36d: {  	v12 =	vadd.s32 s9, v0;
	v13 =	vld.idx.msk [tilespmem:v13+s20+$0x0], $0xffff;
	[tilespmem:s6+$0x10] =	vst v9  }
0x36e: {  	v9 =	vld.idx.msk [tilespmem:v17+s20+$0x0], $0xffff;
	[tilespmem:s6+$0xFFFFFF90] =	vst v11;
	v11 =	vadd.s32 s10, v3;
	s10 =	smov.u32 s8  }
0x36f: {  	v16 =	vadd.s32 s4, v3;
	s4 =	smov.u32 s14;
	s14 =	smov.u32 s9;
	v17 =	vld.idx.msk [tilespmem:v5+s20+$0x0], $0xffff;
	[tilespmem:s13+$0x8000] =	vst v10;
	s13 =	smov.u32 s7  }
0x370: {  	v19 =	vadd.s32 s10, v1;
	v6 =	vld.idx.msk [tilespmem:v6+s20+$0x0], $0xffff;
	[tilespmem:s11+$0x30] =	vst v15  }
0x371: {  	v21 =	vadd.s32 s4, v1;
	s7 =	sor.u32 $0x60, s15;
	v20 =	vld.idx.msk [tilespmem:v14+s20+$0x0], $0xffff;
	[tilespmem:s11+$0xFFFFFFB0] =	vst v8;
	s11 =	smov.u32 s6  }
0x372: {  	v22 =	vld.idx.msk [tilespmem:v12+s20+$0x0], $0xffff;
	v12 =	vadd.s32 s16, v1;
	[tilespmem:s7+$0x8000] =	vst v7  }
0x373: {  	v23 =	vadd.s32 s12, v1;
	s6 =	sadd.s32 $0x100, s6;
	[tilespmem:s18+$0x8000] =	vst v13;
	v14 =	vld.idx.msk [tilespmem:v11+s20+$0x0], $0xffff  }
.Ltmp16:
0x374: {  	v15 =	vadd.s32 s3, v3;
	s3 =	smov.u32 s16;
	s16 =	sadd.s32 $0x2, s5;
	[tilespmem:s6+$0x40] =	vst v9;
	v10 =	vld.idx.msk [tilespmem:v16+s20+$0x0], $0xffff;
	(pc) =	sbr.rel @p3 .LBB2_24-.Ltmp16, $4  }
0x375: {  	v5 =	vadd.s32 s16, v0;
	[tilespmem:s6+$0xFFFFFFC0] =	vst v4;
	v8 =	vld.idx.msk [tilespmem:v19+s20+$0x0], $0xffff  }
0x376: {  	v16 =	vadd.s32 s2, v3;
	s2 =	smov.u32 s12;
	s12 =	smov.u32 s5;
	v7 =	vld.idx.msk [tilespmem:v21+s20+$0x0], $0xffff;
	[tilespmem:s6+$0x0] =	vst v18  }
0x377: {  	[tilespmem:s6+$0xFFFFFF80] =	vst v20;
	v9 =	vld.idx.msk [tilespmem:v12+s20+$0x0], $0xffff;
	v12 =	vadd.s32 s10, v2  }
0x378: {  	v13 =	vadd.s32 s4, v2;
	s18 =	sor.u32 $0x70, s15;
	s5 =	sadd.s32 $0x4, s5;
	s8 =	sadd.s32 $0x3, s12;
	v4 =	vmov v22;
	v11 =	vld.idx.msk [tilespmem:v23+s20+$0x0], $0xffff;
	[tilespmem:s11+$0x20] =	vst v17  }
.Ltmp17:
0x379: {  	(pc) =	sbr.rel .LBB2_26-.Ltmp17, $3  }
0x37a: {  	_ =	sdelay $0x1  }
0x37b: {  	s5 =	smov.u32 s12  }
0x37c: {  	s17 =	smov.u32 s10;
	s9 =	smov.u32 s14;
	s7 =	smov.u32 s16  }
.LBB2_21:
.Ltmp18:
0x37d: {  	(pc) =	sbr.rel .LBB2_26-.Ltmp18, $4  }
0x37e: {  	_ = 	snop  }
0x37f: {  	s8 =	simm.s32 $0x7;
	s15 =	simm.s32 $0xC0;
	s3 =	simm.s32 $0x2  }
0x380: {  	s2 =	simm.s32 $0x0;
	s5 =	simm.s32 $0x4;
	s6 =	simm.s32 $0x8080  }
0x381: {  	s4 =	simm.s32 $0x1;
	s9 =	simm.s32 $0x5;
	s7 =	simm.s32 $0x6;
	v4 =	vmov v17  }
.LBB2_23:
.Ltmp19:
0x382: {  	(pc) =	sbr.rel .LBB2_26-.Ltmp19, $3  }
0x383: {  	_ =	sdelay $0x1  }
0x384: {  	s15 =	simm.s32 $0xC0;
	s11 =	simm.s32 $0x8080;
	s5 =	simm.s32 $0x8  }
0x385: {  	s17 =	simm.s32 $0x7;
	s9 =	simm.s32 $0x9;
	s7 =	simm.s32 $0xA  }
.LBB2_28:
0x386: {  	_ =	sfence.sel $0x180000  }
0x387: {  	[bflag:$0x0] =	sbarrier.arrive $0xFFFF  }
0x388: {  	_ =	strace $0x90000047  }
0x389: {  	s0 =	stileid.u32;
	[bflag:$0x2] =	sbarrier.arrive $0xFFFF  }
0x38a: {  	p0 =	sne.s32 s0, $0x0;
	s0 =	rddreg [dreg:$0x2]  }
0x38b: {  	s0 =	sadd.s32 @!p0 $0x100000, s0  }
0x38c: {  	[sflag:s0] =	ssyncadd.tile.s32 @!p0 $0x1;
	_ =	shalt  }
.Lfunc_end2:
_tile_overlayer_lowered:
.L_overlay_start_2:
0x38d: {  	(tag) =	ssettag $0x2  }
0x38e: {  	s0 =	rddreg [dreg:$0x0];
	s2 =	stileid.u32  }
0x38f: {  	s1 =	rddreg [dreg:$0x1];
	p0 =	sne.s32 s2, $0x0  }
0x390: {  	s3 =	rddreg [dreg:$0x2];
	[bflag:$0x3] =	sbarrier.arrive $0xFFFF;
	s2 =	simm.s32 @!p0 $0x1C05  }
0x391: {  	[timem:s3], [sflag:s2] =	dma.local @!p0 [hbm:s0], s1  }
0x392: {  	s0 =	simm.s32 @!p0 $0x5  }
0x393: {  	_ =	swait.ge @!p0 [sflag:s0], s1  }
0x394: {  	s1 =	ssub.s32 @!p0 $0x0, s1;
	[sflag:s0] =	ssyncset.done @!p0 $0x0  }
0x395: {  	[sflag:s0] =	ssyncadd.s32 @!p0 s1  }
0x396: {  	[bflag:$0x3] =	sbarrier.arrive $0xFFFF  }
0x397: {  	_ =	shalt  }

</sc_bundles>
